<compile_context>
chip_gen: v7x
topology: tpu7x:2x2x1
jax: 0.10.2.dev20260603
libtpu: 0.0.44.dev20260713+nightly
codegen_flags: <defaults>
</compile_context>

<pallas_src>
import functools
import math

import jax
import jax.numpy as jnp
from jax import lax
from jax.experimental import pallas as pl
from jax.experimental.pallas import tpu as pltpu
from jax.experimental.pallas import tpu_sc as plsc

_ACT_SPARSITY = 0.65
_L = 16
_NW = 32
_UNROLL = 8

_TOP = 0x80000000


def _to_key(v):
    bits = lax.bitcast_convert_type(v, jnp.uint32)
    neg = (bits & jnp.uint32(_TOP)) != jnp.uint32(0)
    return jnp.where(neg, ~bits, bits | jnp.uint32(_TOP))


def _from_key(u):
    neg = (u & jnp.uint32(_TOP)) == jnp.uint32(0)
    bits = jnp.where(neg, ~u, u ^ jnp.uint32(_TOP))
    return lax.bitcast_convert_type(bits, jnp.float32)


def _suffix_scan(hist, kvec):
    zeros = jnp.zeros((_L,), jnp.int32)

    def body(i, carry):
        run, bstar, above, found = carry
        for t in range(_UNROLL):
            b = 255 - (i * _UNROLL + t)
            h = hist[pl.ds(b * _L, _L)]
            newrun = run + h
            sel = jnp.logical_and(newrun >= kvec, jnp.logical_not(found))
            bvec = jnp.full((_L,), b, jnp.int32)
            bstar = jnp.where(sel, bvec, bstar)
            above = jnp.where(sel, run, above)
            found = jnp.logical_or(found, sel)
            run = newrun
        return run, bstar, above, found

    init = (zeros, zeros, zeros, jnp.zeros((_L,), jnp.bool_))
    _, bstar, above, _ = lax.fori_loop(0, 256 // _UNROLL, body, init)
    return bstar, above


def _sc_body(x_hbm, o_hbm, buf, kbuf, hist, *, k, n_feat, groups_per_worker):
    nc = 2
    wid = lax.axis_index("s") * nc + lax.axis_index("c")
    lanes = lax.iota(jnp.int32, _L)
    base_idx = lanes * n_feat
    rot = lanes * 131
    ones = jnp.ones((_L,), jnp.int32)
    kvec0 = jnp.full((_L,), k, jnp.int32)

    def ridx(j):
        jr = j + rot
        jr = jnp.where(jr >= n_feat, jr - n_feat, jr)
        return base_idx + jr

    def zero_hist():
        def zbody(i, _):
            for t in range(_UNROLL):
                hist[pl.ds((i * _UNROLL + t) * _L, _L)] = (
                    jnp.zeros((_L,), jnp.int32))
            return 0
        lax.fori_loop(0, 256 // _UNROLL, zbody, 0)

    def group_body(g, _):
        base = (wid * groups_per_worker + g) * _L

        pltpu.sync_copy(x_hbm.at[pl.ds(base * n_feat, _L * n_feat)], buf)

        zero_hist()

        @plsc.parallel_loop(0, n_feat, unroll=_UNROLL)
        def _(j):
            idx = ridx(j)
            v = plsc.load_gather(buf, [idx])
            u = _to_key(v)
            plsc.store_scatter(kbuf, [idx],
                               lax.bitcast_convert_type(u, jnp.int32))
            b = (u >> jnp.uint32(24)).astype(jnp.int32)
            plsc.addupdate_scatter(hist, [b * _L + lanes], ones)

        bstar, above = _suffix_scan(hist, kvec0)
        kvec = kvec0 - above
        prefix = bstar.astype(jnp.uint32)

        for byte in (2, 1, 0):
            zero_hist()
            shift = jnp.uint32(8 * (byte + 1))
            bshift = jnp.uint32(8 * byte)

            @plsc.parallel_loop(0, n_feat, unroll=_UNROLL)
            def _(j, shift=shift, bshift=bshift, prefix=prefix):
                idx = ridx(j)
                u = lax.bitcast_convert_type(
                    plsc.load_gather(kbuf, [idx]), jnp.uint32)
                m = (u >> shift) == prefix
                b = ((u >> bshift) & jnp.uint32(0xFF)).astype(jnp.int32)
                plsc.addupdate_scatter(hist, [b * _L + lanes], ones, mask=m)

            bstar, above = _suffix_scan(hist, kvec)
            kvec = kvec - above
            prefix = (prefix << jnp.uint32(8)) | bstar.astype(jnp.uint32)

        thresh = prefix

        @plsc.parallel_loop(0, n_feat, unroll=_UNROLL)
        def _(j):
            idx = ridx(j)
            u = lax.bitcast_convert_type(
                plsc.load_gather(kbuf, [idx]), jnp.uint32)
            out = jnp.where(u >= thresh, _from_key(u), jnp.float32(0.0))
            plsc.store_scatter(buf, [idx], out)

        pltpu.sync_copy(buf, o_hbm.at[pl.ds(base * n_feat, _L * n_feat)])
        return 0

    lax.fori_loop(0, groups_per_worker, group_body, 0)


def _sc_topk_mask(x, k):
    n, f = x.shape
    groups_per_worker = n // _NW // _L
    mesh = plsc.VectorSubcoreMesh(core_axis_name="c", subcore_axis_name="s")
    body = functools.partial(
        _sc_body, k=k, n_feat=f, groups_per_worker=groups_per_worker)
    sc_fn = pl.kernel(
        body,
        mesh=mesh,
        out_type=jax.ShapeDtypeStruct((n * f,), x.dtype),
        scratch_types=[
            pltpu.VMEM((_L * f,), jnp.float32),
            pltpu.VMEM((_L * f,), jnp.int32),
            pltpu.VMEM((256 * _L,), jnp.int32),
        ],
        compiler_params=pltpu.CompilerParams(needs_layout_passes=False),
    )
    return sc_fn(x.reshape(-1)).reshape(n, f)


_TC_BLOCK_ROWS = 256


def _tc_block(x_ref, o_ref, *, k):
    x = x_ref[...]
    bits = lax.bitcast_convert_type(x, jnp.uint32)
    sign = (bits >> jnp.uint32(31)) == jnp.uint32(1)
    u = jnp.where(sign, ~bits, bits | jnp.uint32(_TOP))

    def body(i, carry):
        del i
        thresh, bit = carry
        cand = thresh | bit
        cnt = jnp.sum((u >= cand).astype(jnp.int32), axis=1, keepdims=True)
        thresh = jnp.where(cnt >= k, cand, thresh)
        return thresh, bit >> jnp.uint32(1)

    rows = x.shape[0]
    thresh0 = jnp.zeros((rows, 1), jnp.uint32)
    bit0 = jnp.full((rows, 1), jnp.uint32(_TOP))
    thresh, _ = lax.fori_loop(0, 32, body, (thresh0, bit0))
    o_ref[...] = jnp.where(u >= thresh, x, 0.0)


def _tc_topk_mask(x, k):
    n, f = x.shape
    grid = n // _TC_BLOCK_ROWS
    return pl.pallas_call(
        functools.partial(_tc_block, k=k),
        grid=(grid,),
        in_specs=[pl.BlockSpec((_TC_BLOCK_ROWS, f), lambda i: (i, 0))],
        out_specs=pl.BlockSpec((_TC_BLOCK_ROWS, f), lambda i: (i, 0)),
        out_shape=jax.ShapeDtypeStruct((n, f), x.dtype),
        compiler_params=pltpu.CompilerParams(
            dimension_semantics=("arbitrary",),
        ),
    )(x)


_SC_ROWS = 8192


def kernel(inputs):
    n, f = inputs.shape
    k = math.floor((1.0 - _ACT_SPARSITY) * f)
    sc_out = _sc_topk_mask(inputs[:_SC_ROWS], k)
    tc_out = _tc_topk_mask(inputs[_SC_ROWS:], k)
    return jnp.concatenate([sc_out, tc_out], axis=0)

# --- scband reference (transcript-rebuilt; emitter-appended) ---
"""Pipeline reference for scband-activation-sparsity-30709016166739 (READ-ONLY COPY).

The authoritative reference and input builder live on the scoring server;
editing this copy changes nothing except your own understanding.
"""

import math
import jax, jax.numpy as jnp
import numpy as np

ALPHA = 0.1
BETA = 1.5
ACT_SPARSITY = 0.65


def setup_inputs(seed: int = 0) -> dict:
    key = jax.random.key(seed)
    inputs = jax.random.normal(key, (16384, 2048), dtype=jnp.float32)
    return {"inputs": inputs}


def reference(inputs):
    out_shape = inputs.shape
    in_features = inputs.shape[-1]
    x = inputs.reshape(inputs.shape[0], -1)
    k = math.floor((1.0 - ACT_SPARSITY) * in_features)
    # duty_cycle is lazily initialized to zeros on first call
    duty_cycle = jnp.zeros((in_features,), dtype=jnp.float32)
    target = k / x.shape[-1]
    boost_coefficient = jnp.exp(BETA * (target - duty_cycle))
    boosted_input = x * boost_coefficient
    # top-k over last dim (indices only; values unused for output construction)
    _, indices = jax.lax.top_k(boosted_input, k)
    row_indices = jnp.arange(x.shape[0])[:, None]
    gathered = jnp.take_along_axis(x, indices, axis=-1)
    outputs = jnp.zeros_like(x).at[row_indices, indices].set(gathered)
    return outputs.reshape(out_shape)

if __name__ == "__main__":
    import jax
    _d = setup_inputs()
    print(jax.jit(kernel)(*tuple(_d.values())))

</pallas_src>

<mosaic_0001>
#map = affine_map<(d0, d1) -> (0)>
module attributes {stable_mosaic.version = 14 : i64} {
  func.func @_sc_body(%arg0: i32, %arg1: i32, %arg2: memref<16777216xf32, #tpu.memory_space<hbm>>, %arg3: memref<16777216xf32, #tpu.memory_space<hbm>>, %arg4: memref<32768xf32, #tpu.memory_space<vmem>>, %arg5: memref<32768xi32, #tpu.memory_space<vmem>>, %arg6: memref<4096xi32, #tpu.memory_space<vmem>>) attributes {dimension_semantics = [#tpu.dimension_semantics<core_parallel>, #tpu.dimension_semantics<subcore_parallel>], iteration_bounds = array<i64: 2, 16>, scalar_prefetch = 0 : i64, scratch_operands = 3 : i64, tpu.core_type = #tpu.core_type<sc_vector_subcore>, window_params = [{transform_indices = #map}, {transform_indices = #map}]} {
    %mul3A = arith.constant 2 : i32
    %mul3A_0 = arith.muli %arg1, %mul3A : i32
    %add3A = arith.addi %mul3A_0, %arg0 : i32
    %iota3A = tpu.iota {dimensions = array<i32: 0>} : vector<16xi32>
    %mul3A_1 = arith.constant 2048 : i32
    %mul3A_2 = vector.broadcast %mul3A_1 : i32 to vector<16xi32>
    %mul3A_3 = arith.muli %iota3A, %mul3A_2 : vector<16xi32>
    %mul3A_4 = arith.constant 131 : i32
    %mul3A_5 = vector.broadcast %mul3A_4 : i32 to vector<16xi32>
    %mul3A_6 = arith.muli %iota3A, %mul3A_5 : vector<16xi32>
    %broadcast_in_dim3A = arith.constant 1 : i32
    %broadcast_in_dim3A_7 = vector.broadcast %broadcast_in_dim3A : i32 to vector<16xi32>
    %broadcast_in_dim3A_8 = arith.constant 716 : i32
    %broadcast_in_dim3A_9 = vector.broadcast %broadcast_in_dim3A_8 : i32 to vector<16xi32>
    %scan3A = arith.constant 0 : i32
    %scan3A_10 = arith.constant 0 : i32
    %scan3A_11 = arith.constant 16 : i32
    %scan3A_12 = arith.addi %scan3A_10, %scan3A_11 : i32
    %scan3A_13 = arith.constant 1 : i32
    %scan3A_14 = scf.for %scan3A_16 = %scan3A_10 to %scan3A_12 step %scan3A_13 iter_args(%scan3A_17 = %scan3A) -> (i32)  : i32 {
      %mul3A_18 = arith.constant 16 : i32
      %mul3A_19 = arith.muli %add3A, %mul3A_18 : i32
      %add3A_20 = arith.addi %mul3A_19, %scan3A_16 : i32
      %mul3A_21 = arith.constant 16 : i32
      %mul3A_22 = arith.muli %add3A_20, %mul3A_21 : i32
      %mul3A_23 = arith.constant 2048 : i32
      %mul3A_24 = arith.muli %mul3A_22, %mul3A_23 : i32
      "tpu.region"() ({
        %run_scoped3A = tpu.sem_alloc : memref<!tpu.dma_semaphore, #tpu.memory_space<semaphore_mem>>
        %dma_start3A = tpu.memref_slice %arg2[%mul3A_24] : memref<16777216xf32, #tpu.memory_space<hbm>> -> memref<32768xf32, #tpu.memory_space<hbm>>
        %dma_start3A_129 = tpu.memref_slice %arg2[%mul3A_24] : memref<16777216xf32, #tpu.memory_space<hbm>> -> memref<32768xf32, #tpu.memory_space<hbm>>
        tpu.enqueue_dma source(%dma_start3A_129 : memref<32768xf32, #tpu.memory_space<hbm>>) target(%arg4 : memref<32768xf32, #tpu.memory_space<vmem>>) target_semaphore(%run_scoped3A : memref<!tpu.dma_semaphore, #tpu.memory_space<semaphore_mem>>)
        %dma_wait3A = tpu.memref_slice %arg2[%mul3A_24] : memref<16777216xf32, #tpu.memory_space<hbm>> -> memref<32768xf32, #tpu.memory_space<hbm>>
        %dma_wait3A_130 = tpu.memref_slice %arg2[%mul3A_24] : memref<16777216xf32, #tpu.memory_space<hbm>> -> memref<32768xf32, #tpu.memory_space<hbm>>
        tpu.wait_dma2 semaphore(%run_scoped3A : memref<!tpu.dma_semaphore, #tpu.memory_space<semaphore_mem>>) src(%dma_wait3A_130 : memref<32768xf32, #tpu.memory_space<hbm>>) dst(%arg4 : memref<32768xf32, #tpu.memory_space<vmem>>)
        tpu.yield
      }) : () -> ()
      %scan3A_25 = arith.constant 0 : i32
      %scan3A_26 = arith.constant 0 : i32
      %scan3A_27 = arith.constant 32 : i32
      %scan3A_28 = arith.addi %scan3A_26, %scan3A_27 : i32
      %scan3A_29 = arith.constant 1 : i32
      %scan3A_30 = scf.for %scan3A_129 = %scan3A_26 to %scan3A_28 step %scan3A_29 iter_args(%scan3A_130 = %scan3A_25) -> (i32)  : i32 {
        %broadcast_in_dim3A_131 = arith.constant 0 : i32
        %broadcast_in_dim3A_132 = vector.broadcast %broadcast_in_dim3A_131 : i32 to vector<16xi32>
        %mul3A_133 = arith.constant 8 : i32
        %mul3A_134 = arith.muli %scan3A_129, %mul3A_133 : i32
        %add3A_135 = arith.constant 0 : i32
        %add3A_136 = arith.addi %mul3A_134, %add3A_135 : i32
        %mul3A_137 = arith.constant 16 : i32
        %mul3A_138 = arith.muli %add3A_136, %mul3A_137 : i32
        %swap3A = arith.index_cast %mul3A_138 : i32 to index
        %swap3A_139 = tpu.vector_load %arg6[%swap3A] {strides = array<i32>} : memref<4096xi32, #tpu.memory_space<vmem>>, vector<16xi32>,
        tpu.vector_store %arg6[%swap3A], %broadcast_in_dim3A_132 {strides = array<i32>} : memref<4096xi32, #tpu.memory_space<vmem>>, vector<16xi32>,
        %broadcast_in_dim3A_140 = arith.constant 0 : i32
        %broadcast_in_dim3A_141 = vector.broadcast %broadcast_in_dim3A_140 : i32 to vector<16xi32>
        %mul3A_142 = arith.constant 8 : i32
        %mul3A_143 = arith.muli %scan3A_129, %mul3A_142 : i32
        %add3A_144 = arith.constant 1 : i32
        %add3A_145 = arith.addi %mul3A_143, %add3A_144 : i32
        %mul3A_146 = arith.constant 16 : i32
        %mul3A_147 = arith.muli %add3A_145, %mul3A_146 : i32
        %swap3A_148 = arith.index_cast %mul3A_147 : i32 to index
        %swap3A_149 = tpu.vector_load %arg6[%swap3A_148] {strides = array<i32>} : memref<4096xi32, #tpu.memory_space<vmem>>, vector<16xi32>,
        tpu.vector_store %arg6[%swap3A_148], %broadcast_in_dim3A_141 {strides = array<i32>} : memref<4096xi32, #tpu.memory_space<vmem>>, vector<16xi32>,
        %broadcast_in_dim3A_150 = arith.constant 0 : i32
        %broadcast_in_dim3A_151 = vector.broadcast %broadcast_in_dim3A_150 : i32 to vector<16xi32>
        %mul3A_152 = arith.constant 8 : i32
        %mul3A_153 = arith.muli %scan3A_129, %mul3A_152 : i32
        %add3A_154 = arith.constant 2 : i32
        %add3A_155 = arith.addi %mul3A_153, %add3A_154 : i32
        %mul3A_156 = arith.constant 16 : i32
        %mul3A_157 = arith.muli %add3A_155, %mul3A_156 : i32
        %swap3A_158 = arith.index_cast %mul3A_157 : i32 to index
        %swap3A_159 = tpu.vector_load %arg6[%swap3A_158] {strides = array<i32>} : memref<4096xi32, #tpu.memory_space<vmem>>, vector<16xi32>,
        tpu.vector_store %arg6[%swap3A_158], %broadcast_in_dim3A_151 {strides = array<i32>} : memref<4096xi32, #tpu.memory_space<vmem>>, vector<16xi32>,
        %broadcast_in_dim3A_160 = arith.constant 0 : i32
        %broadcast_in_dim3A_161 = vector.broadcast %broadcast_in_dim3A_160 : i32 to vector<16xi32>
        %mul3A_162 = arith.constant 8 : i32
        %mul3A_163 = arith.muli %scan3A_129, %mul3A_162 : i32
        %add3A_164 = arith.constant 3 : i32
        %add3A_165 = arith.addi %mul3A_163, %add3A_164 : i32
        %mul3A_166 = arith.constant 16 : i32
        %mul3A_167 = arith.muli %add3A_165, %mul3A_166 : i32
        %swap3A_168 = arith.index_cast %mul3A_167 : i32 to index
        %swap3A_169 = tpu.vector_load %arg6[%swap3A_168] {strides = array<i32>} : memref<4096xi32, #tpu.memory_space<vmem>>, vector<16xi32>,
        tpu.vector_store %arg6[%swap3A_168], %broadcast_in_dim3A_161 {strides = array<i32>} : memref<4096xi32, #tpu.memory_space<vmem>>, vector<16xi32>,
        %broadcast_in_dim3A_170 = arith.constant 0 : i32
        %broadcast_in_dim3A_171 = vector.broadcast %broadcast_in_dim3A_170 : i32 to vector<16xi32>
        %mul3A_172 = arith.constant 8 : i32
        %mul3A_173 = arith.muli %scan3A_129, %mul3A_172 : i32
        %add3A_174 = arith.constant 4 : i32
        %add3A_175 = arith.addi %mul3A_173, %add3A_174 : i32
        %mul3A_176 = arith.constant 16 : i32
        %mul3A_177 = arith.muli %add3A_175, %mul3A_176 : i32
        %swap3A_178 = arith.index_cast %mul3A_177 : i32 to index
        %swap3A_179 = tpu.vector_load %arg6[%swap3A_178] {strides = array<i32>} : memref<4096xi32, #tpu.memory_space<vmem>>, vector<16xi32>,
        tpu.vector_store %arg6[%swap3A_178], %broadcast_in_dim3A_171 {strides = array<i32>} : memref<4096xi32, #tpu.memory_space<vmem>>, vector<16xi32>,
        %broadcast_in_dim3A_180 = arith.constant 0 : i32
        %broadcast_in_dim3A_181 = vector.broadcast %broadcast_in_dim3A_180 : i32 to vector<16xi32>
        %mul3A_182 = arith.constant 8 : i32
        %mul3A_183 = arith.muli %scan3A_129, %mul3A_182 : i32
        %add3A_184 = arith.constant 5 : i32
        %add3A_185 = arith.addi %mul3A_183, %add3A_184 : i32
        %mul3A_186 = arith.constant 16 : i32
        %mul3A_187 = arith.muli %add3A_185, %mul3A_186 : i32
        %swap3A_188 = arith.index_cast %mul3A_187 : i32 to index
        %swap3A_189 = tpu.vector_load %arg6[%swap3A_188] {strides = array<i32>} : memref<4096xi32, #tpu.memory_space<vmem>>, vector<16xi32>,
        tpu.vector_store %arg6[%swap3A_188], %broadcast_in_dim3A_181 {strides = array<i32>} : memref<4096xi32, #tpu.memory_space<vmem>>, vector<16xi32>,
        %broadcast_in_dim3A_190 = arith.constant 0 : i32
        %broadcast_in_dim3A_191 = vector.broadcast %broadcast_in_dim3A_190 : i32 to vector<16xi32>
        %mul3A_192 = arith.constant 8 : i32
        %mul3A_193 = arith.muli %scan3A_129, %mul3A_192 : i32
        %add3A_194 = arith.constant 6 : i32
        %add3A_195 = arith.addi %mul3A_193, %add3A_194 : i32
        %mul3A_196 = arith.constant 16 : i32
        %mul3A_197 = arith.muli %add3A_195, %mul3A_196 : i32
        %swap3A_198 = arith.index_cast %mul3A_197 : i32 to index
        %swap3A_199 = tpu.vector_load %arg6[%swap3A_198] {strides = array<i32>} : memref<4096xi32, #tpu.memory_space<vmem>>, vector<16xi32>,
        tpu.vector_store %arg6[%swap3A_198], %broadcast_in_dim3A_191 {strides = array<i32>} : memref<4096xi32, #tpu.memory_space<vmem>>, vector<16xi32>,
        %broadcast_in_dim3A_200 = arith.constant 0 : i32
        %broadcast_in_dim3A_201 = vector.broadcast %broadcast_in_dim3A_200 : i32 to vector<16xi32>
        %mul3A_202 = arith.constant 8 : i32
        %mul3A_203 = arith.muli %scan3A_129, %mul3A_202 : i32
        %add3A_204 = arith.constant 7 : i32
        %add3A_205 = arith.addi %mul3A_203, %add3A_204 : i32
        %mul3A_206 = arith.constant 16 : i32
        %mul3A_207 = arith.muli %add3A_205, %mul3A_206 : i32
        %swap3A_208 = arith.index_cast %mul3A_207 : i32 to index
        %swap3A_209 = tpu.vector_load %arg6[%swap3A_208] {strides = array<i32>} : memref<4096xi32, #tpu.memory_space<vmem>>, vector<16xi32>,
        tpu.vector_store %arg6[%swap3A_208], %broadcast_in_dim3A_201 {strides = array<i32>} : memref<4096xi32, #tpu.memory_space<vmem>>, vector<16xi32>,
        %scan3A_210 = arith.constant 0 : i32
        scf.yield %scan3A_210 : i32
      }
      %scan3A_31 = arith.constant 32 : i32
      %parallel_loop3A = arith.constant 0 : i32
      %parallel_loop3A_32 = arith.constant 2048 : i32
      %parallel_loop3A_33 = arith.constant 1 : i32
      scf.for %parallel_loop3A_129 = %parallel_loop3A to %parallel_loop3A_32 step %parallel_loop3A_33  : i32 {
        %parallel_loop3A_130 = vector.broadcast %parallel_loop3A_129 : i32 to vector<16xi32>
        %parallel_loop3A_131 = arith.addi %parallel_loop3A_130, %mul3A_6 : vector<16xi32>
        %parallel_loop3A_132 = arith.constant 2048 : i32
        %parallel_loop3A_133 = vector.broadcast %parallel_loop3A_132 : i32 to vector<16xi32>
        %parallel_loop3A_134 = arith.cmpi sge, %parallel_loop3A_131, %parallel_loop3A_133 : vector<16xi32>
        %parallel_loop3A_135 = arith.constant 2048 : i32
        %parallel_loop3A_136 = vector.broadcast %parallel_loop3A_135 : i32 to vector<16xi32>
        %parallel_loop3A_137 = arith.subi %parallel_loop3A_131, %parallel_loop3A_136 : vector<16xi32>
        %parallel_loop3A_138 = arith.select %parallel_loop3A_134, %parallel_loop3A_137, %parallel_loop3A_131 : vector<16xi1>, vector<16xi32>
        %parallel_loop3A_139 = arith.addi %mul3A_3, %parallel_loop3A_138 : vector<16xi32>
        %parallel_loop3A_140 = tpu.vector_load_idx %arg4[%parallel_loop3A_139] : memref<32768xf32, #tpu.memory_space<vmem>>[vector<16xi32>], vector<16xf32>,
        %parallel_loop3A_141 = tpu.bitcast %parallel_loop3A_140 : vector<16xf32> -> vector<16xi32>
        %parallel_loop3A_142 = arith.constant -2147483648 : i32
        %parallel_loop3A_143 = vector.broadcast %parallel_loop3A_142 : i32 to vector<16xi32>
        %parallel_loop3A_144 = arith.andi %parallel_loop3A_141, %parallel_loop3A_143 : vector<16xi32>
        %parallel_loop3A_145 = arith.constant 0 : i32
        %parallel_loop3A_146 = vector.broadcast %parallel_loop3A_145 : i32 to vector<16xi32>
        %parallel_loop3A_147 = arith.cmpi ne, %parallel_loop3A_144, %parallel_loop3A_146 : vector<16xi32>
        %parallel_loop3A_148 = arith.constant dense<-1> : vector<16xi32>
        %parallel_loop3A_149 = arith.xori %parallel_loop3A_141, %parallel_loop3A_148 : vector<16xi32>
        %parallel_loop3A_150 = arith.constant -2147483648 : i32
        %parallel_loop3A_151 = vector.broadcast %parallel_loop3A_150 : i32 to vector<16xi32>
        %parallel_loop3A_152 = arith.ori %parallel_loop3A_141, %parallel_loop3A_151 : vector<16xi32>
        %parallel_loop3A_153 = arith.select %parallel_loop3A_147, %parallel_loop3A_149, %parallel_loop3A_152 : vector<16xi1>, vector<16xi32>
        %parallel_loop3A_154 = tpu.bitcast %parallel_loop3A_153 : vector<16xi32> -> vector<16xi32>
        tpu.vector_store_idx %arg5[%parallel_loop3A_139], %parallel_loop3A_154 : memref<32768xi32, #tpu.memory_space<vmem>>[vector<16xi32>], vector<16xi32>,
        %parallel_loop3A_155 = arith.constant 24 : i32
        %parallel_loop3A_156 = vector.broadcast %parallel_loop3A_155 : i32 to vector<16xi32>
        %parallel_loop3A_157 = arith.shrui %parallel_loop3A_153, %parallel_loop3A_156 : vector<16xi32>
        %parallel_loop3A_158 = arith.constant 16 : i32
        %parallel_loop3A_159 = vector.broadcast %parallel_loop3A_158 : i32 to vector<16xi32>
        %parallel_loop3A_160 = arith.muli %parallel_loop3A_157, %parallel_loop3A_159 : vector<16xi32>
        %parallel_loop3A_161 = arith.addi %parallel_loop3A_160, %iota3A : vector<16xi32>
        tpu.vector_store_idx %arg6[%parallel_loop3A_161], %broadcast_in_dim3A_7 {add = true} : memref<4096xi32, #tpu.memory_space<vmem>>[vector<16xi32>], vector<16xi32>,
      } {sc.loop_unroll_factor = 8 : i64, sc.parallel_access}
      %broadcast_in_dim3A_34 = arith.constant 0 : i32
      %broadcast_in_dim3A_35 = vector.broadcast %broadcast_in_dim3A_34 : i32 to vector<16xi32>
      %broadcast_in_dim3A_36 = arith.constant false
      %broadcast_in_dim3A_37 = vector.broadcast %broadcast_in_dim3A_36 : i1 to vector<16xi1>
      %scan3A_38 = arith.constant 0 : i32
      %scan3A_39 = arith.constant 32 : i32
      %scan3A_40 = arith.addi %scan3A_38, %scan3A_39 : i32
      %scan3A_41 = arith.constant 1 : i32
      %scan3A_42:4 = scf.for %scan3A_129 = %scan3A_38 to %scan3A_40 step %scan3A_41 iter_args(%scan3A_130 = %broadcast_in_dim3A_35, %scan3A_131 = %broadcast_in_dim3A_35, %scan3A_132 = %broadcast_in_dim3A_35, %scan3A_133 = %broadcast_in_dim3A_37) -> (vector<16xi32>, vector<16xi32>, vector<16xi32>, vector<16xi1>)  : i32 {
        %mul3A_134 = arith.constant 8 : i32
        %mul3A_135 = arith.muli %scan3A_129, %mul3A_134 : i32
        %add3A_136 = arith.constant 0 : i32
        %add3A_137 = arith.addi %mul3A_135, %add3A_136 : i32
        %sub3A_138 = arith.constant 255 : i32
        %sub3A_139 = arith.subi %sub3A_138, %add3A_137 : i32
        %mul3A_140 = arith.constant 16 : i32
        %mul3A_141 = arith.muli %sub3A_139, %mul3A_140 : i32
        %get3A = arith.index_cast %mul3A_141 : i32 to index
        %get3A_142 = tpu.vector_load %arg6[%get3A] {strides = array<i32>} : memref<4096xi32, #tpu.memory_space<vmem>>, vector<16xi32>,
        %add3A_143 = arith.addi %scan3A_130, %get3A_142 : vector<16xi32>
        %ge3A = arith.cmpi sge, %add3A_143, %broadcast_in_dim3A_9 : vector<16xi32>
        %not3A = arith.constant dense<true> : vector<16xi1>
        %not3A_144 = arith.xori %scan3A_133, %not3A : vector<16xi1>
        %and3A = arith.andi %ge3A, %not3A_144 : vector<16xi1>
        %broadcast_in_dim3A_145 = vector.broadcast %sub3A_139 : i32 to vector<16xi32>
        %select_n3A = arith.select %and3A, %broadcast_in_dim3A_145, %scan3A_131 : vector<16xi1>, vector<16xi32>
        %select_n3A_146 = arith.select %and3A, %scan3A_130, %scan3A_132 : vector<16xi1>, vector<16xi32>
        %or3A_147 = arith.ori %scan3A_133, %and3A : vector<16xi1>
        %mul3A_148 = arith.constant 8 : i32
        %mul3A_149 = arith.muli %scan3A_129, %mul3A_148 : i32
        %add3A_150 = arith.constant 1 : i32
        %add3A_151 = arith.addi %mul3A_149, %add3A_150 : i32
        %sub3A_152 = arith.constant 255 : i32
        %sub3A_153 = arith.subi %sub3A_152, %add3A_151 : i32
        %mul3A_154 = arith.constant 16 : i32
        %mul3A_155 = arith.muli %sub3A_153, %mul3A_154 : i32
        %get3A_156 = arith.index_cast %mul3A_155 : i32 to index
        %get3A_157 = tpu.vector_load %arg6[%get3A_156] {strides = array<i32>} : memref<4096xi32, #tpu.memory_space<vmem>>, vector<16xi32>,
        %add3A_158 = arith.addi %add3A_143, %get3A_157 : vector<16xi32>
        %ge3A_159 = arith.cmpi sge, %add3A_158, %broadcast_in_dim3A_9 : vector<16xi32>
        %not3A_160 = arith.constant dense<true> : vector<16xi1>
        %not3A_161 = arith.xori %or3A_147, %not3A_160 : vector<16xi1>
        %and3A_162 = arith.andi %ge3A_159, %not3A_161 : vector<16xi1>
        %broadcast_in_dim3A_163 = vector.broadcast %sub3A_153 : i32 to vector<16xi32>
        %select_n3A_164 = arith.select %and3A_162, %broadcast_in_dim3A_163, %select_n3A : vector<16xi1>, vector<16xi32>
        %select_n3A_165 = arith.select %and3A_162, %add3A_143, %select_n3A_146 : vector<16xi1>, vector<16xi32>
        %or3A_166 = arith.ori %or3A_147, %and3A_162 : vector<16xi1>
        %mul3A_167 = arith.constant 8 : i32
        %mul3A_168 = arith.muli %scan3A_129, %mul3A_167 : i32
        %add3A_169 = arith.constant 2 : i32
        %add3A_170 = arith.addi %mul3A_168, %add3A_169 : i32
        %sub3A_171 = arith.constant 255 : i32
        %sub3A_172 = arith.subi %sub3A_171, %add3A_170 : i32
        %mul3A_173 = arith.constant 16 : i32
        %mul3A_174 = arith.muli %sub3A_172, %mul3A_173 : i32
        %get3A_175 = arith.index_cast %mul3A_174 : i32 to index
        %get3A_176 = tpu.vector_load %arg6[%get3A_175] {strides = array<i32>} : memref<4096xi32, #tpu.memory_space<vmem>>, vector<16xi32>,
        %add3A_177 = arith.addi %add3A_158, %get3A_176 : vector<16xi32>
        %ge3A_178 = arith.cmpi sge, %add3A_177, %broadcast_in_dim3A_9 : vector<16xi32>
        %not3A_179 = arith.constant dense<true> : vector<16xi1>
        %not3A_180 = arith.xori %or3A_166, %not3A_179 : vector<16xi1>
        %and3A_181 = arith.andi %ge3A_178, %not3A_180 : vector<16xi1>
        %broadcast_in_dim3A_182 = vector.broadcast %sub3A_172 : i32 to vector<16xi32>
        %select_n3A_183 = arith.select %and3A_181, %broadcast_in_dim3A_182, %select_n3A_164 : vector<16xi1>, vector<16xi32>
        %select_n3A_184 = arith.select %and3A_181, %add3A_158, %select_n3A_165 : vector<16xi1>, vector<16xi32>
        %or3A_185 = arith.ori %or3A_166, %and3A_181 : vector<16xi1>
        %mul3A_186 = arith.constant 8 : i32
        %mul3A_187 = arith.muli %scan3A_129, %mul3A_186 : i32
        %add3A_188 = arith.constant 3 : i32
        %add3A_189 = arith.addi %mul3A_187, %add3A_188 : i32
        %sub3A_190 = arith.constant 255 : i32
        %sub3A_191 = arith.subi %sub3A_190, %add3A_189 : i32
        %mul3A_192 = arith.constant 16 : i32
        %mul3A_193 = arith.muli %sub3A_191, %mul3A_192 : i32
        %get3A_194 = arith.index_cast %mul3A_193 : i32 to index
        %get3A_195 = tpu.vector_load %arg6[%get3A_194] {strides = array<i32>} : memref<4096xi32, #tpu.memory_space<vmem>>, vector<16xi32>,
        %add3A_196 = arith.addi %add3A_177, %get3A_195 : vector<16xi32>
        %ge3A_197 = arith.cmpi sge, %add3A_196, %broadcast_in_dim3A_9 : vector<16xi32>
        %not3A_198 = arith.constant dense<true> : vector<16xi1>
        %not3A_199 = arith.xori %or3A_185, %not3A_198 : vector<16xi1>
        %and3A_200 = arith.andi %ge3A_197, %not3A_199 : vector<16xi1>
        %broadcast_in_dim3A_201 = vector.broadcast %sub3A_191 : i32 to vector<16xi32>
        %select_n3A_202 = arith.select %and3A_200, %broadcast_in_dim3A_201, %select_n3A_183 : vector<16xi1>, vector<16xi32>
        %select_n3A_203 = arith.select %and3A_200, %add3A_177, %select_n3A_184 : vector<16xi1>, vector<16xi32>
        %or3A_204 = arith.ori %or3A_185, %and3A_200 : vector<16xi1>
        %mul3A_205 = arith.constant 8 : i32
        %mul3A_206 = arith.muli %scan3A_129, %mul3A_205 : i32
        %add3A_207 = arith.constant 4 : i32
        %add3A_208 = arith.addi %mul3A_206, %add3A_207 : i32
        %sub3A_209 = arith.constant 255 : i32
        %sub3A_210 = arith.subi %sub3A_209, %add3A_208 : i32
        %mul3A_211 = arith.constant 16 : i32
        %mul3A_212 = arith.muli %sub3A_210, %mul3A_211 : i32
        %get3A_213 = arith.index_cast %mul3A_212 : i32 to index
        %get3A_214 = tpu.vector_load %arg6[%get3A_213] {strides = array<i32>} : memref<4096xi32, #tpu.memory_space<vmem>>, vector<16xi32>,
        %add3A_215 = arith.addi %add3A_196, %get3A_214 : vector<16xi32>
        %ge3A_216 = arith.cmpi sge, %add3A_215, %broadcast_in_dim3A_9 : vector<16xi32>
        %not3A_217 = arith.constant dense<true> : vector<16xi1>
        %not3A_218 = arith.xori %or3A_204, %not3A_217 : vector<16xi1>
        %and3A_219 = arith.andi %ge3A_216, %not3A_218 : vector<16xi1>
        %broadcast_in_dim3A_220 = vector.broadcast %sub3A_210 : i32 to vector<16xi32>
        %select_n3A_221 = arith.select %and3A_219, %broadcast_in_dim3A_220, %select_n3A_202 : vector<16xi1>, vector<16xi32>
        %select_n3A_222 = arith.select %and3A_219, %add3A_196, %select_n3A_203 : vector<16xi1>, vector<16xi32>
        %or3A_223 = arith.ori %or3A_204, %and3A_219 : vector<16xi1>
        %mul3A_224 = arith.constant 8 : i32
        %mul3A_225 = arith.muli %scan3A_129, %mul3A_224 : i32
        %add3A_226 = arith.constant 5 : i32
        %add3A_227 = arith.addi %mul3A_225, %add3A_226 : i32
        %sub3A_228 = arith.constant 255 : i32
        %sub3A_229 = arith.subi %sub3A_228, %add3A_227 : i32
        %mul3A_230 = arith.constant 16 : i32
        %mul3A_231 = arith.muli %sub3A_229, %mul3A_230 : i32
        %get3A_232 = arith.index_cast %mul3A_231 : i32 to index
        %get3A_233 = tpu.vector_load %arg6[%get3A_232] {strides = array<i32>} : memref<4096xi32, #tpu.memory_space<vmem>>, vector<16xi32>,
        %add3A_234 = arith.addi %add3A_215, %get3A_233 : vector<16xi32>
        %ge3A_235 = arith.cmpi sge, %add3A_234, %broadcast_in_dim3A_9 : vector<16xi32>
        %not3A_236 = arith.constant dense<true> : vector<16xi1>
        %not3A_237 = arith.xori %or3A_223, %not3A_236 : vector<16xi1>
        %and3A_238 = arith.andi %ge3A_235, %not3A_237 : vector<16xi1>
        %broadcast_in_dim3A_239 = vector.broadcast %sub3A_229 : i32 to vector<16xi32>
        %select_n3A_240 = arith.select %and3A_238, %broadcast_in_dim3A_239, %select_n3A_221 : vector<16xi1>, vector<16xi32>
        %select_n3A_241 = arith.select %and3A_238, %add3A_215, %select_n3A_222 : vector<16xi1>, vector<16xi32>
        %or3A_242 = arith.ori %or3A_223, %and3A_238 : vector<16xi1>
        %mul3A_243 = arith.constant 8 : i32
        %mul3A_244 = arith.muli %scan3A_129, %mul3A_243 : i32
        %add3A_245 = arith.constant 6 : i32
        %add3A_246 = arith.addi %mul3A_244, %add3A_245 : i32
        %sub3A_247 = arith.constant 255 : i32
        %sub3A_248 = arith.subi %sub3A_247, %add3A_246 : i32
        %mul3A_249 = arith.constant 16 : i32
        %mul3A_250 = arith.muli %sub3A_248, %mul3A_249 : i32
        %get3A_251 = arith.index_cast %mul3A_250 : i32 to index
        %get3A_252 = tpu.vector_load %arg6[%get3A_251] {strides = array<i32>} : memref<4096xi32, #tpu.memory_space<vmem>>, vector<16xi32>,
        %add3A_253 = arith.addi %add3A_234, %get3A_252 : vector<16xi32>
        %ge3A_254 = arith.cmpi sge, %add3A_253, %broadcast_in_dim3A_9 : vector<16xi32>
        %not3A_255 = arith.constant dense<true> : vector<16xi1>
        %not3A_256 = arith.xori %or3A_242, %not3A_255 : vector<16xi1>
        %and3A_257 = arith.andi %ge3A_254, %not3A_256 : vector<16xi1>
        %broadcast_in_dim3A_258 = vector.broadcast %sub3A_248 : i32 to vector<16xi32>
        %select_n3A_259 = arith.select %and3A_257, %broadcast_in_dim3A_258, %select_n3A_240 : vector<16xi1>, vector<16xi32>
        %select_n3A_260 = arith.select %and3A_257, %add3A_234, %select_n3A_241 : vector<16xi1>, vector<16xi32>
        %or3A_261 = arith.ori %or3A_242, %and3A_257 : vector<16xi1>
        %mul3A_262 = arith.constant 8 : i32
        %mul3A_263 = arith.muli %scan3A_129, %mul3A_262 : i32
        %add3A_264 = arith.constant 7 : i32
        %add3A_265 = arith.addi %mul3A_263, %add3A_264 : i32
        %sub3A_266 = arith.constant 255 : i32
        %sub3A_267 = arith.subi %sub3A_266, %add3A_265 : i32
        %mul3A_268 = arith.constant 16 : i32
        %mul3A_269 = arith.muli %sub3A_267, %mul3A_268 : i32
        %get3A_270 = arith.index_cast %mul3A_269 : i32 to index
        %get3A_271 = tpu.vector_load %arg6[%get3A_270] {strides = array<i32>} : memref<4096xi32, #tpu.memory_space<vmem>>, vector<16xi32>,
        %add3A_272 = arith.addi %add3A_253, %get3A_271 : vector<16xi32>
        %ge3A_273 = arith.cmpi sge, %add3A_272, %broadcast_in_dim3A_9 : vector<16xi32>
        %not3A_274 = arith.constant dense<true> : vector<16xi1>
        %not3A_275 = arith.xori %or3A_261, %not3A_274 : vector<16xi1>
        %and3A_276 = arith.andi %ge3A_273, %not3A_275 : vector<16xi1>
        %broadcast_in_dim3A_277 = vector.broadcast %sub3A_267 : i32 to vector<16xi32>
        %select_n3A_278 = arith.select %and3A_276, %broadcast_in_dim3A_277, %select_n3A_259 : vector<16xi1>, vector<16xi32>
        %select_n3A_279 = arith.select %and3A_276, %add3A_253, %select_n3A_260 : vector<16xi1>, vector<16xi32>
        %or3A_280 = arith.ori %or3A_261, %and3A_276 : vector<16xi1>
        scf.yield %add3A_272, %select_n3A_278, %select_n3A_279, %or3A_280 : vector<16xi32>, vector<16xi32>, vector<16xi32>, vector<16xi1>
      }
      %scan3A_43 = arith.constant 32 : i32
      %sub3A = arith.subi %broadcast_in_dim3A_9, %scan3A_42#2 : vector<16xi32>
      %scan3A_44 = arith.constant 0 : i32
      %scan3A_45 = arith.constant 0 : i32
      %scan3A_46 = arith.constant 32 : i32
      %scan3A_47 = arith.addi %scan3A_45, %scan3A_46 : i32
      %scan3A_48 = arith.constant 1 : i32
      %scan3A_49 = scf.for %scan3A_129 = %scan3A_45 to %scan3A_47 step %scan3A_48 iter_args(%scan3A_130 = %scan3A_44) -> (i32)  : i32 {
        %broadcast_in_dim3A_131 = arith.constant 0 : i32
        %broadcast_in_dim3A_132 = vector.broadcast %broadcast_in_dim3A_131 : i32 to vector<16xi32>
        %mul3A_133 = arith.constant 8 : i32
        %mul3A_134 = arith.muli %scan3A_129, %mul3A_133 : i32
        %add3A_135 = arith.constant 0 : i32
        %add3A_136 = arith.addi %mul3A_134, %add3A_135 : i32
        %mul3A_137 = arith.constant 16 : i32
        %mul3A_138 = arith.muli %add3A_136, %mul3A_137 : i32
        %swap3A = arith.index_cast %mul3A_138 : i32 to index
        %swap3A_139 = tpu.vector_load %arg6[%swap3A] {strides = array<i32>} : memref<4096xi32, #tpu.memory_space<vmem>>, vector<16xi32>,
        tpu.vector_store %arg6[%swap3A], %broadcast_in_dim3A_132 {strides = array<i32>} : memref<4096xi32, #tpu.memory_space<vmem>>, vector<16xi32>,
        %broadcast_in_dim3A_140 = arith.constant 0 : i32
        %broadcast_in_dim3A_141 = vector.broadcast %broadcast_in_dim3A_140 : i32 to vector<16xi32>
        %mul3A_142 = arith.constant 8 : i32
        %mul3A_143 = arith.muli %scan3A_129, %mul3A_142 : i32
        %add3A_144 = arith.constant 1 : i32
        %add3A_145 = arith.addi %mul3A_143, %add3A_144 : i32
        %mul3A_146 = arith.constant 16 : i32
        %mul3A_147 = arith.muli %add3A_145, %mul3A_146 : i32
        %swap3A_148 = arith.index_cast %mul3A_147 : i32 to index
        %swap3A_149 = tpu.vector_load %arg6[%swap3A_148] {strides = array<i32>} : memref<4096xi32, #tpu.memory_space<vmem>>, vector<16xi32>,
        tpu.vector_store %arg6[%swap3A_148], %broadcast_in_dim3A_141 {strides = array<i32>} : memref<4096xi32, #tpu.memory_space<vmem>>, vector<16xi32>,
        %broadcast_in_dim3A_150 = arith.constant 0 : i32
        %broadcast_in_dim3A_151 = vector.broadcast %broadcast_in_dim3A_150 : i32 to vector<16xi32>
        %mul3A_152 = arith.constant 8 : i32
        %mul3A_153 = arith.muli %scan3A_129, %mul3A_152 : i32
        %add3A_154 = arith.constant 2 : i32
        %add3A_155 = arith.addi %mul3A_153, %add3A_154 : i32
        %mul3A_156 = arith.constant 16 : i32
        %mul3A_157 = arith.muli %add3A_155, %mul3A_156 : i32
        %swap3A_158 = arith.index_cast %mul3A_157 : i32 to index
        %swap3A_159 = tpu.vector_load %arg6[%swap3A_158] {strides = array<i32>} : memref<4096xi32, #tpu.memory_space<vmem>>, vector<16xi32>,
        tpu.vector_store %arg6[%swap3A_158], %broadcast_in_dim3A_151 {strides = array<i32>} : memref<4096xi32, #tpu.memory_space<vmem>>, vector<16xi32>,
        %broadcast_in_dim3A_160 = arith.constant 0 : i32
        %broadcast_in_dim3A_161 = vector.broadcast %broadcast_in_dim3A_160 : i32 to vector<16xi32>
        %mul3A_162 = arith.constant 8 : i32
        %mul3A_163 = arith.muli %scan3A_129, %mul3A_162 : i32
        %add3A_164 = arith.constant 3 : i32
        %add3A_165 = arith.addi %mul3A_163, %add3A_164 : i32
        %mul3A_166 = arith.constant 16 : i32
        %mul3A_167 = arith.muli %add3A_165, %mul3A_166 : i32
        %swap3A_168 = arith.index_cast %mul3A_167 : i32 to index
        %swap3A_169 = tpu.vector_load %arg6[%swap3A_168] {strides = array<i32>} : memref<4096xi32, #tpu.memory_space<vmem>>, vector<16xi32>,
        tpu.vector_store %arg6[%swap3A_168], %broadcast_in_dim3A_161 {strides = array<i32>} : memref<4096xi32, #tpu.memory_space<vmem>>, vector<16xi32>,
        %broadcast_in_dim3A_170 = arith.constant 0 : i32
        %broadcast_in_dim3A_171 = vector.broadcast %broadcast_in_dim3A_170 : i32 to vector<16xi32>
        %mul3A_172 = arith.constant 8 : i32
        %mul3A_173 = arith.muli %scan3A_129, %mul3A_172 : i32
        %add3A_174 = arith.constant 4 : i32
        %add3A_175 = arith.addi %mul3A_173, %add3A_174 : i32
        %mul3A_176 = arith.constant 16 : i32
        %mul3A_177 = arith.muli %add3A_175, %mul3A_176 : i32
        %swap3A_178 = arith.index_cast %mul3A_177 : i32 to index
        %swap3A_179 = tpu.vector_load %arg6[%swap3A_178] {strides = array<i32>} : memref<4096xi32, #tpu.memory_space<vmem>>, vector<16xi32>,
        tpu.vector_store %arg6[%swap3A_178], %broadcast_in_dim3A_171 {strides = array<i32>} : memref<4096xi32, #tpu.memory_space<vmem>>, vector<16xi32>,
        %broadcast_in_dim3A_180 = arith.constant 0 : i32
        %broadcast_in_dim3A_181 = vector.broadcast %broadcast_in_dim3A_180 : i32 to vector<16xi32>
        %mul3A_182 = arith.constant 8 : i32
        %mul3A_183 = arith.muli %scan3A_129, %mul3A_182 : i32
        %add3A_184 = arith.constant 5 : i32
        %add3A_185 = arith.addi %mul3A_183, %add3A_184 : i32
        %mul3A_186 = arith.constant 16 : i32
        %mul3A_187 = arith.muli %add3A_185, %mul3A_186 : i32
        %swap3A_188 = arith.index_cast %mul3A_187 : i32 to index
        %swap3A_189 = tpu.vector_load %arg6[%swap3A_188] {strides = array<i32>} : memref<4096xi32, #tpu.memory_space<vmem>>, vector<16xi32>,
        tpu.vector_store %arg6[%swap3A_188], %broadcast_in_dim3A_181 {strides = array<i32>} : memref<4096xi32, #tpu.memory_space<vmem>>, vector<16xi32>,
        %broadcast_in_dim3A_190 = arith.constant 0 : i32
        %broadcast_in_dim3A_191 = vector.broadcast %broadcast_in_dim3A_190 : i32 to vector<16xi32>
        %mul3A_192 = arith.constant 8 : i32
        %mul3A_193 = arith.muli %scan3A_129, %mul3A_192 : i32
        %add3A_194 = arith.constant 6 : i32
        %add3A_195 = arith.addi %mul3A_193, %add3A_194 : i32
        %mul3A_196 = arith.constant 16 : i32
        %mul3A_197 = arith.muli %add3A_195, %mul3A_196 : i32
        %swap3A_198 = arith.index_cast %mul3A_197 : i32 to index
        %swap3A_199 = tpu.vector_load %arg6[%swap3A_198] {strides = array<i32>} : memref<4096xi32, #tpu.memory_space<vmem>>, vector<16xi32>,
        tpu.vector_store %arg6[%swap3A_198], %broadcast_in_dim3A_191 {strides = array<i32>} : memref<4096xi32, #tpu.memory_space<vmem>>, vector<16xi32>,
        %broadcast_in_dim3A_200 = arith.constant 0 : i32
        %broadcast_in_dim3A_201 = vector.broadcast %broadcast_in_dim3A_200 : i32 to vector<16xi32>
        %mul3A_202 = arith.constant 8 : i32
        %mul3A_203 = arith.muli %scan3A_129, %mul3A_202 : i32
        %add3A_204 = arith.constant 7 : i32
        %add3A_205 = arith.addi %mul3A_203, %add3A_204 : i32
        %mul3A_206 = arith.constant 16 : i32
        %mul3A_207 = arith.muli %add3A_205, %mul3A_206 : i32
        %swap3A_208 = arith.index_cast %mul3A_207 : i32 to index
        %swap3A_209 = tpu.vector_load %arg6[%swap3A_208] {strides = array<i32>} : memref<4096xi32, #tpu.memory_space<vmem>>, vector<16xi32>,
        tpu.vector_store %arg6[%swap3A_208], %broadcast_in_dim3A_201 {strides = array<i32>} : memref<4096xi32, #tpu.memory_space<vmem>>, vector<16xi32>,
        %scan3A_210 = arith.constant 0 : i32
        scf.yield %scan3A_210 : i32
      }
      %scan3A_50 = arith.constant 32 : i32
      %parallel_loop3A_51 = arith.constant 0 : i32
      %parallel_loop3A_52 = arith.constant 2048 : i32
      %parallel_loop3A_53 = arith.constant 1 : i32
      %parallel_loop3A_54 = arith.constant 24 : i32
      %parallel_loop3A_55 = arith.constant 16 : i32
      scf.for %parallel_loop3A_129 = %parallel_loop3A_51 to %parallel_loop3A_52 step %parallel_loop3A_53  : i32 {
        %parallel_loop3A_130 = vector.broadcast %parallel_loop3A_129 : i32 to vector<16xi32>
        %parallel_loop3A_131 = arith.addi %parallel_loop3A_130, %mul3A_6 : vector<16xi32>
        %parallel_loop3A_132 = arith.constant 2048 : i32
        %parallel_loop3A_133 = vector.broadcast %parallel_loop3A_132 : i32 to vector<16xi32>
        %parallel_loop3A_134 = arith.cmpi sge, %parallel_loop3A_131, %parallel_loop3A_133 : vector<16xi32>
        %parallel_loop3A_135 = arith.constant 2048 : i32
        %parallel_loop3A_136 = vector.broadcast %parallel_loop3A_135 : i32 to vector<16xi32>
        %parallel_loop3A_137 = arith.subi %parallel_loop3A_131, %parallel_loop3A_136 : vector<16xi32>
        %parallel_loop3A_138 = arith.select %parallel_loop3A_134, %parallel_loop3A_137, %parallel_loop3A_131 : vector<16xi1>, vector<16xi32>
        %parallel_loop3A_139 = arith.addi %mul3A_3, %parallel_loop3A_138 : vector<16xi32>
        %parallel_loop3A_140 = tpu.vector_load_idx %arg5[%parallel_loop3A_139] : memref<32768xi32, #tpu.memory_space<vmem>>[vector<16xi32>], vector<16xi32>,
        %parallel_loop3A_141 = tpu.bitcast %parallel_loop3A_140 : vector<16xi32> -> vector<16xi32>
        %parallel_loop3A_142 = vector.broadcast %parallel_loop3A_54 : i32 to vector<16xi32>
        %parallel_loop3A_143 = arith.shrui %parallel_loop3A_141, %parallel_loop3A_142 : vector<16xi32>
        %parallel_loop3A_144 = arith.cmpi eq, %parallel_loop3A_143, %scan3A_42#1 : vector<16xi32>
        %parallel_loop3A_145 = vector.broadcast %parallel_loop3A_55 : i32 to vector<16xi32>
        %parallel_loop3A_146 = arith.shrui %parallel_loop3A_141, %parallel_loop3A_145 : vector<16xi32>
        %parallel_loop3A_147 = arith.constant 255 : i32
        %parallel_loop3A_148 = vector.broadcast %parallel_loop3A_147 : i32 to vector<16xi32>
        %parallel_loop3A_149 = arith.andi %parallel_loop3A_146, %parallel_loop3A_148 : vector<16xi32>
        %parallel_loop3A_150 = arith.constant 16 : i32
        %parallel_loop3A_151 = vector.broadcast %parallel_loop3A_150 : i32 to vector<16xi32>
        %parallel_loop3A_152 = arith.muli %parallel_loop3A_149, %parallel_loop3A_151 : vector<16xi32>
        %parallel_loop3A_153 = arith.addi %parallel_loop3A_152, %iota3A : vector<16xi32>
        tpu.vector_store_idx %arg6[%parallel_loop3A_153], %broadcast_in_dim3A_7 masked %parallel_loop3A_144 {add = true} : memref<4096xi32, #tpu.memory_space<vmem>>[vector<16xi32>], vector<16xi32>, vector<16xi1>
      } {sc.loop_unroll_factor = 8 : i64, sc.parallel_access}
      %broadcast_in_dim3A_56 = arith.constant 0 : i32
      %broadcast_in_dim3A_57 = vector.broadcast %broadcast_in_dim3A_56 : i32 to vector<16xi32>
      %broadcast_in_dim3A_58 = arith.constant false
      %broadcast_in_dim3A_59 = vector.broadcast %broadcast_in_dim3A_58 : i1 to vector<16xi1>
      %scan3A_60 = arith.constant 0 : i32
      %scan3A_61 = arith.constant 32 : i32
      %scan3A_62 = arith.addi %scan3A_60, %scan3A_61 : i32
      %scan3A_63 = arith.constant 1 : i32
      %scan3A_64:4 = scf.for %scan3A_129 = %scan3A_60 to %scan3A_62 step %scan3A_63 iter_args(%scan3A_130 = %broadcast_in_dim3A_57, %scan3A_131 = %broadcast_in_dim3A_57, %scan3A_132 = %broadcast_in_dim3A_57, %scan3A_133 = %broadcast_in_dim3A_59) -> (vector<16xi32>, vector<16xi32>, vector<16xi32>, vector<16xi1>)  : i32 {
        %mul3A_134 = arith.constant 8 : i32
        %mul3A_135 = arith.muli %scan3A_129, %mul3A_134 : i32
        %add3A_136 = arith.constant 0 : i32
        %add3A_137 = arith.addi %mul3A_135, %add3A_136 : i32
        %sub3A_138 = arith.constant 255 : i32
        %sub3A_139 = arith.subi %sub3A_138, %add3A_137 : i32
        %mul3A_140 = arith.constant 16 : i32
        %mul3A_141 = arith.muli %sub3A_139, %mul3A_140 : i32
        %get3A = arith.index_cast %mul3A_141 : i32 to index
        %get3A_142 = tpu.vector_load %arg6[%get3A] {strides = array<i32>} : memref<4096xi32, #tpu.memory_space<vmem>>, vector<16xi32>,
        %add3A_143 = arith.addi %scan3A_130, %get3A_142 : vector<16xi32>
        %ge3A = arith.cmpi sge, %add3A_143, %sub3A : vector<16xi32>
        %not3A = arith.constant dense<true> : vector<16xi1>
        %not3A_144 = arith.xori %scan3A_133, %not3A : vector<16xi1>
        %and3A = arith.andi %ge3A, %not3A_144 : vector<16xi1>
        %broadcast_in_dim3A_145 = vector.broadcast %sub3A_139 : i32 to vector<16xi32>
        %select_n3A = arith.select %and3A, %broadcast_in_dim3A_145, %scan3A_131 : vector<16xi1>, vector<16xi32>
        %select_n3A_146 = arith.select %and3A, %scan3A_130, %scan3A_132 : vector<16xi1>, vector<16xi32>
        %or3A_147 = arith.ori %scan3A_133, %and3A : vector<16xi1>
        %mul3A_148 = arith.constant 8 : i32
        %mul3A_149 = arith.muli %scan3A_129, %mul3A_148 : i32
        %add3A_150 = arith.constant 1 : i32
        %add3A_151 = arith.addi %mul3A_149, %add3A_150 : i32
        %sub3A_152 = arith.constant 255 : i32
        %sub3A_153 = arith.subi %sub3A_152, %add3A_151 : i32
        %mul3A_154 = arith.constant 16 : i32
        %mul3A_155 = arith.muli %sub3A_153, %mul3A_154 : i32
        %get3A_156 = arith.index_cast %mul3A_155 : i32 to index
        %get3A_157 = tpu.vector_load %arg6[%get3A_156] {strides = array<i32>} : memref<4096xi32, #tpu.memory_space<vmem>>, vector<16xi32>,
        %add3A_158 = arith.addi %add3A_143, %get3A_157 : vector<16xi32>
        %ge3A_159 = arith.cmpi sge, %add3A_158, %sub3A : vector<16xi32>
        %not3A_160 = arith.constant dense<true> : vector<16xi1>
        %not3A_161 = arith.xori %or3A_147, %not3A_160 : vector<16xi1>
        %and3A_162 = arith.andi %ge3A_159, %not3A_161 : vector<16xi1>
        %broadcast_in_dim3A_163 = vector.broadcast %sub3A_153 : i32 to vector<16xi32>
        %select_n3A_164 = arith.select %and3A_162, %broadcast_in_dim3A_163, %select_n3A : vector<16xi1>, vector<16xi32>
        %select_n3A_165 = arith.select %and3A_162, %add3A_143, %select_n3A_146 : vector<16xi1>, vector<16xi32>
        %or3A_166 = arith.ori %or3A_147, %and3A_162 : vector<16xi1>
        %mul3A_167 = arith.constant 8 : i32
        %mul3A_168 = arith.muli %scan3A_129, %mul3A_167 : i32
        %add3A_169 = arith.constant 2 : i32
        %add3A_170 = arith.addi %mul3A_168, %add3A_169 : i32
        %sub3A_171 = arith.constant 255 : i32
        %sub3A_172 = arith.subi %sub3A_171, %add3A_170 : i32
        %mul3A_173 = arith.constant 16 : i32
        %mul3A_174 = arith.muli %sub3A_172, %mul3A_173 : i32
        %get3A_175 = arith.index_cast %mul3A_174 : i32 to index
        %get3A_176 = tpu.vector_load %arg6[%get3A_175] {strides = array<i32>} : memref<4096xi32, #tpu.memory_space<vmem>>, vector<16xi32>,
        %add3A_177 = arith.addi %add3A_158, %get3A_176 : vector<16xi32>
        %ge3A_178 = arith.cmpi sge, %add3A_177, %sub3A : vector<16xi32>
        %not3A_179 = arith.constant dense<true> : vector<16xi1>
        %not3A_180 = arith.xori %or3A_166, %not3A_179 : vector<16xi1>
        %and3A_181 = arith.andi %ge3A_178, %not3A_180 : vector<16xi1>
        %broadcast_in_dim3A_182 = vector.broadcast %sub3A_172 : i32 to vector<16xi32>
        %select_n3A_183 = arith.select %and3A_181, %broadcast_in_dim3A_182, %select_n3A_164 : vector<16xi1>, vector<16xi32>
        %select_n3A_184 = arith.select %and3A_181, %add3A_158, %select_n3A_165 : vector<16xi1>, vector<16xi32>
        %or3A_185 = arith.ori %or3A_166, %and3A_181 : vector<16xi1>
        %mul3A_186 = arith.constant 8 : i32
        %mul3A_187 = arith.muli %scan3A_129, %mul3A_186 : i32
        %add3A_188 = arith.constant 3 : i32
        %add3A_189 = arith.addi %mul3A_187, %add3A_188 : i32
        %sub3A_190 = arith.constant 255 : i32
        %sub3A_191 = arith.subi %sub3A_190, %add3A_189 : i32
        %mul3A_192 = arith.constant 16 : i32
        %mul3A_193 = arith.muli %sub3A_191, %mul3A_192 : i32
        %get3A_194 = arith.index_cast %mul3A_193 : i32 to index
        %get3A_195 = tpu.vector_load %arg6[%get3A_194] {strides = array<i32>} : memref<4096xi32, #tpu.memory_space<vmem>>, vector<16xi32>,
        %add3A_196 = arith.addi %add3A_177, %get3A_195 : vector<16xi32>
        %ge3A_197 = arith.cmpi sge, %add3A_196, %sub3A : vector<16xi32>
        %not3A_198 = arith.constant dense<true> : vector<16xi1>
        %not3A_199 = arith.xori %or3A_185, %not3A_198 : vector<16xi1>
        %and3A_200 = arith.andi %ge3A_197, %not3A_199 : vector<16xi1>
        %broadcast_in_dim3A_201 = vector.broadcast %sub3A_191 : i32 to vector<16xi32>
        %select_n3A_202 = arith.select %and3A_200, %broadcast_in_dim3A_201, %select_n3A_183 : vector<16xi1>, vector<16xi32>
        %select_n3A_203 = arith.select %and3A_200, %add3A_177, %select_n3A_184 : vector<16xi1>, vector<16xi32>
        %or3A_204 = arith.ori %or3A_185, %and3A_200 : vector<16xi1>
        %mul3A_205 = arith.constant 8 : i32
        %mul3A_206 = arith.muli %scan3A_129, %mul3A_205 : i32
        %add3A_207 = arith.constant 4 : i32
        %add3A_208 = arith.addi %mul3A_206, %add3A_207 : i32
        %sub3A_209 = arith.constant 255 : i32
        %sub3A_210 = arith.subi %sub3A_209, %add3A_208 : i32
        %mul3A_211 = arith.constant 16 : i32
        %mul3A_212 = arith.muli %sub3A_210, %mul3A_211 : i32
        %get3A_213 = arith.index_cast %mul3A_212 : i32 to index
        %get3A_214 = tpu.vector_load %arg6[%get3A_213] {strides = array<i32>} : memref<4096xi32, #tpu.memory_space<vmem>>, vector<16xi32>,
        %add3A_215 = arith.addi %add3A_196, %get3A_214 : vector<16xi32>
        %ge3A_216 = arith.cmpi sge, %add3A_215, %sub3A : vector<16xi32>
        %not3A_217 = arith.constant dense<true> : vector<16xi1>
        %not3A_218 = arith.xori %or3A_204, %not3A_217 : vector<16xi1>
        %and3A_219 = arith.andi %ge3A_216, %not3A_218 : vector<16xi1>
        %broadcast_in_dim3A_220 = vector.broadcast %sub3A_210 : i32 to vector<16xi32>
        %select_n3A_221 = arith.select %and3A_219, %broadcast_in_dim3A_220, %select_n3A_202 : vector<16xi1>, vector<16xi32>
        %select_n3A_222 = arith.select %and3A_219, %add3A_196, %select_n3A_203 : vector<16xi1>, vector<16xi32>
        %or3A_223 = arith.ori %or3A_204, %and3A_219 : vector<16xi1>
        %mul3A_224 = arith.constant 8 : i32
        %mul3A_225 = arith.muli %scan3A_129, %mul3A_224 : i32
        %add3A_226 = arith.constant 5 : i32
        %add3A_227 = arith.addi %mul3A_225, %add3A_226 : i32
        %sub3A_228 = arith.constant 255 : i32
        %sub3A_229 = arith.subi %sub3A_228, %add3A_227 : i32
        %mul3A_230 = arith.constant 16 : i32
        %mul3A_231 = arith.muli %sub3A_229, %mul3A_230 : i32
        %get3A_232 = arith.index_cast %mul3A_231 : i32 to index
        %get3A_233 = tpu.vector_load %arg6[%get3A_232] {strides = array<i32>} : memref<4096xi32, #tpu.memory_space<vmem>>, vector<16xi32>,
        %add3A_234 = arith.addi %add3A_215, %get3A_233 : vector<16xi32>
        %ge3A_235 = arith.cmpi sge, %add3A_234, %sub3A : vector<16xi32>
        %not3A_236 = arith.constant dense<true> : vector<16xi1>
        %not3A_237 = arith.xori %or3A_223, %not3A_236 : vector<16xi1>
        %and3A_238 = arith.andi %ge3A_235, %not3A_237 : vector<16xi1>
        %broadcast_in_dim3A_239 = vector.broadcast %sub3A_229 : i32 to vector<16xi32>
        %select_n3A_240 = arith.select %and3A_238, %broadcast_in_dim3A_239, %select_n3A_221 : vector<16xi1>, vector<16xi32>
        %select_n3A_241 = arith.select %and3A_238, %add3A_215, %select_n3A_222 : vector<16xi1>, vector<16xi32>
        %or3A_242 = arith.ori %or3A_223, %and3A_238 : vector<16xi1>
        %mul3A_243 = arith.constant 8 : i32
        %mul3A_244 = arith.muli %scan3A_129, %mul3A_243 : i32
        %add3A_245 = arith.constant 6 : i32
        %add3A_246 = arith.addi %mul3A_244, %add3A_245 : i32
        %sub3A_247 = arith.constant 255 : i32
        %sub3A_248 = arith.subi %sub3A_247, %add3A_246 : i32
        %mul3A_249 = arith.constant 16 : i32
        %mul3A_250 = arith.muli %sub3A_248, %mul3A_249 : i32
        %get3A_251 = arith.index_cast %mul3A_250 : i32 to index
        %get3A_252 = tpu.vector_load %arg6[%get3A_251] {strides = array<i32>} : memref<4096xi32, #tpu.memory_space<vmem>>, vector<16xi32>,
        %add3A_253 = arith.addi %add3A_234, %get3A_252 : vector<16xi32>
        %ge3A_254 = arith.cmpi sge, %add3A_253, %sub3A : vector<16xi32>
        %not3A_255 = arith.constant dense<true> : vector<16xi1>
        %not3A_256 = arith.xori %or3A_242, %not3A_255 : vector<16xi1>
        %and3A_257 = arith.andi %ge3A_254, %not3A_256 : vector<16xi1>
        %broadcast_in_dim3A_258 = vector.broadcast %sub3A_248 : i32 to vector<16xi32>
        %select_n3A_259 = arith.select %and3A_257, %broadcast_in_dim3A_258, %select_n3A_240 : vector<16xi1>, vector<16xi32>
        %select_n3A_260 = arith.select %and3A_257, %add3A_234, %select_n3A_241 : vector<16xi1>, vector<16xi32>
        %or3A_261 = arith.ori %or3A_242, %and3A_257 : vector<16xi1>
        %mul3A_262 = arith.constant 8 : i32
        %mul3A_263 = arith.muli %scan3A_129, %mul3A_262 : i32
        %add3A_264 = arith.constant 7 : i32
        %add3A_265 = arith.addi %mul3A_263, %add3A_264 : i32
        %sub3A_266 = arith.constant 255 : i32
        %sub3A_267 = arith.subi %sub3A_266, %add3A_265 : i32
        %mul3A_268 = arith.constant 16 : i32
        %mul3A_269 = arith.muli %sub3A_267, %mul3A_268 : i32
        %get3A_270 = arith.index_cast %mul3A_269 : i32 to index
        %get3A_271 = tpu.vector_load %arg6[%get3A_270] {strides = array<i32>} : memref<4096xi32, #tpu.memory_space<vmem>>, vector<16xi32>,
        %add3A_272 = arith.addi %add3A_253, %get3A_271 : vector<16xi32>
        %ge3A_273 = arith.cmpi sge, %add3A_272, %sub3A : vector<16xi32>
        %not3A_274 = arith.constant dense<true> : vector<16xi1>
        %not3A_275 = arith.xori %or3A_261, %not3A_274 : vector<16xi1>
        %and3A_276 = arith.andi %ge3A_273, %not3A_275 : vector<16xi1>
        %broadcast_in_dim3A_277 = vector.broadcast %sub3A_267 : i32 to vector<16xi32>
        %select_n3A_278 = arith.select %and3A_276, %broadcast_in_dim3A_277, %select_n3A_259 : vector<16xi1>, vector<16xi32>
        %select_n3A_279 = arith.select %and3A_276, %add3A_253, %select_n3A_260 : vector<16xi1>, vector<16xi32>
        %or3A_280 = arith.ori %or3A_261, %and3A_276 : vector<16xi1>
        scf.yield %add3A_272, %select_n3A_278, %select_n3A_279, %or3A_280 : vector<16xi32>, vector<16xi32>, vector<16xi32>, vector<16xi1>
      }
      %scan3A_65 = arith.constant 32 : i32
      %sub3A_66 = arith.subi %sub3A, %scan3A_64#2 : vector<16xi32>
      %shift_left3A = arith.constant 8 : i32
      %shift_left3A_67 = vector.broadcast %shift_left3A : i32 to vector<16xi32>
      %shift_left3A_68 = arith.shli %scan3A_42#1, %shift_left3A_67 : vector<16xi32>
      %or3A = arith.ori %shift_left3A_68, %scan3A_64#1 : vector<16xi32>
      %scan3A_69 = arith.constant 0 : i32
      %scan3A_70 = arith.constant 0 : i32
      %scan3A_71 = arith.constant 32 : i32
      %scan3A_72 = arith.addi %scan3A_70, %scan3A_71 : i32
      %scan3A_73 = arith.constant 1 : i32
      %scan3A_74 = scf.for %scan3A_129 = %scan3A_70 to %scan3A_72 step %scan3A_73 iter_args(%scan3A_130 = %scan3A_69) -> (i32)  : i32 {
        %broadcast_in_dim3A_131 = arith.constant 0 : i32
        %broadcast_in_dim3A_132 = vector.broadcast %broadcast_in_dim3A_131 : i32 to vector<16xi32>
        %mul3A_133 = arith.constant 8 : i32
        %mul3A_134 = arith.muli %scan3A_129, %mul3A_133 : i32
        %add3A_135 = arith.constant 0 : i32
        %add3A_136 = arith.addi %mul3A_134, %add3A_135 : i32
        %mul3A_137 = arith.constant 16 : i32
        %mul3A_138 = arith.muli %add3A_136, %mul3A_137 : i32
        %swap3A = arith.index_cast %mul3A_138 : i32 to index
        %swap3A_139 = tpu.vector_load %arg6[%swap3A] {strides = array<i32>} : memref<4096xi32, #tpu.memory_space<vmem>>, vector<16xi32>,
        tpu.vector_store %arg6[%swap3A], %broadcast_in_dim3A_132 {strides = array<i32>} : memref<4096xi32, #tpu.memory_space<vmem>>, vector<16xi32>,
        %broadcast_in_dim3A_140 = arith.constant 0 : i32
        %broadcast_in_dim3A_141 = vector.broadcast %broadcast_in_dim3A_140 : i32 to vector<16xi32>
        %mul3A_142 = arith.constant 8 : i32
        %mul3A_143 = arith.muli %scan3A_129, %mul3A_142 : i32
        %add3A_144 = arith.constant 1 : i32
        %add3A_145 = arith.addi %mul3A_143, %add3A_144 : i32
        %mul3A_146 = arith.constant 16 : i32
        %mul3A_147 = arith.muli %add3A_145, %mul3A_146 : i32
        %swap3A_148 = arith.index_cast %mul3A_147 : i32 to index
        %swap3A_149 = tpu.vector_load %arg6[%swap3A_148] {strides = array<i32>} : memref<4096xi32, #tpu.memory_space<vmem>>, vector<16xi32>,
        tpu.vector_store %arg6[%swap3A_148], %broadcast_in_dim3A_141 {strides = array<i32>} : memref<4096xi32, #tpu.memory_space<vmem>>, vector<16xi32>,
        %broadcast_in_dim3A_150 = arith.constant 0 : i32
        %broadcast_in_dim3A_151 = vector.broadcast %broadcast_in_dim3A_150 : i32 to vector<16xi32>
        %mul3A_152 = arith.constant 8 : i32
        %mul3A_153 = arith.muli %scan3A_129, %mul3A_152 : i32
        %add3A_154 = arith.constant 2 : i32
        %add3A_155 = arith.addi %mul3A_153, %add3A_154 : i32
        %mul3A_156 = arith.constant 16 : i32
        %mul3A_157 = arith.muli %add3A_155, %mul3A_156 : i32
        %swap3A_158 = arith.index_cast %mul3A_157 : i32 to index
        %swap3A_159 = tpu.vector_load %arg6[%swap3A_158] {strides = array<i32>} : memref<4096xi32, #tpu.memory_space<vmem>>, vector<16xi32>,
        tpu.vector_store %arg6[%swap3A_158], %broadcast_in_dim3A_151 {strides = array<i32>} : memref<4096xi32, #tpu.memory_space<vmem>>, vector<16xi32>,
        %broadcast_in_dim3A_160 = arith.constant 0 : i32
        %broadcast_in_dim3A_161 = vector.broadcast %broadcast_in_dim3A_160 : i32 to vector<16xi32>
        %mul3A_162 = arith.constant 8 : i32
        %mul3A_163 = arith.muli %scan3A_129, %mul3A_162 : i32
        %add3A_164 = arith.constant 3 : i32
        %add3A_165 = arith.addi %mul3A_163, %add3A_164 : i32
        %mul3A_166 = arith.constant 16 : i32
        %mul3A_167 = arith.muli %add3A_165, %mul3A_166 : i32
        %swap3A_168 = arith.index_cast %mul3A_167 : i32 to index
        %swap3A_169 = tpu.vector_load %arg6[%swap3A_168] {strides = array<i32>} : memref<4096xi32, #tpu.memory_space<vmem>>, vector<16xi32>,
        tpu.vector_store %arg6[%swap3A_168], %broadcast_in_dim3A_161 {strides = array<i32>} : memref<4096xi32, #tpu.memory_space<vmem>>, vector<16xi32>,
        %broadcast_in_dim3A_170 = arith.constant 0 : i32
        %broadcast_in_dim3A_171 = vector.broadcast %broadcast_in_dim3A_170 : i32 to vector<16xi32>
        %mul3A_172 = arith.constant 8 : i32
        %mul3A_173 = arith.muli %scan3A_129, %mul3A_172 : i32
        %add3A_174 = arith.constant 4 : i32
        %add3A_175 = arith.addi %mul3A_173, %add3A_174 : i32
        %mul3A_176 = arith.constant 16 : i32
        %mul3A_177 = arith.muli %add3A_175, %mul3A_176 : i32
        %swap3A_178 = arith.index_cast %mul3A_177 : i32 to index
        %swap3A_179 = tpu.vector_load %arg6[%swap3A_178] {strides = array<i32>} : memref<4096xi32, #tpu.memory_space<vmem>>, vector<16xi32>,
        tpu.vector_store %arg6[%swap3A_178], %broadcast_in_dim3A_171 {strides = array<i32>} : memref<4096xi32, #tpu.memory_space<vmem>>, vector<16xi32>,
        %broadcast_in_dim3A_180 = arith.constant 0 : i32
        %broadcast_in_dim3A_181 = vector.broadcast %broadcast_in_dim3A_180 : i32 to vector<16xi32>
        %mul3A_182 = arith.constant 8 : i32
        %mul3A_183 = arith.muli %scan3A_129, %mul3A_182 : i32
        %add3A_184 = arith.constant 5 : i32
        %add3A_185 = arith.addi %mul3A_183, %add3A_184 : i32
        %mul3A_186 = arith.constant 16 : i32
        %mul3A_187 = arith.muli %add3A_185, %mul3A_186 : i32
        %swap3A_188 = arith.index_cast %mul3A_187 : i32 to index
        %swap3A_189 = tpu.vector_load %arg6[%swap3A_188] {strides = array<i32>} : memref<4096xi32, #tpu.memory_space<vmem>>, vector<16xi32>,
        tpu.vector_store %arg6[%swap3A_188], %broadcast_in_dim3A_181 {strides = array<i32>} : memref<4096xi32, #tpu.memory_space<vmem>>, vector<16xi32>,
        %broadcast_in_dim3A_190 = arith.constant 0 : i32
        %broadcast_in_dim3A_191 = vector.broadcast %broadcast_in_dim3A_190 : i32 to vector<16xi32>
        %mul3A_192 = arith.constant 8 : i32
        %mul3A_193 = arith.muli %scan3A_129, %mul3A_192 : i32
        %add3A_194 = arith.constant 6 : i32
        %add3A_195 = arith.addi %mul3A_193, %add3A_194 : i32
        %mul3A_196 = arith.constant 16 : i32
        %mul3A_197 = arith.muli %add3A_195, %mul3A_196 : i32
        %swap3A_198 = arith.index_cast %mul3A_197 : i32 to index
        %swap3A_199 = tpu.vector_load %arg6[%swap3A_198] {strides = array<i32>} : memref<4096xi32, #tpu.memory_space<vmem>>, vector<16xi32>,
        tpu.vector_store %arg6[%swap3A_198], %broadcast_in_dim3A_191 {strides = array<i32>} : memref<4096xi32, #tpu.memory_space<vmem>>, vector<16xi32>,
        %broadcast_in_dim3A_200 = arith.constant 0 : i32
        %broadcast_in_dim3A_201 = vector.broadcast %broadcast_in_dim3A_200 : i32 to vector<16xi32>
        %mul3A_202 = arith.constant 8 : i32
        %mul3A_203 = arith.muli %scan3A_129, %mul3A_202 : i32
        %add3A_204 = arith.constant 7 : i32
        %add3A_205 = arith.addi %mul3A_203, %add3A_204 : i32
        %mul3A_206 = arith.constant 16 : i32
        %mul3A_207 = arith.muli %add3A_205, %mul3A_206 : i32
        %swap3A_208 = arith.index_cast %mul3A_207 : i32 to index
        %swap3A_209 = tpu.vector_load %arg6[%swap3A_208] {strides = array<i32>} : memref<4096xi32, #tpu.memory_space<vmem>>, vector<16xi32>,
        tpu.vector_store %arg6[%swap3A_208], %broadcast_in_dim3A_201 {strides = array<i32>} : memref<4096xi32, #tpu.memory_space<vmem>>, vector<16xi32>,
        %scan3A_210 = arith.constant 0 : i32
        scf.yield %scan3A_210 : i32
      }
      %scan3A_75 = arith.constant 32 : i32
      %parallel_loop3A_76 = arith.constant 0 : i32
      %parallel_loop3A_77 = arith.constant 2048 : i32
      %parallel_loop3A_78 = arith.constant 1 : i32
      %parallel_loop3A_79 = arith.constant 16 : i32
      %parallel_loop3A_80 = arith.constant 8 : i32
      scf.for %parallel_loop3A_129 = %parallel_loop3A_76 to %parallel_loop3A_77 step %parallel_loop3A_78  : i32 {
        %parallel_loop3A_130 = vector.broadcast %parallel_loop3A_129 : i32 to vector<16xi32>
        %parallel_loop3A_131 = arith.addi %parallel_loop3A_130, %mul3A_6 : vector<16xi32>
        %parallel_loop3A_132 = arith.constant 2048 : i32
        %parallel_loop3A_133 = vector.broadcast %parallel_loop3A_132 : i32 to vector<16xi32>
        %parallel_loop3A_134 = arith.cmpi sge, %parallel_loop3A_131, %parallel_loop3A_133 : vector<16xi32>
        %parallel_loop3A_135 = arith.constant 2048 : i32
        %parallel_loop3A_136 = vector.broadcast %parallel_loop3A_135 : i32 to vector<16xi32>
        %parallel_loop3A_137 = arith.subi %parallel_loop3A_131, %parallel_loop3A_136 : vector<16xi32>
        %parallel_loop3A_138 = arith.select %parallel_loop3A_134, %parallel_loop3A_137, %parallel_loop3A_131 : vector<16xi1>, vector<16xi32>
        %parallel_loop3A_139 = arith.addi %mul3A_3, %parallel_loop3A_138 : vector<16xi32>
        %parallel_loop3A_140 = tpu.vector_load_idx %arg5[%parallel_loop3A_139] : memref<32768xi32, #tpu.memory_space<vmem>>[vector<16xi32>], vector<16xi32>,
        %parallel_loop3A_141 = tpu.bitcast %parallel_loop3A_140 : vector<16xi32> -> vector<16xi32>
        %parallel_loop3A_142 = vector.broadcast %parallel_loop3A_79 : i32 to vector<16xi32>
        %parallel_loop3A_143 = arith.shrui %parallel_loop3A_141, %parallel_loop3A_142 : vector<16xi32>
        %parallel_loop3A_144 = arith.cmpi eq, %parallel_loop3A_143, %or3A : vector<16xi32>
        %parallel_loop3A_145 = vector.broadcast %parallel_loop3A_80 : i32 to vector<16xi32>
        %parallel_loop3A_146 = arith.shrui %parallel_loop3A_141, %parallel_loop3A_145 : vector<16xi32>
        %parallel_loop3A_147 = arith.constant 255 : i32
        %parallel_loop3A_148 = vector.broadcast %parallel_loop3A_147 : i32 to vector<16xi32>
        %parallel_loop3A_149 = arith.andi %parallel_loop3A_146, %parallel_loop3A_148 : vector<16xi32>
        %parallel_loop3A_150 = arith.constant 16 : i32
        %parallel_loop3A_151 = vector.broadcast %parallel_loop3A_150 : i32 to vector<16xi32>
        %parallel_loop3A_152 = arith.muli %parallel_loop3A_149, %parallel_loop3A_151 : vector<16xi32>
        %parallel_loop3A_153 = arith.addi %parallel_loop3A_152, %iota3A : vector<16xi32>
        tpu.vector_store_idx %arg6[%parallel_loop3A_153], %broadcast_in_dim3A_7 masked %parallel_loop3A_144 {add = true} : memref<4096xi32, #tpu.memory_space<vmem>>[vector<16xi32>], vector<16xi32>, vector<16xi1>
      } {sc.loop_unroll_factor = 8 : i64, sc.parallel_access}
      %broadcast_in_dim3A_81 = arith.constant 0 : i32
      %broadcast_in_dim3A_82 = vector.broadcast %broadcast_in_dim3A_81 : i32 to vector<16xi32>
      %broadcast_in_dim3A_83 = arith.constant false
      %broadcast_in_dim3A_84 = vector.broadcast %broadcast_in_dim3A_83 : i1 to vector<16xi1>
      %scan3A_85 = arith.constant 0 : i32
      %scan3A_86 = arith.constant 32 : i32
      %scan3A_87 = arith.addi %scan3A_85, %scan3A_86 : i32
      %scan3A_88 = arith.constant 1 : i32
      %scan3A_89:4 = scf.for %scan3A_129 = %scan3A_85 to %scan3A_87 step %scan3A_88 iter_args(%scan3A_130 = %broadcast_in_dim3A_82, %scan3A_131 = %broadcast_in_dim3A_82, %scan3A_132 = %broadcast_in_dim3A_82, %scan3A_133 = %broadcast_in_dim3A_84) -> (vector<16xi32>, vector<16xi32>, vector<16xi32>, vector<16xi1>)  : i32 {
        %mul3A_134 = arith.constant 8 : i32
        %mul3A_135 = arith.muli %scan3A_129, %mul3A_134 : i32
        %add3A_136 = arith.constant 0 : i32
        %add3A_137 = arith.addi %mul3A_135, %add3A_136 : i32
        %sub3A_138 = arith.constant 255 : i32
        %sub3A_139 = arith.subi %sub3A_138, %add3A_137 : i32
        %mul3A_140 = arith.constant 16 : i32
        %mul3A_141 = arith.muli %sub3A_139, %mul3A_140 : i32
        %get3A = arith.index_cast %mul3A_141 : i32 to index
        %get3A_142 = tpu.vector_load %arg6[%get3A] {strides = array<i32>} : memref<4096xi32, #tpu.memory_space<vmem>>, vector<16xi32>,
        %add3A_143 = arith.addi %scan3A_130, %get3A_142 : vector<16xi32>
        %ge3A = arith.cmpi sge, %add3A_143, %sub3A_66 : vector<16xi32>
        %not3A = arith.constant dense<true> : vector<16xi1>
        %not3A_144 = arith.xori %scan3A_133, %not3A : vector<16xi1>
        %and3A = arith.andi %ge3A, %not3A_144 : vector<16xi1>
        %broadcast_in_dim3A_145 = vector.broadcast %sub3A_139 : i32 to vector<16xi32>
        %select_n3A = arith.select %and3A, %broadcast_in_dim3A_145, %scan3A_131 : vector<16xi1>, vector<16xi32>
        %select_n3A_146 = arith.select %and3A, %scan3A_130, %scan3A_132 : vector<16xi1>, vector<16xi32>
        %or3A_147 = arith.ori %scan3A_133, %and3A : vector<16xi1>
        %mul3A_148 = arith.constant 8 : i32
        %mul3A_149 = arith.muli %scan3A_129, %mul3A_148 : i32
        %add3A_150 = arith.constant 1 : i32
        %add3A_151 = arith.addi %mul3A_149, %add3A_150 : i32
        %sub3A_152 = arith.constant 255 : i32
        %sub3A_153 = arith.subi %sub3A_152, %add3A_151 : i32
        %mul3A_154 = arith.constant 16 : i32
        %mul3A_155 = arith.muli %sub3A_153, %mul3A_154 : i32
        %get3A_156 = arith.index_cast %mul3A_155 : i32 to index
        %get3A_157 = tpu.vector_load %arg6[%get3A_156] {strides = array<i32>} : memref<4096xi32, #tpu.memory_space<vmem>>, vector<16xi32>,
        %add3A_158 = arith.addi %add3A_143, %get3A_157 : vector<16xi32>
        %ge3A_159 = arith.cmpi sge, %add3A_158, %sub3A_66 : vector<16xi32>
        %not3A_160 = arith.constant dense<true> : vector<16xi1>
        %not3A_161 = arith.xori %or3A_147, %not3A_160 : vector<16xi1>
        %and3A_162 = arith.andi %ge3A_159, %not3A_161 : vector<16xi1>
        %broadcast_in_dim3A_163 = vector.broadcast %sub3A_153 : i32 to vector<16xi32>
        %select_n3A_164 = arith.select %and3A_162, %broadcast_in_dim3A_163, %select_n3A : vector<16xi1>, vector<16xi32>
        %select_n3A_165 = arith.select %and3A_162, %add3A_143, %select_n3A_146 : vector<16xi1>, vector<16xi32>
        %or3A_166 = arith.ori %or3A_147, %and3A_162 : vector<16xi1>
        %mul3A_167 = arith.constant 8 : i32
        %mul3A_168 = arith.muli %scan3A_129, %mul3A_167 : i32
        %add3A_169 = arith.constant 2 : i32
        %add3A_170 = arith.addi %mul3A_168, %add3A_169 : i32
        %sub3A_171 = arith.constant 255 : i32
        %sub3A_172 = arith.subi %sub3A_171, %add3A_170 : i32
        %mul3A_173 = arith.constant 16 : i32
        %mul3A_174 = arith.muli %sub3A_172, %mul3A_173 : i32
        %get3A_175 = arith.index_cast %mul3A_174 : i32 to index
        %get3A_176 = tpu.vector_load %arg6[%get3A_175] {strides = array<i32>} : memref<4096xi32, #tpu.memory_space<vmem>>, vector<16xi32>,
        %add3A_177 = arith.addi %add3A_158, %get3A_176 : vector<16xi32>
        %ge3A_178 = arith.cmpi sge, %add3A_177, %sub3A_66 : vector<16xi32>
        %not3A_179 = arith.constant dense<true> : vector<16xi1>
        %not3A_180 = arith.xori %or3A_166, %not3A_179 : vector<16xi1>
        %and3A_181 = arith.andi %ge3A_178, %not3A_180 : vector<16xi1>
        %broadcast_in_dim3A_182 = vector.broadcast %sub3A_172 : i32 to vector<16xi32>
        %select_n3A_183 = arith.select %and3A_181, %broadcast_in_dim3A_182, %select_n3A_164 : vector<16xi1>, vector<16xi32>
        %select_n3A_184 = arith.select %and3A_181, %add3A_158, %select_n3A_165 : vector<16xi1>, vector<16xi32>
        %or3A_185 = arith.ori %or3A_166, %and3A_181 : vector<16xi1>
        %mul3A_186 = arith.constant 8 : i32
        %mul3A_187 = arith.muli %scan3A_129, %mul3A_186 : i32
        %add3A_188 = arith.constant 3 : i32
        %add3A_189 = arith.addi %mul3A_187, %add3A_188 : i32
        %sub3A_190 = arith.constant 255 : i32
        %sub3A_191 = arith.subi %sub3A_190, %add3A_189 : i32
        %mul3A_192 = arith.constant 16 : i32
        %mul3A_193 = arith.muli %sub3A_191, %mul3A_192 : i32
        %get3A_194 = arith.index_cast %mul3A_193 : i32 to index
        %get3A_195 = tpu.vector_load %arg6[%get3A_194] {strides = array<i32>} : memref<4096xi32, #tpu.memory_space<vmem>>, vector<16xi32>,
        %add3A_196 = arith.addi %add3A_177, %get3A_195 : vector<16xi32>
        %ge3A_197 = arith.cmpi sge, %add3A_196, %sub3A_66 : vector<16xi32>
        %not3A_198 = arith.constant dense<true> : vector<16xi1>
        %not3A_199 = arith.xori %or3A_185, %not3A_198 : vector<16xi1>
        %and3A_200 = arith.andi %ge3A_197, %not3A_199 : vector<16xi1>
        %broadcast_in_dim3A_201 = vector.broadcast %sub3A_191 : i32 to vector<16xi32>
        %select_n3A_202 = arith.select %and3A_200, %broadcast_in_dim3A_201, %select_n3A_183 : vector<16xi1>, vector<16xi32>
        %select_n3A_203 = arith.select %and3A_200, %add3A_177, %select_n3A_184 : vector<16xi1>, vector<16xi32>
        %or3A_204 = arith.ori %or3A_185, %and3A_200 : vector<16xi1>
        %mul3A_205 = arith.constant 8 : i32
        %mul3A_206 = arith.muli %scan3A_129, %mul3A_205 : i32
        %add3A_207 = arith.constant 4 : i32
        %add3A_208 = arith.addi %mul3A_206, %add3A_207 : i32
        %sub3A_209 = arith.constant 255 : i32
        %sub3A_210 = arith.subi %sub3A_209, %add3A_208 : i32
        %mul3A_211 = arith.constant 16 : i32
        %mul3A_212 = arith.muli %sub3A_210, %mul3A_211 : i32
        %get3A_213 = arith.index_cast %mul3A_212 : i32 to index
        %get3A_214 = tpu.vector_load %arg6[%get3A_213] {strides = array<i32>} : memref<4096xi32, #tpu.memory_space<vmem>>, vector<16xi32>,
        %add3A_215 = arith.addi %add3A_196, %get3A_214 : vector<16xi32>
        %ge3A_216 = arith.cmpi sge, %add3A_215, %sub3A_66 : vector<16xi32>
        %not3A_217 = arith.constant dense<true> : vector<16xi1>
        %not3A_218 = arith.xori %or3A_204, %not3A_217 : vector<16xi1>
        %and3A_219 = arith.andi %ge3A_216, %not3A_218 : vector<16xi1>
        %broadcast_in_dim3A_220 = vector.broadcast %sub3A_210 : i32 to vector<16xi32>
        %select_n3A_221 = arith.select %and3A_219, %broadcast_in_dim3A_220, %select_n3A_202 : vector<16xi1>, vector<16xi32>
        %select_n3A_222 = arith.select %and3A_219, %add3A_196, %select_n3A_203 : vector<16xi1>, vector<16xi32>
        %or3A_223 = arith.ori %or3A_204, %and3A_219 : vector<16xi1>
        %mul3A_224 = arith.constant 8 : i32
        %mul3A_225 = arith.muli %scan3A_129, %mul3A_224 : i32
        %add3A_226 = arith.constant 5 : i32
        %add3A_227 = arith.addi %mul3A_225, %add3A_226 : i32
        %sub3A_228 = arith.constant 255 : i32
        %sub3A_229 = arith.subi %sub3A_228, %add3A_227 : i32
        %mul3A_230 = arith.constant 16 : i32
        %mul3A_231 = arith.muli %sub3A_229, %mul3A_230 : i32
        %get3A_232 = arith.index_cast %mul3A_231 : i32 to index
        %get3A_233 = tpu.vector_load %arg6[%get3A_232] {strides = array<i32>} : memref<4096xi32, #tpu.memory_space<vmem>>, vector<16xi32>,
        %add3A_234 = arith.addi %add3A_215, %get3A_233 : vector<16xi32>
        %ge3A_235 = arith.cmpi sge, %add3A_234, %sub3A_66 : vector<16xi32>
        %not3A_236 = arith.constant dense<true> : vector<16xi1>
        %not3A_237 = arith.xori %or3A_223, %not3A_236 : vector<16xi1>
        %and3A_238 = arith.andi %ge3A_235, %not3A_237 : vector<16xi1>
        %broadcast_in_dim3A_239 = vector.broadcast %sub3A_229 : i32 to vector<16xi32>
        %select_n3A_240 = arith.select %and3A_238, %broadcast_in_dim3A_239, %select_n3A_221 : vector<16xi1>, vector<16xi32>
        %select_n3A_241 = arith.select %and3A_238, %add3A_215, %select_n3A_222 : vector<16xi1>, vector<16xi32>
        %or3A_242 = arith.ori %or3A_223, %and3A_238 : vector<16xi1>
        %mul3A_243 = arith.constant 8 : i32
        %mul3A_244 = arith.muli %scan3A_129, %mul3A_243 : i32
        %add3A_245 = arith.constant 6 : i32
        %add3A_246 = arith.addi %mul3A_244, %add3A_245 : i32
        %sub3A_247 = arith.constant 255 : i32
        %sub3A_248 = arith.subi %sub3A_247, %add3A_246 : i32
        %mul3A_249 = arith.constant 16 : i32
        %mul3A_250 = arith.muli %sub3A_248, %mul3A_249 : i32
        %get3A_251 = arith.index_cast %mul3A_250 : i32 to index
        %get3A_252 = tpu.vector_load %arg6[%get3A_251] {strides = array<i32>} : memref<4096xi32, #tpu.memory_space<vmem>>, vector<16xi32>,
        %add3A_253 = arith.addi %add3A_234, %get3A_252 : vector<16xi32>
        %ge3A_254 = arith.cmpi sge, %add3A_253, %sub3A_66 : vector<16xi32>
        %not3A_255 = arith.constant dense<true> : vector<16xi1>
        %not3A_256 = arith.xori %or3A_242, %not3A_255 : vector<16xi1>
        %and3A_257 = arith.andi %ge3A_254, %not3A_256 : vector<16xi1>
        %broadcast_in_dim3A_258 = vector.broadcast %sub3A_248 : i32 to vector<16xi32>
        %select_n3A_259 = arith.select %and3A_257, %broadcast_in_dim3A_258, %select_n3A_240 : vector<16xi1>, vector<16xi32>
        %select_n3A_260 = arith.select %and3A_257, %add3A_234, %select_n3A_241 : vector<16xi1>, vector<16xi32>
        %or3A_261 = arith.ori %or3A_242, %and3A_257 : vector<16xi1>
        %mul3A_262 = arith.constant 8 : i32
        %mul3A_263 = arith.muli %scan3A_129, %mul3A_262 : i32
        %add3A_264 = arith.constant 7 : i32
        %add3A_265 = arith.addi %mul3A_263, %add3A_264 : i32
        %sub3A_266 = arith.constant 255 : i32
        %sub3A_267 = arith.subi %sub3A_266, %add3A_265 : i32
        %mul3A_268 = arith.constant 16 : i32
        %mul3A_269 = arith.muli %sub3A_267, %mul3A_268 : i32
        %get3A_270 = arith.index_cast %mul3A_269 : i32 to index
        %get3A_271 = tpu.vector_load %arg6[%get3A_270] {strides = array<i32>} : memref<4096xi32, #tpu.memory_space<vmem>>, vector<16xi32>,
        %add3A_272 = arith.addi %add3A_253, %get3A_271 : vector<16xi32>
        %ge3A_273 = arith.cmpi sge, %add3A_272, %sub3A_66 : vector<16xi32>
        %not3A_274 = arith.constant dense<true> : vector<16xi1>
        %not3A_275 = arith.xori %or3A_261, %not3A_274 : vector<16xi1>
        %and3A_276 = arith.andi %ge3A_273, %not3A_275 : vector<16xi1>
        %broadcast_in_dim3A_277 = vector.broadcast %sub3A_267 : i32 to vector<16xi32>
        %select_n3A_278 = arith.select %and3A_276, %broadcast_in_dim3A_277, %select_n3A_259 : vector<16xi1>, vector<16xi32>
        %select_n3A_279 = arith.select %and3A_276, %add3A_253, %select_n3A_260 : vector<16xi1>, vector<16xi32>
        %or3A_280 = arith.ori %or3A_261, %and3A_276 : vector<16xi1>
        scf.yield %add3A_272, %select_n3A_278, %select_n3A_279, %or3A_280 : vector<16xi32>, vector<16xi32>, vector<16xi32>, vector<16xi1>
      }
      %scan3A_90 = arith.constant 32 : i32
      %sub3A_91 = arith.subi %sub3A_66, %scan3A_89#2 : vector<16xi32>
      %shift_left3A_92 = arith.constant 8 : i32
      %shift_left3A_93 = vector.broadcast %shift_left3A_92 : i32 to vector<16xi32>
      %shift_left3A_94 = arith.shli %or3A, %shift_left3A_93 : vector<16xi32>
      %or3A_95 = arith.ori %shift_left3A_94, %scan3A_89#1 : vector<16xi32>
      %scan3A_96 = arith.constant 0 : i32
      %scan3A_97 = arith.constant 0 : i32
      %scan3A_98 = arith.constant 32 : i32
      %scan3A_99 = arith.addi %scan3A_97, %scan3A_98 : i32
      %scan3A_100 = arith.constant 1 : i32
      %scan3A_101 = scf.for %scan3A_129 = %scan3A_97 to %scan3A_99 step %scan3A_100 iter_args(%scan3A_130 = %scan3A_96) -> (i32)  : i32 {
        %broadcast_in_dim3A_131 = arith.constant 0 : i32
        %broadcast_in_dim3A_132 = vector.broadcast %broadcast_in_dim3A_131 : i32 to vector<16xi32>
        %mul3A_133 = arith.constant 8 : i32
        %mul3A_134 = arith.muli %scan3A_129, %mul3A_133 : i32
        %add3A_135 = arith.constant 0 : i32
        %add3A_136 = arith.addi %mul3A_134, %add3A_135 : i32
        %mul3A_137 = arith.constant 16 : i32
        %mul3A_138 = arith.muli %add3A_136, %mul3A_137 : i32
        %swap3A = arith.index_cast %mul3A_138 : i32 to index
        %swap3A_139 = tpu.vector_load %arg6[%swap3A] {strides = array<i32>} : memref<4096xi32, #tpu.memory_space<vmem>>, vector<16xi32>,
        tpu.vector_store %arg6[%swap3A], %broadcast_in_dim3A_132 {strides = array<i32>} : memref<4096xi32, #tpu.memory_space<vmem>>, vector<16xi32>,
        %broadcast_in_dim3A_140 = arith.constant 0 : i32
        %broadcast_in_dim3A_141 = vector.broadcast %broadcast_in_dim3A_140 : i32 to vector<16xi32>
        %mul3A_142 = arith.constant 8 : i32
        %mul3A_143 = arith.muli %scan3A_129, %mul3A_142 : i32
        %add3A_144 = arith.constant 1 : i32
        %add3A_145 = arith.addi %mul3A_143, %add3A_144 : i32
        %mul3A_146 = arith.constant 16 : i32
        %mul3A_147 = arith.muli %add3A_145, %mul3A_146 : i32
        %swap3A_148 = arith.index_cast %mul3A_147 : i32 to index
        %swap3A_149 = tpu.vector_load %arg6[%swap3A_148] {strides = array<i32>} : memref<4096xi32, #tpu.memory_space<vmem>>, vector<16xi32>,
        tpu.vector_store %arg6[%swap3A_148], %broadcast_in_dim3A_141 {strides = array<i32>} : memref<4096xi32, #tpu.memory_space<vmem>>, vector<16xi32>,
        %broadcast_in_dim3A_150 = arith.constant 0 : i32
        %broadcast_in_dim3A_151 = vector.broadcast %broadcast_in_dim3A_150 : i32 to vector<16xi32>
        %mul3A_152 = arith.constant 8 : i32
        %mul3A_153 = arith.muli %scan3A_129, %mul3A_152 : i32
        %add3A_154 = arith.constant 2 : i32
        %add3A_155 = arith.addi %mul3A_153, %add3A_154 : i32
        %mul3A_156 = arith.constant 16 : i32
        %mul3A_157 = arith.muli %add3A_155, %mul3A_156 : i32
        %swap3A_158 = arith.index_cast %mul3A_157 : i32 to index
        %swap3A_159 = tpu.vector_load %arg6[%swap3A_158] {strides = array<i32>} : memref<4096xi32, #tpu.memory_space<vmem>>, vector<16xi32>,
        tpu.vector_store %arg6[%swap3A_158], %broadcast_in_dim3A_151 {strides = array<i32>} : memref<4096xi32, #tpu.memory_space<vmem>>, vector<16xi32>,
        %broadcast_in_dim3A_160 = arith.constant 0 : i32
        %broadcast_in_dim3A_161 = vector.broadcast %broadcast_in_dim3A_160 : i32 to vector<16xi32>
        %mul3A_162 = arith.constant 8 : i32
        %mul3A_163 = arith.muli %scan3A_129, %mul3A_162 : i32
        %add3A_164 = arith.constant 3 : i32
        %add3A_165 = arith.addi %mul3A_163, %add3A_164 : i32
        %mul3A_166 = arith.constant 16 : i32
        %mul3A_167 = arith.muli %add3A_165, %mul3A_166 : i32
        %swap3A_168 = arith.index_cast %mul3A_167 : i32 to index
        %swap3A_169 = tpu.vector_load %arg6[%swap3A_168] {strides = array<i32>} : memref<4096xi32, #tpu.memory_space<vmem>>, vector<16xi32>,
        tpu.vector_store %arg6[%swap3A_168], %broadcast_in_dim3A_161 {strides = array<i32>} : memref<4096xi32, #tpu.memory_space<vmem>>, vector<16xi32>,
        %broadcast_in_dim3A_170 = arith.constant 0 : i32
        %broadcast_in_dim3A_171 = vector.broadcast %broadcast_in_dim3A_170 : i32 to vector<16xi32>
        %mul3A_172 = arith.constant 8 : i32
        %mul3A_173 = arith.muli %scan3A_129, %mul3A_172 : i32
        %add3A_174 = arith.constant 4 : i32
        %add3A_175 = arith.addi %mul3A_173, %add3A_174 : i32
        %mul3A_176 = arith.constant 16 : i32
        %mul3A_177 = arith.muli %add3A_175, %mul3A_176 : i32
        %swap3A_178 = arith.index_cast %mul3A_177 : i32 to index
        %swap3A_179 = tpu.vector_load %arg6[%swap3A_178] {strides = array<i32>} : memref<4096xi32, #tpu.memory_space<vmem>>, vector<16xi32>,
        tpu.vector_store %arg6[%swap3A_178], %broadcast_in_dim3A_171 {strides = array<i32>} : memref<4096xi32, #tpu.memory_space<vmem>>, vector<16xi32>,
        %broadcast_in_dim3A_180 = arith.constant 0 : i32
        %broadcast_in_dim3A_181 = vector.broadcast %broadcast_in_dim3A_180 : i32 to vector<16xi32>
        %mul3A_182 = arith.constant 8 : i32
        %mul3A_183 = arith.muli %scan3A_129, %mul3A_182 : i32
        %add3A_184 = arith.constant 5 : i32
        %add3A_185 = arith.addi %mul3A_183, %add3A_184 : i32
        %mul3A_186 = arith.constant 16 : i32
        %mul3A_187 = arith.muli %add3A_185, %mul3A_186 : i32
        %swap3A_188 = arith.index_cast %mul3A_187 : i32 to index
        %swap3A_189 = tpu.vector_load %arg6[%swap3A_188] {strides = array<i32>} : memref<4096xi32, #tpu.memory_space<vmem>>, vector<16xi32>,
        tpu.vector_store %arg6[%swap3A_188], %broadcast_in_dim3A_181 {strides = array<i32>} : memref<4096xi32, #tpu.memory_space<vmem>>, vector<16xi32>,
        %broadcast_in_dim3A_190 = arith.constant 0 : i32
        %broadcast_in_dim3A_191 = vector.broadcast %broadcast_in_dim3A_190 : i32 to vector<16xi32>
        %mul3A_192 = arith.constant 8 : i32
        %mul3A_193 = arith.muli %scan3A_129, %mul3A_192 : i32
        %add3A_194 = arith.constant 6 : i32
        %add3A_195 = arith.addi %mul3A_193, %add3A_194 : i32
        %mul3A_196 = arith.constant 16 : i32
        %mul3A_197 = arith.muli %add3A_195, %mul3A_196 : i32
        %swap3A_198 = arith.index_cast %mul3A_197 : i32 to index
        %swap3A_199 = tpu.vector_load %arg6[%swap3A_198] {strides = array<i32>} : memref<4096xi32, #tpu.memory_space<vmem>>, vector<16xi32>,
        tpu.vector_store %arg6[%swap3A_198], %broadcast_in_dim3A_191 {strides = array<i32>} : memref<4096xi32, #tpu.memory_space<vmem>>, vector<16xi32>,
        %broadcast_in_dim3A_200 = arith.constant 0 : i32
        %broadcast_in_dim3A_201 = vector.broadcast %broadcast_in_dim3A_200 : i32 to vector<16xi32>
        %mul3A_202 = arith.constant 8 : i32
        %mul3A_203 = arith.muli %scan3A_129, %mul3A_202 : i32
        %add3A_204 = arith.constant 7 : i32
        %add3A_205 = arith.addi %mul3A_203, %add3A_204 : i32
        %mul3A_206 = arith.constant 16 : i32
        %mul3A_207 = arith.muli %add3A_205, %mul3A_206 : i32
        %swap3A_208 = arith.index_cast %mul3A_207 : i32 to index
        %swap3A_209 = tpu.vector_load %arg6[%swap3A_208] {strides = array<i32>} : memref<4096xi32, #tpu.memory_space<vmem>>, vector<16xi32>,
        tpu.vector_store %arg6[%swap3A_208], %broadcast_in_dim3A_201 {strides = array<i32>} : memref<4096xi32, #tpu.memory_space<vmem>>, vector<16xi32>,
        %scan3A_210 = arith.constant 0 : i32
        scf.yield %scan3A_210 : i32
      }
      %scan3A_102 = arith.constant 32 : i32
      %parallel_loop3A_103 = arith.constant 0 : i32
      %parallel_loop3A_104 = arith.constant 2048 : i32
      %parallel_loop3A_105 = arith.constant 1 : i32
      %parallel_loop3A_106 = arith.constant 8 : i32
      %parallel_loop3A_107 = arith.constant 0 : i32
      scf.for %parallel_loop3A_129 = %parallel_loop3A_103 to %parallel_loop3A_104 step %parallel_loop3A_105  : i32 {
        %parallel_loop3A_130 = vector.broadcast %parallel_loop3A_129 : i32 to vector<16xi32>
        %parallel_loop3A_131 = arith.addi %parallel_loop3A_130, %mul3A_6 : vector<16xi32>
        %parallel_loop3A_132 = arith.constant 2048 : i32
        %parallel_loop3A_133 = vector.broadcast %parallel_loop3A_132 : i32 to vector<16xi32>
        %parallel_loop3A_134 = arith.cmpi sge, %parallel_loop3A_131, %parallel_loop3A_133 : vector<16xi32>
        %parallel_loop3A_135 = arith.constant 2048 : i32
        %parallel_loop3A_136 = vector.broadcast %parallel_loop3A_135 : i32 to vector<16xi32>
        %parallel_loop3A_137 = arith.subi %parallel_loop3A_131, %parallel_loop3A_136 : vector<16xi32>
        %parallel_loop3A_138 = arith.select %parallel_loop3A_134, %parallel_loop3A_137, %parallel_loop3A_131 : vector<16xi1>, vector<16xi32>
        %parallel_loop3A_139 = arith.addi %mul3A_3, %parallel_loop3A_138 : vector<16xi32>
        %parallel_loop3A_140 = tpu.vector_load_idx %arg5[%parallel_loop3A_139] : memref<32768xi32, #tpu.memory_space<vmem>>[vector<16xi32>], vector<16xi32>,
        %parallel_loop3A_141 = tpu.bitcast %parallel_loop3A_140 : vector<16xi32> -> vector<16xi32>
        %parallel_loop3A_142 = vector.broadcast %parallel_loop3A_106 : i32 to vector<16xi32>
        %parallel_loop3A_143 = arith.shrui %parallel_loop3A_141, %parallel_loop3A_142 : vector<16xi32>
        %parallel_loop3A_144 = arith.cmpi eq, %parallel_loop3A_143, %or3A_95 : vector<16xi32>
        %parallel_loop3A_145 = vector.broadcast %parallel_loop3A_107 : i32 to vector<16xi32>
        %parallel_loop3A_146 = arith.shrui %parallel_loop3A_141, %parallel_loop3A_145 : vector<16xi32>
        %parallel_loop3A_147 = arith.constant 255 : i32
        %parallel_loop3A_148 = vector.broadcast %parallel_loop3A_147 : i32 to vector<16xi32>
        %parallel_loop3A_149 = arith.andi %parallel_loop3A_146, %parallel_loop3A_148 : vector<16xi32>
        %parallel_loop3A_150 = arith.constant 16 : i32
        %parallel_loop3A_151 = vector.broadcast %parallel_loop3A_150 : i32 to vector<16xi32>
        %parallel_loop3A_152 = arith.muli %parallel_loop3A_149, %parallel_loop3A_151 : vector<16xi32>
        %parallel_loop3A_153 = arith.addi %parallel_loop3A_152, %iota3A : vector<16xi32>
        tpu.vector_store_idx %arg6[%parallel_loop3A_153], %broadcast_in_dim3A_7 masked %parallel_loop3A_144 {add = true} : memref<4096xi32, #tpu.memory_space<vmem>>[vector<16xi32>], vector<16xi32>, vector<16xi1>
      } {sc.loop_unroll_factor = 8 : i64, sc.parallel_access}
      %broadcast_in_dim3A_108 = arith.constant 0 : i32
      %broadcast_in_dim3A_109 = vector.broadcast %broadcast_in_dim3A_108 : i32 to vector<16xi32>
      %broadcast_in_dim3A_110 = arith.constant false
      %broadcast_in_dim3A_111 = vector.broadcast %broadcast_in_dim3A_110 : i1 to vector<16xi1>
      %scan3A_112 = arith.constant 0 : i32
      %scan3A_113 = arith.constant 32 : i32
      %scan3A_114 = arith.addi %scan3A_112, %scan3A_113 : i32
      %scan3A_115 = arith.constant 1 : i32
      %scan3A_116:4 = scf.for %scan3A_129 = %scan3A_112 to %scan3A_114 step %scan3A_115 iter_args(%scan3A_130 = %broadcast_in_dim3A_109, %scan3A_131 = %broadcast_in_dim3A_109, %scan3A_132 = %broadcast_in_dim3A_109, %scan3A_133 = %broadcast_in_dim3A_111) -> (vector<16xi32>, vector<16xi32>, vector<16xi32>, vector<16xi1>)  : i32 {
        %mul3A_134 = arith.constant 8 : i32
        %mul3A_135 = arith.muli %scan3A_129, %mul3A_134 : i32
        %add3A_136 = arith.constant 0 : i32
        %add3A_137 = arith.addi %mul3A_135, %add3A_136 : i32
        %sub3A_138 = arith.constant 255 : i32
        %sub3A_139 = arith.subi %sub3A_138, %add3A_137 : i32
        %mul3A_140 = arith.constant 16 : i32
        %mul3A_141 = arith.muli %sub3A_139, %mul3A_140 : i32
        %get3A = arith.index_cast %mul3A_141 : i32 to index
        %get3A_142 = tpu.vector_load %arg6[%get3A] {strides = array<i32>} : memref<4096xi32, #tpu.memory_space<vmem>>, vector<16xi32>,
        %add3A_143 = arith.addi %scan3A_130, %get3A_142 : vector<16xi32>
        %ge3A = arith.cmpi sge, %add3A_143, %sub3A_91 : vector<16xi32>
        %not3A = arith.constant dense<true> : vector<16xi1>
        %not3A_144 = arith.xori %scan3A_133, %not3A : vector<16xi1>
        %and3A = arith.andi %ge3A, %not3A_144 : vector<16xi1>
        %broadcast_in_dim3A_145 = vector.broadcast %sub3A_139 : i32 to vector<16xi32>
        %select_n3A = arith.select %and3A, %broadcast_in_dim3A_145, %scan3A_131 : vector<16xi1>, vector<16xi32>
        %select_n3A_146 = arith.select %and3A, %scan3A_130, %scan3A_132 : vector<16xi1>, vector<16xi32>
        %or3A_147 = arith.ori %scan3A_133, %and3A : vector<16xi1>
        %mul3A_148 = arith.constant 8 : i32
        %mul3A_149 = arith.muli %scan3A_129, %mul3A_148 : i32
        %add3A_150 = arith.constant 1 : i32
        %add3A_151 = arith.addi %mul3A_149, %add3A_150 : i32
        %sub3A_152 = arith.constant 255 : i32
        %sub3A_153 = arith.subi %sub3A_152, %add3A_151 : i32
        %mul3A_154 = arith.constant 16 : i32
        %mul3A_155 = arith.muli %sub3A_153, %mul3A_154 : i32
        %get3A_156 = arith.index_cast %mul3A_155 : i32 to index
        %get3A_157 = tpu.vector_load %arg6[%get3A_156] {strides = array<i32>} : memref<4096xi32, #tpu.memory_space<vmem>>, vector<16xi32>,
        %add3A_158 = arith.addi %add3A_143, %get3A_157 : vector<16xi32>
        %ge3A_159 = arith.cmpi sge, %add3A_158, %sub3A_91 : vector<16xi32>
        %not3A_160 = arith.constant dense<true> : vector<16xi1>
        %not3A_161 = arith.xori %or3A_147, %not3A_160 : vector<16xi1>
        %and3A_162 = arith.andi %ge3A_159, %not3A_161 : vector<16xi1>
        %broadcast_in_dim3A_163 = vector.broadcast %sub3A_153 : i32 to vector<16xi32>
        %select_n3A_164 = arith.select %and3A_162, %broadcast_in_dim3A_163, %select_n3A : vector<16xi1>, vector<16xi32>
        %select_n3A_165 = arith.select %and3A_162, %add3A_143, %select_n3A_146 : vector<16xi1>, vector<16xi32>
        %or3A_166 = arith.ori %or3A_147, %and3A_162 : vector<16xi1>
        %mul3A_167 = arith.constant 8 : i32
        %mul3A_168 = arith.muli %scan3A_129, %mul3A_167 : i32
        %add3A_169 = arith.constant 2 : i32
        %add3A_170 = arith.addi %mul3A_168, %add3A_169 : i32
        %sub3A_171 = arith.constant 255 : i32
        %sub3A_172 = arith.subi %sub3A_171, %add3A_170 : i32
        %mul3A_173 = arith.constant 16 : i32
        %mul3A_174 = arith.muli %sub3A_172, %mul3A_173 : i32
        %get3A_175 = arith.index_cast %mul3A_174 : i32 to index
        %get3A_176 = tpu.vector_load %arg6[%get3A_175] {strides = array<i32>} : memref<4096xi32, #tpu.memory_space<vmem>>, vector<16xi32>,
        %add3A_177 = arith.addi %add3A_158, %get3A_176 : vector<16xi32>
        %ge3A_178 = arith.cmpi sge, %add3A_177, %sub3A_91 : vector<16xi32>
        %not3A_179 = arith.constant dense<true> : vector<16xi1>
        %not3A_180 = arith.xori %or3A_166, %not3A_179 : vector<16xi1>
        %and3A_181 = arith.andi %ge3A_178, %not3A_180 : vector<16xi1>
        %broadcast_in_dim3A_182 = vector.broadcast %sub3A_172 : i32 to vector<16xi32>
        %select_n3A_183 = arith.select %and3A_181, %broadcast_in_dim3A_182, %select_n3A_164 : vector<16xi1>, vector<16xi32>
        %select_n3A_184 = arith.select %and3A_181, %add3A_158, %select_n3A_165 : vector<16xi1>, vector<16xi32>
        %or3A_185 = arith.ori %or3A_166, %and3A_181 : vector<16xi1>
        %mul3A_186 = arith.constant 8 : i32
        %mul3A_187 = arith.muli %scan3A_129, %mul3A_186 : i32
        %add3A_188 = arith.constant 3 : i32
        %add3A_189 = arith.addi %mul3A_187, %add3A_188 : i32
        %sub3A_190 = arith.constant 255 : i32
        %sub3A_191 = arith.subi %sub3A_190, %add3A_189 : i32
        %mul3A_192 = arith.constant 16 : i32
        %mul3A_193 = arith.muli %sub3A_191, %mul3A_192 : i32
        %get3A_194 = arith.index_cast %mul3A_193 : i32 to index
        %get3A_195 = tpu.vector_load %arg6[%get3A_194] {strides = array<i32>} : memref<4096xi32, #tpu.memory_space<vmem>>, vector<16xi32>,
        %add3A_196 = arith.addi %add3A_177, %get3A_195 : vector<16xi32>
        %ge3A_197 = arith.cmpi sge, %add3A_196, %sub3A_91 : vector<16xi32>
        %not3A_198 = arith.constant dense<true> : vector<16xi1>
        %not3A_199 = arith.xori %or3A_185, %not3A_198 : vector<16xi1>
        %and3A_200 = arith.andi %ge3A_197, %not3A_199 : vector<16xi1>
        %broadcast_in_dim3A_201 = vector.broadcast %sub3A_191 : i32 to vector<16xi32>
        %select_n3A_202 = arith.select %and3A_200, %broadcast_in_dim3A_201, %select_n3A_183 : vector<16xi1>, vector<16xi32>
        %select_n3A_203 = arith.select %and3A_200, %add3A_177, %select_n3A_184 : vector<16xi1>, vector<16xi32>
        %or3A_204 = arith.ori %or3A_185, %and3A_200 : vector<16xi1>
        %mul3A_205 = arith.constant 8 : i32
        %mul3A_206 = arith.muli %scan3A_129, %mul3A_205 : i32
        %add3A_207 = arith.constant 4 : i32
        %add3A_208 = arith.addi %mul3A_206, %add3A_207 : i32
        %sub3A_209 = arith.constant 255 : i32
        %sub3A_210 = arith.subi %sub3A_209, %add3A_208 : i32
        %mul3A_211 = arith.constant 16 : i32
        %mul3A_212 = arith.muli %sub3A_210, %mul3A_211 : i32
        %get3A_213 = arith.index_cast %mul3A_212 : i32 to index
        %get3A_214 = tpu.vector_load %arg6[%get3A_213] {strides = array<i32>} : memref<4096xi32, #tpu.memory_space<vmem>>, vector<16xi32>,
        %add3A_215 = arith.addi %add3A_196, %get3A_214 : vector<16xi32>
        %ge3A_216 = arith.cmpi sge, %add3A_215, %sub3A_91 : vector<16xi32>
        %not3A_217 = arith.constant dense<true> : vector<16xi1>
        %not3A_218 = arith.xori %or3A_204, %not3A_217 : vector<16xi1>
        %and3A_219 = arith.andi %ge3A_216, %not3A_218 : vector<16xi1>
        %broadcast_in_dim3A_220 = vector.broadcast %sub3A_210 : i32 to vector<16xi32>
        %select_n3A_221 = arith.select %and3A_219, %broadcast_in_dim3A_220, %select_n3A_202 : vector<16xi1>, vector<16xi32>
        %select_n3A_222 = arith.select %and3A_219, %add3A_196, %select_n3A_203 : vector<16xi1>, vector<16xi32>
        %or3A_223 = arith.ori %or3A_204, %and3A_219 : vector<16xi1>
        %mul3A_224 = arith.constant 8 : i32
        %mul3A_225 = arith.muli %scan3A_129, %mul3A_224 : i32
        %add3A_226 = arith.constant 5 : i32
        %add3A_227 = arith.addi %mul3A_225, %add3A_226 : i32
        %sub3A_228 = arith.constant 255 : i32
        %sub3A_229 = arith.subi %sub3A_228, %add3A_227 : i32
        %mul3A_230 = arith.constant 16 : i32
        %mul3A_231 = arith.muli %sub3A_229, %mul3A_230 : i32
        %get3A_232 = arith.index_cast %mul3A_231 : i32 to index
        %get3A_233 = tpu.vector_load %arg6[%get3A_232] {strides = array<i32>} : memref<4096xi32, #tpu.memory_space<vmem>>, vector<16xi32>,
        %add3A_234 = arith.addi %add3A_215, %get3A_233 : vector<16xi32>
        %ge3A_235 = arith.cmpi sge, %add3A_234, %sub3A_91 : vector<16xi32>
        %not3A_236 = arith.constant dense<true> : vector<16xi1>
        %not3A_237 = arith.xori %or3A_223, %not3A_236 : vector<16xi1>
        %and3A_238 = arith.andi %ge3A_235, %not3A_237 : vector<16xi1>
        %broadcast_in_dim3A_239 = vector.broadcast %sub3A_229 : i32 to vector<16xi32>
        %select_n3A_240 = arith.select %and3A_238, %broadcast_in_dim3A_239, %select_n3A_221 : vector<16xi1>, vector<16xi32>
        %select_n3A_241 = arith.select %and3A_238, %add3A_215, %select_n3A_222 : vector<16xi1>, vector<16xi32>
        %or3A_242 = arith.ori %or3A_223, %and3A_238 : vector<16xi1>
        %mul3A_243 = arith.constant 8 : i32
        %mul3A_244 = arith.muli %scan3A_129, %mul3A_243 : i32
        %add3A_245 = arith.constant 6 : i32
        %add3A_246 = arith.addi %mul3A_244, %add3A_245 : i32
        %sub3A_247 = arith.constant 255 : i32
        %sub3A_248 = arith.subi %sub3A_247, %add3A_246 : i32
        %mul3A_249 = arith.constant 16 : i32
        %mul3A_250 = arith.muli %sub3A_248, %mul3A_249 : i32
        %get3A_251 = arith.index_cast %mul3A_250 : i32 to index
        %get3A_252 = tpu.vector_load %arg6[%get3A_251] {strides = array<i32>} : memref<4096xi32, #tpu.memory_space<vmem>>, vector<16xi32>,
        %add3A_253 = arith.addi %add3A_234, %get3A_252 : vector<16xi32>
        %ge3A_254 = arith.cmpi sge, %add3A_253, %sub3A_91 : vector<16xi32>
        %not3A_255 = arith.constant dense<true> : vector<16xi1>
        %not3A_256 = arith.xori %or3A_242, %not3A_255 : vector<16xi1>
        %and3A_257 = arith.andi %ge3A_254, %not3A_256 : vector<16xi1>
        %broadcast_in_dim3A_258 = vector.broadcast %sub3A_248 : i32 to vector<16xi32>
        %select_n3A_259 = arith.select %and3A_257, %broadcast_in_dim3A_258, %select_n3A_240 : vector<16xi1>, vector<16xi32>
        %select_n3A_260 = arith.select %and3A_257, %add3A_234, %select_n3A_241 : vector<16xi1>, vector<16xi32>
        %or3A_261 = arith.ori %or3A_242, %and3A_257 : vector<16xi1>
        %mul3A_262 = arith.constant 8 : i32
        %mul3A_263 = arith.muli %scan3A_129, %mul3A_262 : i32
        %add3A_264 = arith.constant 7 : i32
        %add3A_265 = arith.addi %mul3A_263, %add3A_264 : i32
        %sub3A_266 = arith.constant 255 : i32
        %sub3A_267 = arith.subi %sub3A_266, %add3A_265 : i32
        %mul3A_268 = arith.constant 16 : i32
        %mul3A_269 = arith.muli %sub3A_267, %mul3A_268 : i32
        %get3A_270 = arith.index_cast %mul3A_269 : i32 to index
        %get3A_271 = tpu.vector_load %arg6[%get3A_270] {strides = array<i32>} : memref<4096xi32, #tpu.memory_space<vmem>>, vector<16xi32>,
        %add3A_272 = arith.addi %add3A_253, %get3A_271 : vector<16xi32>
        %ge3A_273 = arith.cmpi sge, %add3A_272, %sub3A_91 : vector<16xi32>
        %not3A_274 = arith.constant dense<true> : vector<16xi1>
        %not3A_275 = arith.xori %or3A_261, %not3A_274 : vector<16xi1>
        %and3A_276 = arith.andi %ge3A_273, %not3A_275 : vector<16xi1>
        %broadcast_in_dim3A_277 = vector.broadcast %sub3A_267 : i32 to vector<16xi32>
        %select_n3A_278 = arith.select %and3A_276, %broadcast_in_dim3A_277, %select_n3A_259 : vector<16xi1>, vector<16xi32>
        %select_n3A_279 = arith.select %and3A_276, %add3A_253, %select_n3A_260 : vector<16xi1>, vector<16xi32>
        %or3A_280 = arith.ori %or3A_261, %and3A_276 : vector<16xi1>
        scf.yield %add3A_272, %select_n3A_278, %select_n3A_279, %or3A_280 : vector<16xi32>, vector<16xi32>, vector<16xi32>, vector<16xi1>
      }
      %scan3A_117 = arith.constant 32 : i32
      %sub3A_118 = arith.subi %sub3A_91, %scan3A_116#2 : vector<16xi32>
      %shift_left3A_119 = arith.constant 8 : i32
      %shift_left3A_120 = vector.broadcast %shift_left3A_119 : i32 to vector<16xi32>
      %shift_left3A_121 = arith.shli %or3A_95, %shift_left3A_120 : vector<16xi32>
      %or3A_122 = arith.ori %shift_left3A_121, %scan3A_116#1 : vector<16xi32>
      %parallel_loop3A_123 = arith.constant 0 : i32
      %parallel_loop3A_124 = arith.constant 2048 : i32
      %parallel_loop3A_125 = arith.constant 1 : i32
      scf.for %parallel_loop3A_129 = %parallel_loop3A_123 to %parallel_loop3A_124 step %parallel_loop3A_125  : i32 {
        %parallel_loop3A_130 = vector.broadcast %parallel_loop3A_129 : i32 to vector<16xi32>
        %parallel_loop3A_131 = arith.addi %parallel_loop3A_130, %mul3A_6 : vector<16xi32>
        %parallel_loop3A_132 = arith.constant 2048 : i32
        %parallel_loop3A_133 = vector.broadcast %parallel_loop3A_132 : i32 to vector<16xi32>
        %parallel_loop3A_134 = arith.cmpi sge, %parallel_loop3A_131, %parallel_loop3A_133 : vector<16xi32>
        %parallel_loop3A_135 = arith.constant 2048 : i32
        %parallel_loop3A_136 = vector.broadcast %parallel_loop3A_135 : i32 to vector<16xi32>
        %parallel_loop3A_137 = arith.subi %parallel_loop3A_131, %parallel_loop3A_136 : vector<16xi32>
        %parallel_loop3A_138 = arith.select %parallel_loop3A_134, %parallel_loop3A_137, %parallel_loop3A_131 : vector<16xi1>, vector<16xi32>
        %parallel_loop3A_139 = arith.addi %mul3A_3, %parallel_loop3A_138 : vector<16xi32>
        %parallel_loop3A_140 = tpu.vector_load_idx %arg5[%parallel_loop3A_139] : memref<32768xi32, #tpu.memory_space<vmem>>[vector<16xi32>], vector<16xi32>,
        %parallel_loop3A_141 = tpu.bitcast %parallel_loop3A_140 : vector<16xi32> -> vector<16xi32>
        %parallel_loop3A_142 = arith.cmpi uge, %parallel_loop3A_141, %or3A_122 : vector<16xi32>
        %parallel_loop3A_143 = arith.constant -2147483648 : i32
        %parallel_loop3A_144 = vector.broadcast %parallel_loop3A_143 : i32 to vector<16xi32>
        %parallel_loop3A_145 = arith.andi %parallel_loop3A_141, %parallel_loop3A_144 : vector<16xi32>
        %parallel_loop3A_146 = arith.constant 0 : i32
        %parallel_loop3A_147 = vector.broadcast %parallel_loop3A_146 : i32 to vector<16xi32>
        %parallel_loop3A_148 = arith.cmpi eq, %parallel_loop3A_145, %parallel_loop3A_147 : vector<16xi32>
        %parallel_loop3A_149 = arith.constant dense<-1> : vector<16xi32>
        %parallel_loop3A_150 = arith.xori %parallel_loop3A_141, %parallel_loop3A_149 : vector<16xi32>
        %parallel_loop3A_151 = arith.constant -2147483648 : i32
        %parallel_loop3A_152 = vector.broadcast %parallel_loop3A_151 : i32 to vector<16xi32>
        %parallel_loop3A_153 = arith.xori %parallel_loop3A_141, %parallel_loop3A_152 : vector<16xi32>
        %parallel_loop3A_154 = arith.select %parallel_loop3A_148, %parallel_loop3A_150, %parallel_loop3A_153 : vector<16xi1>, vector<16xi32>
        %parallel_loop3A_155 = tpu.bitcast %parallel_loop3A_154 : vector<16xi32> -> vector<16xf32>
        %parallel_loop3A_156 = arith.constant 0.000000e+00 : f32
        %parallel_loop3A_157 = vector.broadcast %parallel_loop3A_156 : f32 to vector<16xf32>
        %parallel_loop3A_158 = arith.select %parallel_loop3A_142, %parallel_loop3A_155, %parallel_loop3A_157 : vector<16xi1>, vector<16xf32>
        tpu.vector_store_idx %arg4[%parallel_loop3A_139], %parallel_loop3A_158 : memref<32768xf32, #tpu.memory_space<vmem>>[vector<16xi32>], vector<16xf32>,
      } {sc.loop_unroll_factor = 8 : i64, sc.parallel_access}
      %mul3A_126 = arith.constant 2048 : i32
      %mul3A_127 = arith.muli %mul3A_22, %mul3A_126 : i32
      "tpu.region"() ({
        %run_scoped3A = tpu.sem_alloc : memref<!tpu.dma_semaphore, #tpu.memory_space<semaphore_mem>>
        %dma_start3A = tpu.memref_slice %arg3[%mul3A_127] : memref<16777216xf32, #tpu.memory_space<hbm>> -> memref<32768xf32, #tpu.memory_space<hbm>>
        %dma_start3A_129 = tpu.memref_slice %arg3[%mul3A_127] : memref<16777216xf32, #tpu.memory_space<hbm>> -> memref<32768xf32, #tpu.memory_space<hbm>>
        tpu.enqueue_dma source(%arg4 : memref<32768xf32, #tpu.memory_space<vmem>>) target(%dma_start3A_129 : memref<32768xf32, #tpu.memory_space<hbm>>) target_semaphore(%run_scoped3A : memref<!tpu.dma_semaphore, #tpu.memory_space<semaphore_mem>>)
        %dma_wait3A = tpu.memref_slice %arg3[%mul3A_127] : memref<16777216xf32, #tpu.memory_space<hbm>> -> memref<32768xf32, #tpu.memory_space<hbm>>
        %dma_wait3A_130 = tpu.memref_slice %arg3[%mul3A_127] : memref<16777216xf32, #tpu.memory_space<hbm>> -> memref<32768xf32, #tpu.memory_space<hbm>>
        tpu.wait_dma2 semaphore(%run_scoped3A : memref<!tpu.dma_semaphore, #tpu.memory_space<semaphore_mem>>) src(%arg4 : memref<32768xf32, #tpu.memory_space<vmem>>) dst(%dma_wait3A_130 : memref<32768xf32, #tpu.memory_space<hbm>>)
        tpu.yield
      }) : () -> ()
      %scan3A_128 = arith.constant 0 : i32
      scf.yield %scan3A_128 : i32
    }
    %scan3A_15 = arith.constant 16 : i32
    return
  }
}

module attributes {stable_mosaic.version = 14 : i64} {
  func.func @_tc_block(%arg0: i32, %arg1: memref<256x2048xf32, #tpu.memory_space<vmem>>, %arg2: memref<256x2048xf32, #tpu.memory_space<vmem>>) attributes {dimension_semantics = [#tpu.dimension_semantics<arbitrary>], iteration_bounds = array<i64: 32>, scalar_prefetch = 0 : i64, scratch_operands = 0 : i64, tpu.core_type = #tpu.core_type<tc>, window_params = [{transform_indices = @transform_0, window_bounds = array<i64: 256, 2048>}, {transform_indices = @transform_1, window_bounds = array<i64: 256, 2048>}]} {
    %get3A = arith.constant 0 : index
    %get3A_0 = arith.constant 0 : index
    %get3A_1 = vector.load %arg1[%get3A, %get3A_0] : memref<256x2048xf32, #tpu.memory_space<vmem>>, vector<256x2048xf32>
    %bitcast_convert_type3A = tpu.bitcast %get3A_1 : vector<256x2048xf32> -> vector<256x2048xi32>
    %shift_right_logical3A = arith.constant 31 : i32
    %shift_right_logical3A_2 = vector.broadcast %shift_right_logical3A : i32 to vector<256x2048xi32>
    %shift_right_logical3A_3 = arith.shrui %bitcast_convert_type3A, %shift_right_logical3A_2 : vector<256x2048xi32>
    %eq3A = arith.constant 1 : i32
    %eq3A_4 = vector.broadcast %eq3A : i32 to vector<256x2048xi32>
    %eq3A_5 = arith.cmpi eq, %shift_right_logical3A_3, %eq3A_4 : vector<256x2048xi32>
    %not3A = arith.constant dense<-1> : vector<256x2048xi32>
    %not3A_6 = arith.xori %bitcast_convert_type3A, %not3A : vector<256x2048xi32>
    %or3A = arith.constant -2147483648 : i32
    %or3A_7 = vector.broadcast %or3A : i32 to vector<256x2048xi32>
    %or3A_8 = arith.ori %bitcast_convert_type3A, %or3A_7 : vector<256x2048xi32>
    %select_n3A = arith.select %eq3A_5, %not3A_6, %or3A_8 : vector<256x2048xi1>, vector<256x2048xi32>
    %broadcast_in_dim3A = arith.constant 0 : i32
    %broadcast_in_dim3A_9 = vector.broadcast %broadcast_in_dim3A : i32 to vector<256x1xi32>
    %broadcast_in_dim3A_10 = arith.constant -2147483648 : i32
    %broadcast_in_dim3A_11 = vector.broadcast %broadcast_in_dim3A_10 : i32 to vector<256x1xi32>
    %scan3A = arith.constant 0 : i32
    %scan3A_12 = arith.constant 32 : i32
    %scan3A_13 = arith.addi %scan3A, %scan3A_12 : i32
    %scan3A_14 = arith.constant 1 : i32
    %scan3A_15:2 = scf.for %scan3A_21 = %scan3A to %scan3A_13 step %scan3A_14 iter_args(%scan3A_22 = %broadcast_in_dim3A_9, %scan3A_23 = %broadcast_in_dim3A_11) -> (vector<256x1xi32>, vector<256x1xi32>)  : i32 {
      %or3A_24 = arith.ori %scan3A_22, %scan3A_23 : vector<256x1xi32>
      %ge3A_25 = vector.broadcast %or3A_24 : vector<256x1xi32> to vector<256x2048xi32>
      %ge3A_26 = arith.cmpi uge, %select_n3A, %ge3A_25 : vector<256x2048xi32>
      %convert_element_type3A = arith.extui %ge3A_26 : vector<256x2048xi1> to vector<256x2048xi32>
      %reduce_sum3A = arith.constant dense<0> : vector<256xi32>
      %reduce_sum3A_27 = vector.multi_reduction <add>, %convert_element_type3A, %reduce_sum3A [1] : vector<256x2048xi32> to vector<256xi32>
      %broadcast_in_dim3A_28 = vector.shape_cast %reduce_sum3A_27 : vector<256xi32> to vector<256x1xi32>
      %ge3A_29 = arith.constant 716 : i32
      %ge3A_30 = vector.broadcast %ge3A_29 : i32 to vector<256x1xi32>
      %ge3A_31 = arith.cmpi sge, %broadcast_in_dim3A_28, %ge3A_30 : vector<256x1xi32>
      %select_n3A_32 = arith.select %ge3A_31, %or3A_24, %scan3A_22 : vector<256x1xi1>, vector<256x1xi32>
      %shift_right_logical3A_33 = arith.constant 1 : i32
      %shift_right_logical3A_34 = vector.broadcast %shift_right_logical3A_33 : i32 to vector<256x1xi32>
      %shift_right_logical3A_35 = arith.shrui %scan3A_23, %shift_right_logical3A_34 : vector<256x1xi32>
      scf.yield %select_n3A_32, %shift_right_logical3A_35 : vector<256x1xi32>, vector<256x1xi32>
    }
    %ge3A = vector.broadcast %scan3A_15#0 : vector<256x1xi32> to vector<256x2048xi32>
    %ge3A_16 = arith.cmpi uge, %select_n3A, %ge3A : vector<256x2048xi32>
    %jit3A = arith.constant 0.000000e+00 : f32
    %broadcast_in_dim3A_17 = vector.broadcast %jit3A : f32 to vector<256x2048xf32>
    %select_n3A_18 = arith.select %ge3A_16, %get3A_1, %broadcast_in_dim3A_17 : vector<256x2048xi1>, vector<256x2048xf32>
    %swap3A = arith.constant 0 : index
    %swap3A_19 = arith.constant 0 : index
    %swap3A_20 = vector.load %arg2[%swap3A, %swap3A_19] : memref<256x2048xf32, #tpu.memory_space<vmem>>, vector<256x2048xf32>
    tpu.vector_store %arg2[%swap3A, %swap3A_19], %select_n3A_18 {strides = array<i32>} : memref<256x2048xf32, #tpu.memory_space<vmem>>, vector<256x2048xf32>,
    return
  }
  func.func @transform_0(%arg0: i32) -> (i32, i32) {
    %c0_i32 = arith.constant 0 : i32
    %c0_i32_0 = arith.constant 0 : i32
    return %arg0, %c0_i32 : i32, i32
  }
  func.func @transform_1(%arg0: i32) -> (i32, i32) {
    %c0_i32 = arith.constant 0 : i32
    %c0_i32_0 = arith.constant 0 : i32
    return %arg0, %c0_i32 : i32, i32
  }
}

</mosaic_0001>

<sc_bundles>
// kernel: kernel.4.cloned.1.call-start
scs
__scs_entry_jumppad:
0x0: {  	(pc) =	sbr.rel $0x88, $3  }
0x1: {  	(tag) =	ssettag $0x0;
	lr =	simm.s32 $0x1  }
0x2: {  	[smem:$0x3FA0] =	sst lr;
	_ =	strace $0xD0000000  }
0x3: {  	_ = 	snop  }
0x4: {  	_ = 	snop  }
0x5: {  	_ = 	snop  }
0x6: {  	_ = 	snop  }
0x7: {  	_ = 	snop  }
__scs_overlays_trampoline_lowered:
0x8: {  	[smem:$0x3FAF] =	sst s0  }
0x9: {  	[smem:$0x3FB0] =	sst s1  }
0xa: {  	[smem:$0x3FB1] =	sst s2  }
0xb: {  	[smem:$0x3FB2] =	sst s3  }
0xc: {  	[smem:$0x3FB3] =	sst s4  }
0xd: {  	[smem:$0x3FB4] =	sst s5  }
0xe: {  	[smem:$0x3FB5] =	sst s6  }
0xf: {  	[smem:$0x3FB6] =	sst s7  }
0x10: {  	[smem:$0x3FB7] =	sst s8  }
0x11: {  	[smem:$0x3FB8] =	sst s9;
	s0 =	simm.s32 @!p0 $0x0  }
0x12: {  	s1 =	sld [smem:$0x3F9E];
	s0 =	simm.s32 @p0 $0x1  }
0x13: {  	[smem:$0x3FB9] =	sst s0;
	s0 =	simm.s32 @!p1 $0x0  }
0x14: {  	s2 =	sld [smem:$0x3F9D];
	s0 =	simm.s32 @p1 $0x1  }
0x15: {  	[smem:$0x3FBA] =	sst s0;
	s0 =	simm.s32 @!p2 $0x0  }
0x16: {  	s3 =	sld [smem:$0x3FDB];
	s0 =	simm.s32 @p2 $0x1  }
0x17: {  	s4 =	simm.s32 $0x1BF5;
	[smem:$0x3FBC] =	sst s0  }
0x18: {  	s0 =	sld [smem:$0x3F9F];
	_ =	swait.ge [sflag:s4], $0x0  }
0x19: {  	s7 =	sld [smem:$0x3FA0]  }
0x1a: {  	s8 =	sadd.s32 $0xFFFFE003, lr  }
0x1b: {  	s9 =	sadd.s32 $0xFFFFFEF7, lr;
	s5 =	simm.s32 $0xFFFFFFFF;
	p2 =	slt.u32 s8, $0xFFFFF086  }
0x1c: {  	p1 =	slt.u32 s9, $0xF7A;
	s5 =	simm.s32 @!p2 $0x0  }
0x1d: {  	s5 =	simm.s32 @p1 $0x1;
	p0 =	seq.s32 s7, s2  }
0x1e: {  	s7 =	smul.u32 @!p0 $0xF7A, s2;
	p2 =	seq.s32 @!p0 s5, $0x0  }
0x1f: {  	s9 =	smul.u32 $0xF7A, s1;
	s8 =	simm.s32 @!p0 $0x1BF5;
	p2 =	por !p2, p0  }
0x20: {  	[sflag:s8] =	ssyncset.s32 @!p0 $0xFFFFF086;
	s6 =	sadd.s32 @!p0 s3, s7;
	s7 =	simm.s32 @!p0 $0x108  }
0x21: {  	s3 =	sadd.s32 s3, s9;
	s6 =	sadd.s32 @!p0 $0x88, s6;
	s7 =	simm.s32 @p2 $0x1082  }
0x22: {  	[simem:s7], [sflag:s8] =	dma.local @!p0 [hbm:s6], $0xF7A  }
0x23: {  	s9 =	sor.u32 $0xD0000000, s2;
	s6 =	simm.s32 $0x108;
	_ =	swait.ge @!p0 [sflag:s8], $0x0  }
0x24: {  	s3 =	sadd.s32 $0x88, s3;
	s6 =	simm.s32 @!p1 $0x1082;
	[sflag:s4] =	ssyncset.s32 $0xFFFFF086  }
0x25: {  	[simem:s6], [sflag:s4] =	dma.local [hbm:s3], $0xF7A  }
0x26: {  	[smem:$0x3FA0] =	sst s1;
	(tag) =	ssettag s2;
	_ =	strace s9  }
0x27: {  	s1 =	sld [smem:$0x3FB0]  }
0x28: {  	s2 =	sld [smem:$0x3FB1]  }
0x29: {  	s4 =	sld [smem:$0x3FB3]  }
0x2a: {  	p0 =	seq.s32 s5, $0x0;
	s5 =	sld [smem:$0x3FB4]  }
0x2b: {  	s6 =	sld [smem:$0x3FB5]  }
0x2c: {  	s7 =	sld [smem:$0x3FB6]  }
0x2d: {  	s3 =	simm.s32 $0x108;
	s8 =	sld [smem:$0x3FB7]  }
0x2e: {  	s3 =	simm.s32 @!p0 $0x1082;
	s9 =	sld [smem:$0x3FB8]  }
0x2f: {  	lr =	sadd.s32 s0, s3;
	s0 =	sld [smem:$0x3FAF]  }
0x30: {  	s3 =	sld [smem:$0x3FB2]  }
0x31: {  	[smem:$0x3FBB] =	sst s10  }
0x32: {  	s10 =	sld [smem:$0x3FB9];
	_ =	sdelay $0x3  }
0x33: {  	p0 =	seq.s32 s10, $0x1;
	s10 =	sld [smem:$0x3FBB];
	_ =	sdelay $0x3  }
0x34: {  	[smem:$0x3FBB] =	sst s10  }
0x35: {  	s10 =	sld [smem:$0x3FBA];
	_ =	sdelay $0x3  }
0x36: {  	p1 =	seq.s32 s10, $0x1;
	s10 =	sld [smem:$0x3FBB];
	_ =	sdelay $0x3  }
0x37: {  	[smem:$0x3FBB] =	sst s10  }
0x38: {  	s10 =	sld [smem:$0x3FBC]  }
0x39: {  	_ = 	snop;
	(pc) =	sbr.ind lr, $3  }
0x3a: {  	_ = 	snop  }
0x3b: {  	_ = 	snop  }
0x3c: {  	p2 =	seq.s32 s10, $0x1;
	s10 =	sld [smem:$0x3FBB]  }
0x3d: {  	_ =	shalt  }
0x3e: {  	_ =	shalt  }
0x3f: {  	_ =	shalt  }
0x40: {  	_ =	shalt  }
0x41: {  	_ =	shalt  }
0x42: {  	_ =	shalt  }
0x43: {  	_ =	shalt  }
0x44: {  	_ =	shalt  }
0x45: {  	_ =	shalt  }
0x46: {  	_ =	shalt  }
0x47: {  	_ =	shalt  }
0x48: {  	_ =	shalt  }
0x49: {  	_ =	shalt  }
0x4a: {  	_ =	shalt  }
0x4b: {  	_ =	shalt  }
0x4c: {  	_ =	shalt  }
0x4d: {  	_ =	shalt  }
0x4e: {  	_ =	shalt  }
0x4f: {  	_ =	shalt  }
0x50: {  	_ =	shalt  }
0x51: {  	_ =	shalt  }
0x52: {  	_ =	shalt  }
0x53: {  	_ =	shalt  }
0x54: {  	_ =	shalt  }
0x55: {  	_ =	shalt  }
0x56: {  	_ =	shalt  }
0x57: {  	_ =	shalt  }
0x58: {  	_ =	shalt  }
0x59: {  	_ =	shalt  }
0x5a: {  	_ =	shalt  }
0x5b: {  	_ =	shalt  }
0x5c: {  	_ =	shalt  }
0x5d: {  	_ =	shalt  }
0x5e: {  	_ =	shalt  }
0x5f: {  	_ =	shalt  }
0x60: {  	_ =	shalt  }
0x61: {  	_ =	shalt  }
0x62: {  	_ =	shalt  }
0x63: {  	_ =	shalt  }
0x64: {  	_ =	shalt  }
0x65: {  	_ =	shalt  }
0x66: {  	_ =	shalt  }
0x67: {  	_ =	shalt  }
0x68: {  	_ =	shalt  }
0x69: {  	_ =	shalt  }
0x6a: {  	_ =	shalt  }
0x6b: {  	_ =	shalt  }
0x6c: {  	_ =	shalt  }
0x6d: {  	_ =	shalt  }
0x6e: {  	_ =	shalt  }
0x6f: {  	_ =	shalt  }
0x70: {  	_ =	shalt  }
0x71: {  	_ =	shalt  }
0x72: {  	_ =	shalt  }
0x73: {  	_ =	shalt  }
0x74: {  	_ =	shalt  }
0x75: {  	_ =	shalt  }
0x76: {  	_ =	shalt  }
0x77: {  	_ =	shalt  }
0x78: {  	_ =	shalt  }
0x79: {  	_ =	shalt  }
0x7a: {  	_ =	shalt  }
0x7b: {  	_ =	shalt  }
0x7c: {  	_ =	shalt  }
0x7d: {  	_ =	shalt  }
0x7e: {  	_ =	shalt  }
0x7f: {  	_ =	shalt  }
0x80: {  	_ =	shalt  }
0x81: {  	_ =	shalt  }
0x82: {  	_ =	shalt  }
0x83: {  	_ =	shalt  }
0x84: {  	_ =	shalt  }
0x85: {  	_ =	shalt  }
0x86: {  	_ =	shalt  }
0x87: {  	_ =	shalt  }
.Lfunc_end0:
.L_simem_size_0:
called_computation_lowered:
.L_overlay_start_0:
0x88: {  	s2 =	sld [smem:$0x3FD9]  }
0x89: {  	s3 =	sld [smem:$0x3FFE];
	_ =	sdelay $0x1  }
0x8a: {  	s1 =	srdreg.scid  }
0x8b: {  	s0 =	sand.u32 $0x1, s1  }
0x8c: {  	s17 =	sshll.u32 s0, $0xA;
	s2 =	sadd.s32 s3, s2  }
0x8d: {  	s2 =	sadd.s32 s2, s17  }
0x8e: {  	[smem:$0x3FC7] =	sst s2  }
0x8f: {  	_ = 	snop  }
0x90: {  	s2 =	sld [smem:$0x3FD0];
	(tm) =	ssettm $0x1  }
0x91: {  	s18 =	sld [smem:$0x3FFB];
	_ =	sdelay $0x3  }
0x92: {  	_ =	strace s18  }
0x93: {  	s3 =	sld [smem:$0x3FFC];
	_ =	sdelay $0x3  }
0x94: {  	_ =	strace s3  }
0x95: {  	s3 =	sld [smem:$0x3FFD];
	_ =	sdelay $0x3  }
0x96: {  	_ =	strace s3  }
0x97: {  	_ =	strace $0x8FFFFFFF  }
0x98: {  	s19 =	sld [smem:$0x3FDB];
	_ =	sdelay $0x1  }
0x99: {  	s4 =	simm.s32 $_scs_section_size  }
0x9a: {  	s5 =	simm.s32 $_size__tile_overlayer_lowered;
	s6 =	simm.s32 $_tile_overlayer_lowered  }
0x9b: {  	s22 =	simm.s32 $0x1BFF;
	s21 =	sshll.u32 s6, $0x1;
	s3 =	sadd.s32 s4, s19  }
0x9c: {  	s7 =	simm.s32 $0x0;
	s20 =	sshll.u32 s5, $0x1;
	s5 =	sadd.s32 s21, s3  }
0x9d: {  	[timem:s7], [sflag:s22] =	dma.local [hbm:s5], s20  }
0x9e: {  	_ =	swait.ge [sflag:s22], s20  }
0x9f: {  	s4 =	ssub.s32 $0x0, s20;
	[sflag:s22] =	ssyncset.done $0x0  }
0xa0: {  	[sflag:s22] =	ssyncadd.s32 s4;
	_ =	sdelay $0x1  }
0xa1: {  	s23 =	simm.s32 $0x1B8B  }
0xa2: {  	_ =	swait.ge [sflag:s23], $0x1  }
0xa3: {  	[sflag:s23] =	ssyncset.done $0x0  }
0xa4: {  	s25 =	simm.s32 $0x1B8E;
	s24 =	sld [smem:$0x3FFE];
	[sflag:s23] =	ssyncadd.s32 $0xFFFFFFFF  }
0xa5: {  	s26 =	simm.s32 $execute0_lowered;
	[smem:$0x3FD2] =	sst s25  }
0xa6: {  	s5 =	sshll.u32 s26, $0x1;
	_ =	strace $0x80000046;
	[dreg:$0x1] =	wrdreg $0xFFFFFFFF  }
0xa7: {  	s28 =	simm.s32 $_size_execute0_lowered;
	s3 =	sadd.s32 s3, s5;
	[dreg:$0x0] =	wrdreg $0x0  }
0xa8: {  	s5 =	sshll.u32 s28, $0x1;
	[dreg:$0x2] =	wrdreg s3  }
0xa9: {  	[dreg:$0x3] =	wrdreg s5  }
0xaa: {  	[dreg:$0x4] =	wrdreg $0xC0  }
0xab: {  	_ =	task [dreg:s7], $0x5FFFF  }
0xac: {  	[dreg:$0x1] =	wrdreg $0xFFFFFFFF  }
0xad: {  	[dreg:$0x0] =	wrdreg $0x60  }
0xae: {  	[dreg:$0x2] =	wrdreg s24  }
0xaf: {  	[dreg:$0x3] =	wrdreg s2  }
0xb0: {  	[dreg:$0x4] =	wrdreg $0x9  }
0xb1: {  	_ =	task.clear_ibuf [dreg:s7], $0x5FFFF;
	_ =	strace $0x90000046  }
0xb2: {  	s29 =	simm.s32 $0x9;
	_ =	strace $0x80000048  }
0xb3: {  	_ =	swait.ge [sflag:s29], $0x1  }
0xb4: {  	[sflag:s29] =	ssyncadd.s32 $0xFFFFFFFF  }
0xb5: {  	_ =	strace $0x90000048  }
0xb6: {  	_ =	sfence  }
0xb7: {  	s30 =	sld [smem:$0x0];
	_ =	sdelay $0x2  }
0xb8: {  	s31 =	sshll.u32 s1, $0xD;
	s1 =	sshrl.u32 s1, $0x2  }
0xb9: {  	s3 =	sand.u32 $0x4000, s31;
	s1 =	sadd.s32 s1, s30  }
0xba: {  	s0 =	sor.u32 s3, s0;
	s1 =	sshll.u32 s1, $0x11  }
0xbb: {  	s0 =	sor.u32 s1, s0  }
0xbc: {  	s0 =	sadd.s32 $0x8F2B, s0  }
0xbd: {  	[sflag:s0] =	ssyncadd.remote.s32 $0x1  }
0xbe: {  	_ =	sfence.sel $0xFFFF  }
0xbf: {  	[dreg:$0x0] =	wrdreg $0xFFFFFFFF;
	(pc) =	sbr.abs _section_cstart, $3  }
0xc0: {  	[dreg:$0x1] =	wrdreg $0xFFFFFFFF  }
0xc1: {  	_ =	task.clear_ibuf [dreg:s7], $0x2FFFF;
	_ =	strace $0x9FFFFFFF  }
0xc2: {  	(tm) =	ssettm $0x7FFFFFFF  }
0xc3: {  	_ =	shalt  }
tec
execute0_lowered:
.L_overlay_start_1:
0x0: {  	(tag) =	ssettag $0x1  }
0x1: {  	s3 =	rddreg [dreg:$0x0]  }
0x2: {  	s1 =	rddreg [dreg:$0x1]  }
0x3: {  	s0 =	rddreg [dreg:$0x2]  }
0x4: {  	s2 =	simm.s32 $0x0;
	s4 =	srdreg.scid;
	s8 =	simm.s32 $0x8000  }
0x5: {  	s9 =	simm.s32 $0x10000;
	s10 =	simm.s32 $0x0;
	s5 =	sand.u32 $0x1, s4  }
0x6: {  	v0 =	vlaneseq.u32;
	[smem:$0x7FF] =	sst s2;
	s4 =	sadd.s32 $0x200600, s3;
	s6 =	ssub.s32 $0x2, s5  }
0x7: {  	s3 =	stileid.u32;
	v1 =	vmul.u32 $0x83, v0;
	_ =	strace $0x80000047;
	s7 =	sshrl.u32 s6, $0x1  }
0x8: {  	v2 =	vimm.s32 $0x0;
	v5 =	vimm.s32 $0x1;
	vm0 =	vmxor vm0, vm0;
	s31 =	sshll.u32 s3, $0x5;
	s5 =	sshll.u32 s5, $0x4;
	s6 =	ssub.s32 s6, s7  }
0x9: {  	v6 =	vimm.s32 $0x80000000;
	v4 =	vmul.u32 $0x800, v0;
	s5 =	sor.u32 s5, s31;
	v3 =	vor.u32 $0xFFFFF800, v1;
	s7 =	simm.s32 $0x1;
	s6 =	smax.u32 s6, $0x1  }
.LBB2_1:
0xa: {  	s11 =	simm.s32 $0x0  }
.LBB2_2:
0xb: {  	s12 =	sadd.s32 s5, s11  }
0xc: {  	s12 =	sshll.u32 s12, $0xC  }
0xd: {  	s13 =	simm.s32 $0x0;
	s14 =	sadd.s32 s4, s12  }
0xe: {  	[tilespmem:s13], [sflag:$0x1] =	stream.linear.gather [hbm4b:s14+s13], $0x8000, $0x38;
	[tilespmem:$0x11000] =	vst v63  }
0xf: {  	_ =	swait.ge [sflag:s7], $0x8000  }
0x10: {  	[sflag:s7] =	ssyncset.done $0x0  }
0x11: {  	s15 =	simm.s32 $0x200;
	s14 =	simm.s32 $0x0;
	[sflag:s7] =	ssyncadd.s32 $0xFFFF8000  }
.LBB2_3:
0x12: {  	p0 =	sne.s32 s15, $0x3E00;
	[tilespmem:s14+$0x10070] =	vst v2  }
0x13: {  	[tilespmem:s14+$0x10000] =	vst v2  }
0x14: {  	[tilespmem:s14+$0x10010] =	vst v2  }
.Ltmp0:
0x15: {  	[tilespmem:s14+$0x10020] =	vst v2;
	(pc) =	sbr.rel @p0 .LBB2_3-.Ltmp0, $4  }
0x16: {  	[tilespmem:s14+$0x10030] =	vst v2  }
0x17: {  	[tilespmem:s14+$0x10040] =	vst v2  }
0x18: {  	[tilespmem:s14+$0x10050] =	vst v2  }
0x19: {  	[tilespmem:s14+$0x10060] =	vst v2;
	s14 =	sshra.s32 s15, $0x2;
	s15 =	sadd.s32 $0x200, s15  }
0x1a: {  	s15 =	simm.s32 $0x1;
	v16 =	vadd.s32 s13, v1  }
0x1b: {  	s16 =	simm.s32 $0x7;
	s21 =	simm.s32 $0x5;
	s22 =	simm.s32 $0x6;
	v20 =	vadd.s32 s13, v3;
	v7 =	vadd.s32 s15, v1;
	v8 =	vadd.s32 s15, v3  }
0x1c: {  	s23 =	simm.s32 $0x3;
	s26 =	simm.s32 $0xC;
	s28 =	simm.s32 $0xD;
	v10 =	vadd.s32 s16, v1;
	v12 =	vadd.s32 s21, v1;
	v15 =	vadd.s32 s22, v3  }
0x1d: {  	s24 =	simm.s32 $0x9;
	s25 =	simm.s32 $0xA;
	s17 =	simm.s32 $0xF;
	v18 =	vadd.s32 s23, v1;
	v26 =	vadd.s32 s26, v1;
	v27 =	vadd.s32 s28, v1  }
0x1e: {  	[tilespmem:s14+$0x10070] =	vst v2;
	s29 =	simm.s32 $0xE;
	v28 =	vadd.s32 s17, v1;
	v30 =	vadd.s32 s24, v3;
	v32 =	vadd.s32 s25, v3  }
0x1f: {  	[tilespmem:s14+$0x10000] =	vst v2;
	s30 =	simm.s32 $0xB;
	v33 =	vadd.s32 s26, v3;
	v35 =	vadd.s32 s29, v1;
	vm1 =	vgt.u32 v7, $0x7FF  }
0x20: {  	[tilespmem:s14+$0x10010] =	vst v2;
	s19 =	simm.s32 $0x4;
	s31 =	simm.s32 $0x8;
	v56 =	vadd.s32 s17, v3;
	v38 =	vadd.s32 s30, v3;
	v7 =	vsel vm1, v8, v7  }
0x21: {  	[tilespmem:s14+$0x10020] =	vst v2;
	v57 =	vadd.s32 s31, v1;
	v9 =	vadd.s32 v4, v7;
	v7 =	vadd.s32 s19, v1  }
0x22: {  	[tilespmem:s14+$0x10030] =	vst v2;
	v59 =	vadd.s32 s30, v1;
	v8 =	vadd.s32 s19, v3;
	vm1 =	vgt.u32 v7, $0x7FF  }
0x23: {  	[tilespmem:s14+$0x10040] =	vst v2;
	v60 =	vadd.s32 s31, v3;
	v40 =	vadd.s32 s28, v3;
	v7 =	vsel vm1, v8, v7  }
0x24: {  	[tilespmem:s14+$0x10050] =	vst v2;
	vm1 =	vgt.u32 v10, $0x7FF;
	v8 =	vadd.s32 s16, v3;
	v11 =	vadd.s32 v4, v7  }
0x25: {  	[tilespmem:s14+$0x10060] =	vst v2;
	vm4 =	vgt.u32 v28, $0x7FF;
	v8 =	vsel vm1, v8, v10;
	v10 =	vadd.s32 s22, v1  }
0x26: {  	s20 =	simm.s32 $0x2;
	vm14 =	vgt.u32 v35, $0x7FF;
	v14 =	vadd.s32 v4, v8;
	vm2 =	vgt.u32 v10, $0x7FF;
	v13 =	vld.idx.msk [tilespmem:v9+s2+$0x0], $0xffff  }
0x27: {  	v7 =	vadd.s32 s20, v1;
	v8 =	vadd.s32 s20, v3;
	v10 =	vsel vm2, v15, v10  }
0x28: {  	vm3 =	vgt.u32 v7, $0x7FF;
	vm2 =	vgt.u32 v16, $0x7FF;
	v10 =	vadd.s32 v4, v10  }
0x29: {  	vm1 =	vgt.u32 v12, $0x7FF;
	v7 =	vsel vm3, v8, v7;
	v16 =	vsel vm2, v20, v16;
	v17 =	vld.idx.msk [tilespmem:v11+s2+$0x0], $0xffff  }
0x2a: {  	v21 =	vadd.s32 v4, v7;
	v7 =	vadd.s32 s21, v3;
	v16 =	vadd.s32 v4, v16  }
0x2b: {  	v8 =	vand.u32 $0x7FFFFFFF, v13;
	v19 =	vxor.u32 $0xFFFFFFFF, v13;
	vm3 =	vlt.s32 v13, $0x0;
	v13 =	vld.idx.msk [tilespmem:v14+s2+$0x0], $0xffff  }
0x2c: {  	vm15 =	vgt.u32 v59, $0x7FF;
	v7 =	vsel vm1, v7, v12;
	v8 =	vxor.u32 $0x80000000, v8  }
0x2d: {  	v15 =	vadd.s32 s23, v3;
	v20 =	vadd.s32 v4, v7;
	v23 =	vld.idx.msk [tilespmem:v10+s2+$0x0], $0xffff;
	v19 =	vsel vm3, v19, v8  }
0x2e: {  	vm3 =	vgt.u32 v18, $0x7FF;
	v8 =	vshrl.u32 v19, $0x14;
	v12 =	vxor.u32 $0xFFFFFFFF, v17  }
0x2f: {  	v22 =	vand.u32 $0x7FFFFFFF, v17;
	v7 =	vand.u32 $0xFF0, v8;
	v8 =	vsel vm3, v15, v18  }
0x30: {  	v31 =	vld.idx.msk [tilespmem:v16+s2+$0x0], $0xffff;
	vm3 =	vgt.u32 v26, $0x7FF;
	v15 =	vand.u32 $0x7FFFFFFF, v13;
	vm1 =	vlt.s32 v13, $0x0  }
0x31: {  	v18 =	vor.u32 v0, v7;
	v13 =	vxor.u32 $0xFFFFFFFF, v13;
	v24 =	vadd.s32 v4, v8  }
0x32: {  	v7 =	vxor.u32 $0x80000000, v15;
	v8 =	vand.u32 $0x7FFFFFFF, v23;
	vm2 =	vlt.s32 v23, $0x0  }
0x33: {  	v13 =	vsel vm1, v13, v7;
	v7 =	vxor.u32 $0x80000000, v22;
	vm1 =	vlt.s32 v17, $0x0  }
0x34: {  	v17 =	vxor.u32 $0xFFFFFFFF, v23;
	v22 =	vxor.u32 $0x80000000, v8;
	v8 =	vadd.s32 s24, v1  }
0x35: {  	v23 =	vadd.s32 s25, v1;
	v39 =	vand.u32 $0x7FFFFFFF, v31;
	v58 =	vxor.u32 $0xFFFFFFFF, v31  }
0x36: {  	v15 =	vld.idx.msk [tilespmem:v21+s2+$0x0], $0xffff;
	vm13 =	vlt.s32 v31, $0x0;
	v12 =	vsel vm1, v12, v7;
	vm1 =	vgt.u32 v27, $0x7FF  }
0x37: {  	[tilespmem:v9+s8+$0x0] =	vst.idx.msk $0xffff, v19;
	vm7 =	vgt.u32 v23, $0x7FF;
	vm8 =	vgt.u32 v8, $0x7FF;
	v9 =	vshrl.u32 v13, $0x14  }
0x38: {  	v17 =	vsel vm2, v17, v22;
	v8 =	vsel vm8, v30, v8;
	v23 =	vsel vm7, v32, v23  }
0x39: {  	v7 =	vld.idx.msk [tilespmem:v20+s2+$0x0], $0xffff;
	v62 =	vshrl.u32 v12, $0x14;
	v9 =	vand.u32 $0xFF0, v9;
	[tilespmem:v11+s8+$0x0] =	vst.idx.msk $0xffff, v12;
	v12 =	vshrl.u32 v17, $0x14  }
0x3a: {  	v37 =	vadd.s32 v4, v8;
	v8 =	vsel vm3, v33, v26;
	v26 =	vsel vm4, v56, v28  }
0x3b: {  	vm3 =	vgt.u32 v57, $0x7FF;
	v25 =	vxor.u32 $0xFFFFFFFF, v15;
	v8 =	vadd.s32 v4, v8  }
0x3c: {  	vm5 =	vlt.s32 v15, $0x0;
	v15 =	vand.u32 $0x7FFFFFFF, v15;
	v26 =	vadd.s32 v4, v26  }
0x3d: {  	[tilespmem:v18+s9+$0x0] =	vst.idx.add.s32.msk $0xffff, v5;
	v18 =	vor.u32 v0, v9;
	v9 =	vadd.s32 v4, v23;
	v15 =	vxor.u32 $0x80000000, v15  }
0x3e: {  	v29 =	vld.idx.msk [tilespmem:v24+s2+$0x0], $0xffff;
	vm6 =	vlt.s32 v7, $0x0;
	v34 =	vand.u32 $0x7FFFFFFF, v7;
	v7 =	vxor.u32 $0xFFFFFFFF, v7  }
0x3f: {  	[tilespmem:v14+s8+$0x0] =	vst.idx.msk $0xffff, v13;
	v25 =	vsel vm5, v25, v15;
	v15 =	vadd.s32 s29, v3;
	v34 =	vxor.u32 $0x80000000, v34;
	v61 =	vld.idx.msk [tilespmem:v37+s2+$0x0], $0xffff  }
0x40: {  	v23 =	vsel vm1, v40, v27;
	v15 =	vsel vm14, v15, v35;
	v34 =	vsel vm6, v7, v34;
	v14 =	vld.idx.msk [tilespmem:v8+s2+$0x0], $0xffff  }
0x41: {  	v12 =	vand.u32 $0xFF0, v12;
	v7 =	vadd.s32 v4, v15;
	v15 =	vshrl.u32 v34, $0x14;
	v22 =	vld.idx.msk [tilespmem:v26+s2+$0x0], $0xffff  }
0x42: {  	[tilespmem:v10+s8+$0x0] =	vst.idx.msk $0xffff, v17;
	v17 =	vsel vm3, v60, v57;
	v13 =	vand.u32 $0xFF0, v15;
	v15 =	vxor.u32 $0x80000000, v39  }
0x43: {  	v36 =	vxor.u32 $0xFFFFFFFF, v29;
	vm12 =	vlt.s32 v29, $0x0;
	v30 =	vsel vm13, v58, v15  }
0x44: {  	v29 =	vand.u32 $0x7FFFFFFF, v29;
	[tilespmem:v16+s8+$0x0] =	vst.idx.msk $0xffff, v30;
	v16 =	vor.u32 v0, v13;
	v11 =	vand.u32 $0x7FFFFFFF, v61  }
0x45: {  	vm2 =	vlt.s32 v61, $0x0;
	v15 =	vxor.u32 $0xFFFFFFFF, v61;
	v11 =	vxor.u32 $0x80000000, v11  }
0x46: {  	[tilespmem:v18+s9+$0x0] =	vst.idx.add.s32.msk $0xffff, v5;
	v27 =	vand.u32 $0x7FFFFFFF, v14;
	v18 =	vand.u32 $0x7FFFFFFF, v22;
	vm1 =	vlt.s32 v22, $0x0  }
0x47: {  	[tilespmem:v21+s8+$0x0] =	vst.idx.msk $0xffff, v25;
	v19 =	vsel vm2, v15, v11;
	v11 =	vxor.u32 $0x80000000, v29;
	v15 =	vxor.u32 $0xFFFFFFFF, v14  }
0x48: {  	[tilespmem:v20+s8+$0x0] =	vst.idx.msk $0xffff, v34;
	vm2 =	vlt.s32 v14, $0x0;
	v21 =	vshrl.u32 v19, $0x14;
	v20 =	vsel vm12, v36, v11  }
0x49: {  	v11 =	vadd.s32 v4, v23;
	v23 =	vxor.u32 $0x80000000, v27;
	v13 =	vand.u32 $0xFF0, v21  }
0x4a: {  	[tilespmem:v37+s8+$0x0] =	vst.idx.msk $0xffff, v19;
	v10 =	vshrl.u32 v20, $0x14;
	v21 =	vsel vm15, v38, v59;
	v63 =	vor.u32 v0, v13  }
0x4b: {  	v19 =	vld.idx.msk [tilespmem:v7+s2+$0x0], $0xffff;
	[tilespmem:v24+s8+$0x0] =	vst.idx.msk $0xffff, v20;
	v13 =	vxor.u32 $0x80000000, v18;
	v18 =	vshrl.u32 v25, $0x14;
	v25 =	vor.u32 v0, v12  }
0x4c: {  	v20 =	vxor.u32 $0xFFFFFFFF, v22;
	[tilespmem:v16+s9+$0x0] =	vst.idx.add.s32.msk $0xffff, v5;
	v10 =	vand.u32 $0xFF0, v10;
	v12 =	vadd.s32 v4, v17  }
0x4d: {  	v17 =	vld.idx.msk [tilespmem:v9+s2+$0x0], $0xffff;
	v13 =	vsel vm1, v20, v13;
	v20 =	vand.u32 $0xFF0, v18;
	v22 =	vor.u32 v0, v10  }
0x4e: {  	v10 =	vadd.s32 v4, v21;
	v21 =	vand.u32 $0xFF0, v62;
	[tilespmem:v26+s8+$0x0] =	vst.idx.msk $0xffff, v13;
	v26 =	vshrl.u32 v30, $0x14;
	v18 =	vld.idx.msk [tilespmem:v11+s2+$0x0], $0xffff  }
0x4f: {  	v16 =	vor.u32 v0, v20;
	v20 =	vor.u32 v0, v21;
	v21 =	vand.u32 $0xFF0, v26;
	[tilespmem:v63+s9+$0x0] =	vst.idx.add.s32.msk $0xffff, v5  }
0x50: {  	s13 =	simm.s32 $0xF8;
	s14 =	simm.s32 $0x10FF0;
	s15 =	simm.s32 $0x10;
	v24 =	vand.u32 $0x7FFFFFFF, v19;
	vm1 =	vlt.s32 v19, $0x0;
	v21 =	vor.u32 v0, v21;
	[tilespmem:v25+s9+$0x0] =	vst.idx.add.s32.msk $0xffff, v5  }
.LBB2_5:
0x51: {  	s19 =	sadd.s32 $0x1, s15  }
0x52: {  	s20 =	sadd.s32 $0x2, s15;
	s18 =	sadd.s32 $0x3, s15;
	v14 =	vsel vm2, v15, v23;
	v15 =	vxor.u32 $0xFFFFFFFF, v19;
	v19 =	vxor.u32 $0x80000000, v24;
	[tilespmem:v22+s9+$0x0] =	vst.idx.add.s32.msk $0xffff, v5;
	s21 =	smov.u32 s15  }
0x53: {  	s22 =	sadd.s32 $0x4, s15;
	s16 =	sadd.s32 $0x5, s15;
	s17 =	sadd.s32 $0x6, s15;
	v24 =	vxor.u32 $0xFFFFFFFF, v17;
	v22 =	vadd.s32 s19, v1;
	v23 =	vadd.s32 s20, v1;
	v25 =	vld.idx.msk [tilespmem:v10+s2+$0x0], $0xffff;
	[tilespmem:v8+s8+$0x0] =	vst.idx.msk $0xffff, v14  }
0x54: {  	p0 =	slt.u32 s15, $0x7F8;
	s15 =	sadd.s32 $0x8, s15;
	vm6 =	vlt.s32 v17, $0x0;
	v8 =	vadd.s32 s22, v1;
	v26 =	vadd.s32 s16, v1;
	s23 =	sadd.s32 $0x7, s21;
	[tilespmem:v20+s9+$0x0] =	vst.idx.add.s32.msk $0xffff, v5  }
0x55: {  	v17 =	vand.u32 $0x7FFFFFFF, v17;
	vm3 =	vgt.u32 v8, $0x7FF;
	v20 =	vadd.s32 s23, v1;
	v27 =	vld.idx.msk [tilespmem:v12+s2+$0x0], $0xffff  }
0x56: {  	v28 =	vadd.s32 s19, v3;
	v17 =	vxor.u32 $0x80000000, v17;
	vm2 =	vgt.u32 v26, $0x7FF;
	[tilespmem:v21+s9+$0x0] =	vst.idx.add.s32.msk $0xffff, v5  }
0x57: {  	v29 =	vadd.s32 s22, v3;
	vm7 =	vlt.s32 v18, $0x0;
	v21 =	vadd.s32 s20, v3;
	[tilespmem:v16+s9+$0x0] =	vst.idx.add.s32.msk $0xffff, v5  }
0x58: {  	vm9 =	vgt.u32 v23, $0x7FF;
	vm4 =	vgt.u32 v20, $0x7FF;
	v16 =	vand.u32 $0x7FFFFFFF, v18  }
0x59: {  	v30 =	vadd.s32 s17, v1;
	vm5 =	vgt.u32 v22, $0x7FF;
	v18 =	vxor.u32 $0xFFFFFFFF, v18  }
0x5a: {  	v22 =	vsel vm5, v28, v22;
	v28 =	vadd.s32 s23, v3;
	v31 =	vxor.u32 $0xFFFFFFFF, v25  }
0x5b: {  	v32 =	vadd.s32 s18, v3;
	v22 =	vadd.s32 v4, v22;
	v33 =	vand.u32 $0x7FFFFFFF, v27  }
0x5c: {  	v8 =	vsel vm3, v29, v8;
	v20 =	vsel vm4, v28, v20;
	vm5 =	vlt.s32 v25, $0x0  }
0x5d: {  	v28 =	vadd.s32 s21, v1;
	v8 =	vadd.s32 v4, v8;
	v29 =	vxor.u32 $0xFFFFFFFF, v27  }
0x5e: {  	v34 =	vadd.s32 s18, v1;
	vm3 =	vgt.u32 v28, $0x7FF;
	vm8 =	vlt.s32 v27, $0x0  }
0x5f: {  	vm4 =	vgt.u32 v34, $0x7FF;
	v25 =	vand.u32 $0x7FFFFFFF, v25;
	v27 =	vadd.s32 s21, v3  }
0x60: {  	v14 =	vshrl.u32 v14, $0x14;
	v17 =	vsel vm6, v24, v17;
	v21 =	vsel vm9, v21, v23;
	v35 =	vld.idx.msk [tilespmem:v22+s2+$0x0], $0xffff  }
0x61: {  	vm6 =	vgt.u32 v30, $0x7FF;
	v23 =	vadd.s32 s17, v3;
	[tilespmem:v9+s8+$0x0] =	vst.idx.msk $0xffff, v17;
	v9 =	vxor.u32 $0x80000000, v16  }
0x62: {  	v20 =	vadd.s32 v4, v20;
	v16 =	vsel vm6, v23, v30;
	v36 =	vld.idx.msk [tilespmem:v8+s2+$0x0], $0xffff;
	v9 =	vsel vm7, v18, v9  }
0x63: {  	v18 =	vadd.s32 s16, v3;
	v16 =	vadd.s32 v4, v16;
	[tilespmem:v11+s8+$0x0] =	vst.idx.msk $0xffff, v9;
	v11 =	vshrl.u32 v13, $0x14  }
0x64: {  	v9 =	vshrl.u32 v9, $0x14;
	v13 =	vsel vm1, v15, v19;
	v11 =	vand.u32 $0xFF0, v11  }
0x65: {  	v19 =	vand.u32 $0xFF0, v9;
	[tilespmem:v7+s8+$0x0] =	vst.idx.msk $0xffff, v13;
	v13 =	vshrl.u32 v13, $0x14;
	v11 =	vor.u32 v0, v11;
	v7 =	vmovc v16  }
0x66: {  	v9 =	vxor.u32 $0xFFFFFFFF, v35;
	v15 =	vand.u32 $0x7FFFFFFF, v35;
	v16 =	vxor.u32 $0x80000000, v33  }
0x67: {  	vm1 =	vlt.s32 v35, $0x0;
	v15 =	vxor.u32 $0x80000000, v15;
	v16 =	vsel vm8, v29, v16;
	v23 =	vld.idx.msk [tilespmem:v20+s2+$0x0], $0xffff  }
0x68: {  	v15 =	vsel vm1, v9, v15;
	v9 =	vadd.s32 v4, v21;
	[tilespmem:v12+s8+$0x0] =	vst.idx.msk $0xffff, v16;
	v12 =	vxor.u32 $0x80000000, v25  }
0x69: {  	v18 =	vsel vm2, v18, v26;
	v21 =	vshrl.u32 v15, $0x14;
	[tilespmem:v22+s8+$0x0] =	vst.idx.msk $0xffff, v15;
	v12 =	vsel vm5, v31, v12  }
0x6a: {  	v24 =	vand.u32 $0x7FFFFFFF, v36;
	v15 =	vxor.u32 $0xFFFFFFFF, v36;
	v22 =	vshrl.u32 v12, $0x14;
	[tilespmem:v11+s9+$0x0] =	vst.idx.add.s32.msk $0xffff, v5  }
0x6b: {  	v25 =	vsel vm3, v27, v28;
	v11 =	vadd.s32 v4, v18;
	v18 =	vor.u32 v0, v19  }
0x6c: {  	v26 =	vsel vm4, v32, v34;
	v21 =	vand.u32 $0xFF0, v21;
	[tilespmem:v10+s8+$0x0] =	vst.idx.msk $0xffff, v12;
	v10 =	vand.u32 $0xFF0, v22  }
0x6d: {  	v13 =	vand.u32 $0xFF0, v13;
	v12 =	vand.u32 $0x7FFFFFFF, v23;
	vm1 =	vlt.s32 v23, $0x0;
	v19 =	vld.idx.msk [tilespmem:v7+s2+$0x0], $0xffff  }
0x6e: {  	v27 =	vshrl.u32 v17, $0x14;
	v21 =	vor.u32 v0, v21;
	v22 =	vxor.u32 $0x80000000, v12  }
0x6f: {  	v23 =	vxor.u32 $0xFFFFFFFF, v23;
	v12 =	vadd.s32 v4, v25;
	v25 =	vor.u32 v0, v13;
	v17 =	vld.idx.msk [tilespmem:v9+s2+$0x0], $0xffff  }
.Ltmp1:
0x70: {  	v27 =	vand.u32 $0xFF0, v27;
	v13 =	vsel vm1, v23, v22;
	v22 =	vor.u32 v0, v10;
	[tilespmem:v18+s9+$0x0] =	vst.idx.add.s32.msk $0xffff, v5;
	(pc) =	sbr.rel @p0 .LBB2_5-.Ltmp1, $4  }
0x71: {  	v14 =	vand.u32 $0xFF0, v14;
	v10 =	vadd.s32 v4, v26;
	v23 =	vxor.u32 $0x80000000, v24;
	[tilespmem:v20+s8+$0x0] =	vst.idx.msk $0xffff, v13  }
0x72: {  	v26 =	vshrl.u32 v16, $0x14;
	v16 =	vor.u32 v0, v27;
	v20 =	vor.u32 v0, v14;
	v18 =	vld.idx.msk [tilespmem:v11+s2+$0x0], $0xffff  }
0x73: {  	v14 =	vimm.s32 $0x0;
	v24 =	vand.u32 $0x7FFFFFFF, v19;
	[tilespmem:v21+s9+$0x0] =	vst.idx.add.s32.msk $0xffff, v5;
	v21 =	vand.u32 $0xFF0, v26  }
0x74: {  	vm2 =	vlt.s32 v36, $0x0;
	vm1 =	vlt.s32 v19, $0x0;
	v21 =	vor.u32 v0, v21;
	[tilespmem:v25+s9+$0x0] =	vst.idx.add.s32.msk $0xffff, v5  }
0x75: {  	_ =	sdelay $0x2  }
0x76: {  	v15 =	vsel vm2, v15, v23;
	v19 =	vxor.u32 $0xFFFFFFFF, v19;
	v50 =	vxor.u32 $0x80000000, v24  }
0x77: {  	v25 =	vld.idx.msk [tilespmem:v10+s2+$0x0], $0xffff;
	v51 =	vxor.u32 $0xFFFFFFFF, v17;
	vm2 =	vlt.s32 v17, $0x0;
	v52 =	vand.u32 $0x7FFFFFFF, v17  }
0x78: {  	v26 =	vld.idx.msk [tilespmem:v12+s2+$0x0], $0xffff;
	v13 =	vshrl.u32 v13, $0x14;
	v17 =	vxor.u32 $0x80000000, v52;
	[tilespmem:v8+s8+$0x0] =	vst.idx.msk $0xffff, v15;
	v15 =	vshrl.u32 v15, $0x14  }
0x79: {  	v19 =	vsel vm1, v19, v50;
	v13 =	vand.u32 $0xFF0, v13;
	vm3 =	vlt.s32 v18, $0x0  }
0x7a: {  	v27 =	vand.u32 $0x7FFFFFFF, v18;
	v53 =	vxor.u32 $0xFFFFFFFF, v18;
	v17 =	vsel vm2, v51, v17  }
0x7b: {  	v13 =	vor.u32 v0, v13;
	v56 =	vxor.u32 $0x80000000, v27;
	[tilespmem:v9+s8+$0x0] =	vst.idx.msk $0xffff, v17;
	v9 =	vshrl.u32 v19, $0x14  }
0x7c: {  	[tilespmem:v22+s9+$0x0] =	vst.idx.add.s32.msk $0xffff, v5;
	v18 =	vsel vm3, v53, v56;
	v9 =	vand.u32 $0xFF0, v9;
	v54 =	vxor.u32 $0xFFFFFFFF, v25  }
0x7d: {  	[tilespmem:v20+s9+$0x0] =	vst.idx.add.s32.msk $0xffff, v5;
	v55 =	vand.u32 $0x7FFFFFFF, v26;
	vm2 =	vlt.s32 v25, $0x0;
	v25 =	vand.u32 $0x7FFFFFFF, v25  }
0x7e: {  	[tilespmem:v21+s9+$0x0] =	vst.idx.add.s32.msk $0xffff, v5;
	vm4 =	vlt.s32 v26, $0x0;
	v8 =	vxor.u32 $0xFFFFFFFF, v26;
	v59 =	vxor.u32 $0x80000000, v25  }
0x7f: {  	[tilespmem:v16+s9+$0x0] =	vst.idx.add.s32.msk $0xffff, v5;
	v57 =	vshrl.u32 v18, $0x14;
	v9 =	vor.u32 v0, v9;
	v20 =	vsel vm2, v54, v59  }
0x80: {  	[tilespmem:v11+s8+$0x0] =	vst.idx.msk $0xffff, v18;
	v58 =	vand.u32 $0xFF0, v57;
	v60 =	vxor.u32 $0x80000000, v55;
	v11 =	vshrl.u32 v20, $0x14  }
0x81: {  	[tilespmem:v7+s8+$0x0] =	vst.idx.msk $0xffff, v19;
	v16 =	vor.u32 v0, v58;
	v7 =	vsel vm4, v8, v60;
	v8 =	vand.u32 $0xFF0, v11  }
0x82: {  	[tilespmem:v12+s8+$0x0] =	vst.idx.msk $0xffff, v7;
	v7 =	vshrl.u32 v7, $0x14;
	v11 =	vand.u32 $0xFF0, v15;
	v8 =	vor.u32 v0, v8  }
0x83: {  	[tilespmem:v13+s9+$0x0] =	vst.idx.add.s32.msk $0xffff, v5;
	v12 =	vshrl.u32 v17, $0x14;
	v7 =	vand.u32 $0xFF0, v7;
	v11 =	vor.u32 v0, v11  }
0x84: {  	[tilespmem:v10+s8+$0x0] =	vst.idx.msk $0xffff, v20;
	v10 =	vand.u32 $0xFF0, v12;
	v7 =	vor.u32 v0, v7  }
0x85: {  	v10 =	vor.u32 v0, v10;
	[tilespmem:v9+s9+$0x0] =	vst.idx.add.s32.msk $0xffff, v5  }
0x86: {  	[tilespmem:v16+s9+$0x0] =	vst.idx.add.s32.msk $0xffff, v5  }
0x87: {  	[tilespmem:v8+s9+$0x0] =	vst.idx.add.s32.msk $0xffff, v5  }
0x88: {  	[tilespmem:v11+s9+$0x0] =	vst.idx.add.s32.msk $0xffff, v5  }
0x89: {  	[tilespmem:v7+s9+$0x0] =	vst.idx.add.s32.msk $0xffff, v5  }
0x8a: {  	[tilespmem:v10+s9+$0x0] =	vst.idx.add.s32.msk $0xffff, v5  }
0x8b: {  	v7 =	vld [tilespmem:s14+$0x0]  }
0x8c: {  	v8 =	vld [tilespmem:s14+$0xFFFFFFF0]  }
0x8d: {  	v9 =	vld [tilespmem:s14+$0xFFFFFFE0];
	_ =	sdelay $0x1  }
0x8e: {  	v10 =	vld [tilespmem:s14+$0xFFFFFFD0]  }
0x8f: {  	v12 =	vadd.s32 v14, v7  }
0x90: {  	vm1 =	vmneg vm0;
	vm2 =	vgt.s32 v12, $0x2CB;
	v13 =	vadd.s32 v8, v12  }
0x91: {  	v7 =	vld [tilespmem:s14+$0xFFFFFFC0];
	vm3 =	vmor vm0, vm2;
	vm4 =	vgt.s32 v13, $0x2CB;
	v15 =	vadd.s32 v9, v13  }
0x92: {  	s28 =	simm.s32 $0xFF;
	v8 =	vld [tilespmem:s14+$0xFFFFFFB0];
	vm2 =	vmand vm2, vm1;
	vm5 =	vmneg vm3;
	vm3 =	vmor vm3, vm4  }
0x93: {  	vm6 =	vgt.s32 v15, $0x2CB;
	v11 =	vadd.s32 v10, v15;
	v62 =	vsel vm2, s28, v14  }
0x94: {  	v16 =	vld [tilespmem:s14+$0xFFFFFFA0];
	v14 =	vsel vm2, v14, v14;
	vm4 =	vmand vm4, vm5;
	vm5 =	vmneg vm3  }
0x95: {  	vm3 =	vmor vm3, vm6;
	vm7 =	vgt.s32 v11, $0x2CB;
	vm5 =	vmand vm6, vm5  }
0x96: {  	s29 =	simm.s32 $0xFE;
	v61 =	vld [tilespmem:s14+$0xFFFFFF90];
	v10 =	vadd.s32 v7, v11;
	vm6 =	vmneg vm3;
	vm3 =	vmor vm3, vm7  }
0x97: {  	v63 =	vsel vm4, s29, v62;
	v12 =	vsel vm4, v12, v14;
	v9 =	vadd.s32 v8, v10  }
0x98: {  	s30 =	simm.s32 $0xFD;
	vm7 =	vmand vm7, vm6;
	vm8 =	vmneg vm3;
	vm9 =	vgt.s32 v10, $0x2CB  }
0x99: {  	s31 =	simm.s32 $0xFC;
	v14 =	vsel vm5, s30, v63;
	v13 =	vsel vm5, v13, v12;
	v8 =	vadd.s32 v16, v9  }
0x9a: {  	vm3 =	vmor vm3, vm9;
	v12 =	vsel vm7, s31, v14;
	vm4 =	vgt.s32 v9, $0x2CB  }
0x9b: {  	v13 =	vsel vm7, v15, v13;
	vm5 =	vmand vm9, vm8;
	v7 =	vadd.s32 v61, v8  }
0x9c: {  	s15 =	simm.s32 $0xF0;
	s16 =	simm.s32 $0x10F70;
	s14 =	simm.s32 $0xFB;
	vm2 =	vgt.s32 v8, $0x2CB;
	vm6 =	vmneg vm3;
	vm3 =	vmor vm3, vm4  }
.LBB2_7:
0x9d: {  	s17 =	sadd.s32 $0x3, s15  }
0x9e: {  	v14 =	vld [tilespmem:s16+$0x0];
	p0 =	sne.s32 s15, $0x0;
	v11 =	vsel vm5, v11, v13;
	vm4 =	vmand vm4, vm6;
	vm6 =	vgt.s32 v7, $0x2CB;
	s18 =	smov.u32 s15;
	s15 =	sadd.s32 $0xFFFFFFF8, s15  }
0x9f: {  	v12 =	vsel vm5, s14, v12;
	s19 =	sadd.s32 $0x2, s13;
	vm5 =	vmneg vm3;
	vm3 =	vmor vm3, vm2;
	v13 =	vld [tilespmem:s16+$0xFFFFFFF0];
	s14 =	smov.u32 s17  }
0xa0: {  	v12 =	vsel vm4, s19, v12;
	v10 =	vsel vm4, v10, v11;
	s17 =	sadd.s32 $0x1, s13;
	vm2 =	vmand vm2, vm5;
	v15 =	vld [tilespmem:s16+$0xFFFFFFE0]  }
0xa1: {  	v11 =	vsel vm2, s17, v12;
	v9 =	vsel vm2, v9, v10;
	vm2 =	vmneg vm3  }
0xa2: {  	vm3 =	vmor vm3, vm6;
	vm2 =	vmand vm6, vm2;
	v10 =	vld [tilespmem:s16+$0xFFFFFFD0]  }
0xa3: {  	v16 =	vsel vm2, v8, v9;
	v12 =	vadd.s32 v7, v14;
	v14 =	vsel vm2, s13, v11;
	s13 =	smov.u32 s18  }
0xa4: {  	vm4 =	vmneg vm3;
	vm2 =	vgt.s32 v12, $0x2CB;
	v13 =	vadd.s32 v13, v12;
	v8 =	vld [tilespmem:s16+$0xFFFFFFC0]  }
0xa5: {  	vm3 =	vmor vm3, vm2;
	vm5 =	vgt.s32 v13, $0x2CB;
	v15 =	vadd.s32 v15, v13;
	v9 =	vld [tilespmem:s16+$0xFFFFFFB0]  }
0xa6: {  	vm6 =	vmneg vm3;
	vm3 =	vmor vm3, vm5;
	vm7 =	vgt.s32 v15, $0x2CB;
	v17 =	vld [tilespmem:s16+$0xFFFFFFA0]  }
0xa7: {  	vm5 =	vmand vm5, vm6;
	vm6 =	vmneg vm3;
	v11 =	vadd.s32 v10, v15;
	v18 =	vld [tilespmem:s16+$0xFFFFFF90]  }
0xa8: {  	s17 =	sadd.s32 $0x7, s13;
	vm2 =	vmand vm2, vm4;
	vm3 =	vmor vm3, vm7;
	vm4 =	vgt.s32 v11, $0x2CB  }
0xa9: {  	v14 =	vsel vm2, s17, v14;
	vm6 =	vmand vm7, vm6;
	v10 =	vadd.s32 v8, v11  }
0xaa: {  	vm7 =	vmneg vm3;
	vm3 =	vmor vm3, vm4;
	v9 =	vadd.s32 v9, v10  }
0xab: {  	s17 =	sadd.s32 $0x6, s13;
	vm7 =	vmand vm4, vm7;
	vm8 =	vmneg vm3;
	v8 =	vadd.s32 v17, v9  }
.Ltmp2:
0xac: {  	v16 =	vsel vm2, v7, v16;
	v14 =	vsel vm5, s17, v14;
	v7 =	vadd.s32 v18, v8;
	(pc) =	sbr.rel @p0 .LBB2_7-.Ltmp2, $4  }
0xad: {  	v12 =	vsel vm5, v12, v16;
	s17 =	sadd.s32 $0x5, s13;
	vm5 =	vgt.s32 v10, $0x2CB;
	vm2 =	vgt.s32 v8, $0x2CB  }
0xae: {  	v14 =	vsel vm6, s17, v14;
	v13 =	vsel vm6, v13, v12;
	s17 =	sadd.s32 $0x4, s13;
	vm3 =	vmor vm3, vm5  }
0xaf: {  	v12 =	vsel vm7, s17, v14;
	vm4 =	vgt.s32 v9, $0x2CB;
	vm6 =	vmneg vm3  }
0xb0: {  	s16 =	sadd.s32 $0xFFFFFF80, s16;
	v13 =	vsel vm7, v15, v13;
	s17 =	simm.s32 $0x0;
	vm5 =	vmand vm5, vm8;
	vm3 =	vmor vm3, vm4  }
0xb1: {  	v11 =	vsel vm5, v11, v13  }
0xb2: {  	vm4 =	vmand vm4, vm6;
	vm14 =	vgt.s32 v7, $0x2CB;
	v7 =	vsel vm5, s14, v12;
	s30 =	sadd.s32 $0x2, s13  }
0xb3: {  	vm15 =	vmneg vm3;
	vm3 =	vmor vm3, vm2;
	v7 =	vsel vm4, s30, v7  }
0xb4: {  	s31 =	sadd.s32 $0x1, s13;
	v10 =	vsel vm4, v10, v11;
	vm2 =	vmand vm2, vm15;
	vm3 =	vmneg vm3  }
0xb5: {  	v7 =	vsel vm2, s31, v7;
	v9 =	vsel vm2, v9, v10;
	vm2 =	vmand vm14, vm3  }
0xb6: {  	s14 =	simm.s32 $0x200;
	v7 =	vsel vm2, s13, v7;
	v8 =	vsel vm2, v8, v9;
	s13 =	simm.s32 $0x0  }
.LBB2_9:
0xb7: {  	p0 =	sne.s32 s14, $0x3E00;
	[tilespmem:s13+$0x10070] =	vst v2  }
0xb8: {  	[tilespmem:s13+$0x10000] =	vst v2  }
0xb9: {  	[tilespmem:s13+$0x10010] =	vst v2  }
.Ltmp3:
0xba: {  	[tilespmem:s13+$0x10020] =	vst v2;
	(pc) =	sbr.rel @p0 .LBB2_9-.Ltmp3, $4  }
0xbb: {  	[tilespmem:s13+$0x10030] =	vst v2  }
0xbc: {  	[tilespmem:s13+$0x10040] =	vst v2  }
0xbd: {  	[tilespmem:s13+$0x10050] =	vst v2  }
0xbe: {  	[tilespmem:s13+$0x10060] =	vst v2;
	s13 =	sshra.s32 s14, $0x2;
	s14 =	sadd.s32 $0x200, s14  }
0xbf: {  	s14 =	simm.s32 $0x1;
	v11 =	vadd.s32 s17, v3;
	s20 =	simm.s32 $0x5  }
0xc0: {  	s15 =	simm.s32 $0x3;
	s21 =	simm.s32 $0x4;
	s22 =	simm.s32 $0x2;
	v9 =	vadd.s32 s14, v1;
	v10 =	vadd.s32 s14, v3;
	v12 =	vadd.s32 s20, v1  }
0xc1: {  	s23 =	simm.s32 $0x7;
	s16 =	simm.s32 $0x6;
	v13 =	vadd.s32 s15, v3;
	v14 =	vadd.s32 s21, v1;
	v15 =	vadd.s32 s22, v1  }
0xc2: {  	s28 =	simm.s32 $0xB;
	s29 =	simm.s32 $0xC;
	v16 =	vadd.s32 s16, v1;
	v17 =	vadd.s32 s16, v3;
	v18 =	vadd.s32 s23, v3  }
0xc3: {  	[tilespmem:s13+$0x10070] =	vst v2;
	v19 =	vadd.s32 s22, v3;
	v20 =	vadd.s32 s28, v3;
	v21 =	vadd.s32 s29, v1  }
0xc4: {  	[tilespmem:s13+$0x10000] =	vst v2;
	vm2 =	vgt.u32 v9, $0x7FF;
	vm4 =	vgt.u32 v16, $0x7FF;
	vm5 =	vgt.u32 v15, $0x7FF  }
0xc5: {  	[tilespmem:s13+$0x10010] =	vst v2;
	v9 =	vsel vm2, v10, v9;
	v10 =	vadd.s32 s17, v1;
	v16 =	vsel vm4, v17, v16  }
0xc6: {  	[tilespmem:s13+$0x10020] =	vst v2;
	v9 =	vadd.s32 v4, v9;
	vm2 =	vgt.u32 v10, $0x7FF;
	v16 =	vadd.s32 v4, v16  }
0xc7: {  	[tilespmem:s13+$0x10030] =	vst v2;
	v10 =	vsel vm2, v11, v10;
	vm2 =	vgt.u32 v12, $0x7FF;
	v11 =	vadd.s32 s20, v3  }
0xc8: {  	[tilespmem:s13+$0x10040] =	vst v2;
	v10 =	vadd.s32 v4, v10;
	v11 =	vsel vm2, v11, v12;
	v12 =	vadd.s32 s15, v1  }
0xc9: {  	[tilespmem:s13+$0x10050] =	vst v2;
	s18 =	simm.s32 $0xD;
	v15 =	vsel vm5, v19, v15;
	v11 =	vadd.s32 v4, v11;
	vm2 =	vgt.u32 v12, $0x7FF  }
0xca: {  	[tilespmem:s13+$0x10060] =	vst v2;
	s25 =	simm.s32 $0x9;
	v22 =	vadd.s32 s18, v1;
	v15 =	vadd.s32 v4, v15;
	v12 =	vsel vm2, v13, v12  }
0xcb: {  	s26 =	simm.s32 $0xA;
	s30 =	simm.s32 $0xF;
	s31 =	simm.s32 $0xE;
	v24 =	vadd.s32 s25, v3;
	v56 =	vadd.s32 s18, v3;
	v9 =	vld.idx.msk [tilespmem:v9+s8+$0x0], $0xffff;
	v12 =	vadd.s32 v4, v12  }
0xcc: {  	v25 =	vadd.s32 s30, v1;
	v27 =	vadd.s32 s31, v1;
	v59 =	vadd.s32 s26, v3;
	v16 =	vld.idx.msk [tilespmem:v16+s8+$0x0], $0xffff  }
0xcd: {  	vm3 =	vgt.u32 v14, $0x7FF;
	vm7 =	vgt.u32 v21, $0x7FF;
	v13 =	vadd.s32 s23, v1;
	v10 =	vld.idx.msk [tilespmem:v10+s8+$0x0], $0xffff  }
0xce: {  	vm8 =	vgt.u32 v22, $0x7FF;
	vm9 =	vgt.u32 v25, $0x7FF;
	vm2 =	vgt.u32 v13, $0x7FF;
	v11 =	vld.idx.msk [tilespmem:v11+s8+$0x0], $0xffff  }
0xcf: {  	vm10 =	vgt.u32 v27, $0x7FF;
	v15 =	vld.idx.msk [tilespmem:v15+s8+$0x0], $0xffff;
	v13 =	vsel vm2, v18, v13;
	v18 =	vadd.s32 s21, v3  }
0xd0: {  	v19 =	vadd.s32 s26, v1;
	v22 =	vsel vm8, v56, v22;
	v14 =	vsel vm3, v18, v14;
	v12 =	vld.idx.msk [tilespmem:v12+s8+$0x0], $0xffff  }
0xd1: {  	v14 =	vadd.s32 v4, v14;
	v17 =	vshrl.u32 v9, $0x18;
	v9 =	vshrl.u32 v9, $0xC  }
0xd2: {  	vm5 =	veq.s32 v17, v7;
	v17 =	vshrl.u32 v10, $0xC;
	v10 =	vshrl.u32 v10, $0x18  }
0xd3: {  	v23 =	vshrl.u32 v16, $0xC;
	vm3 =	veq.s32 v10, v7;
	v10 =	vshrl.u32 v11, $0xC  }
0xd4: {  	v16 =	vshrl.u32 v16, $0x18;
	v58 =	vshrl.u32 v15, $0xC;
	v10 =	vand.u32 $0xFF0, v10  }
0xd5: {  	v18 =	vor.u32 v0, v10;
	v10 =	vadd.s32 v4, v13;
	v13 =	vshrl.u32 v12, $0x18  }
0xd6: {  	v29 =	vshrl.u32 v15, $0x18;
	vm4 =	veq.s32 v13, v7;
	v13 =	vadd.s32 s25, v1  }
0xd7: {  	v9 =	vand.u32 $0xFF0, v9;
	v23 =	vand.u32 $0xFF0, v23;
	vm2 =	vgt.u32 v13, $0x7FF  }
0xd8: {  	vm8 =	veq.s32 v16, v7;
	v9 =	vor.u32 v0, v9;
	v14 =	vld.idx.msk [tilespmem:v14+s8+$0x0], $0xffff;
	v13 =	vsel vm2, v24, v13  }
0xd9: {  	v16 =	vadd.s32 s28, v1;
	v15 =	vand.u32 $0xFF0, v58;
	v13 =	vadd.s32 v4, v13  }
0xda: {  	s24 =	simm.s32 $0x8;
	v63 =	vor.u32 v0, v23;
	v17 =	vand.u32 $0xFF0, v17;
	v11 =	vshrl.u32 v11, $0x18  }
0xdb: {  	v17 =	vor.u32 v0, v17;
	vm6 =	veq.s32 v11, v7;
	v26 =	vld.idx.msk [tilespmem:v10+s8+$0x0], $0xffff;
	v10 =	vadd.s32 s24, v1  }
0xdc: {  	v11 =	vadd.s32 s24, v3;
	v12 =	vshrl.u32 v12, $0xC;
	vm2 =	vgt.u32 v10, $0x7FF  }
0xdd: {  	v12 =	vand.u32 $0xFF0, v12;
	[tilespmem:v9+s9+$0x0] =	vst.idx.add.s32.msk vm5, v5;
	v10 =	vsel vm2, v11, v10;
	v11 =	vshrl.u32 v14, $0x18  }
0xde: {  	v9 =	vadd.s32 s29, v3;
	v10 =	vadd.s32 v4, v10;
	vm2 =	veq.s32 v11, v7;
	v11 =	vld.idx.msk [tilespmem:v13+s8+$0x0], $0xffff  }
0xdf: {  	v62 =	vor.u32 v0, v12;
	v28 =	vshrl.u32 v14, $0xC;
	v14 =	vadd.s32 s31, v3  }
0xe0: {  	v14 =	vsel vm10, v14, v27;
	vm10 =	vgt.u32 v16, $0x7FF;
	v13 =	vadd.s32 v4, v22  }
0xe1: {  	[tilespmem:v63+s9+$0x0] =	vst.idx.add.s32.msk vm8, v5;
	v9 =	vsel vm7, v9, v21;
	v16 =	vsel vm10, v20, v16;
	vm10 =	vgt.u32 v19, $0x7FF  }
0xe2: {  	[tilespmem:v17+s9+$0x0] =	vst.idx.add.s32.msk vm3, v5;
	v20 =	vadd.s32 s30, v3;
	v14 =	vadd.s32 v4, v14;
	v16 =	vadd.s32 v4, v16  }
0xe3: {  	v57 =	vshrl.u32 v26, $0xC;
	v60 =	vld.idx.msk [tilespmem:v10+s8+$0x0], $0xffff;
	v10 =	vshrl.u32 v11, $0x18;
	v11 =	vshrl.u32 v11, $0xC  }
0xe4: {  	[tilespmem:v18+s9+$0x0] =	vst.idx.add.s32.msk vm6, v5;
	v20 =	vsel vm9, v20, v25;
	vm5 =	veq.s32 v10, v7;
	v11 =	vand.u32 $0xFF0, v11  }
0xe5: {  	v18 =	vsel vm10, v59, v19;
	v17 =	vshrl.u32 v26, $0x18;
	v61 =	vld.idx.msk [tilespmem:v13+s8+$0x0], $0xffff;
	v11 =	vor.u32 v0, v11  }
0xe6: {  	v19 =	vadd.s32 v4, v9;
	vm9 =	veq.s32 v29, v7;
	vm7 =	veq.s32 v17, v7  }
0xe7: {  	v17 =	vand.u32 $0xFF0, v28;
	v13 =	vand.u32 $0xFF0, v57;
	v10 =	vor.u32 v0, v15;
	v15 =	vld.idx.msk [tilespmem:v16+s8+$0x0], $0xffff  }
0xe8: {  	v17 =	vor.u32 v0, v17;
	v13 =	vor.u32 v0, v13;
	v16 =	vadd.s32 v4, v18  }
0xe9: {  	[tilespmem:v62+s9+$0x0] =	vst.idx.add.s32.msk vm4, v5;
	v18 =	vadd.s32 v4, v20;
	v9 =	vshrl.u32 v60, $0x18;
	v12 =	vshrl.u32 v60, $0xC  }
0xea: {  	vm3 =	veq.s32 v9, v7;
	v9 =	vand.u32 $0xFF0, v12;
	v12 =	vshrl.u32 v61, $0xC;
	[tilespmem:v11+s9+$0x0] =	vst.idx.add.s32.msk vm5, v5  }
0xeb: {  	v9 =	vor.u32 v0, v9;
	v12 =	vand.u32 $0xFF0, v12;
	v11 =	vld.idx.msk [tilespmem:v19+s8+$0x0], $0xffff;
	v19 =	vshrl.u32 v61, $0x18  }
0xec: {  	s13 =	simm.s32 $0x10;
	v14 =	vld.idx.msk [tilespmem:v14+s8+$0x0], $0xffff;
	v12 =	vor.u32 v0, v12;
	vm6 =	veq.s32 v19, v7;
	v19 =	vshrl.u32 v15, $0x18  }
.LBB2_11:
0xed: {  	s17 =	sadd.s32 $0x1, s13  }
0xee: {  	v20 =	vadd.s32 s13, v3;
	s15 =	sadd.s32 $0x2, s13;
	s16 =	sadd.s32 $0x3, s13;
	vm4 =	veq.s32 v19, v7;
	[tilespmem:v10+s9+$0x0] =	vst.idx.add.s32.msk vm9, v5;
	s18 =	smov.u32 s13  }
0xef: {  	s14 =	sadd.s32 $0x4, s13;
	s19 =	sadd.s32 $0x5, s13;
	s20 =	sadd.s32 $0x7, s13;
	v15 =	vshrl.u32 v15, $0xC;
	v10 =	vadd.s32 s17, v1;
	v19 =	vadd.s32 s15, v1;
	[tilespmem:v13+s9+$0x0] =	vst.idx.add.s32.msk vm7, v5  }
0xf0: {  	p0 =	slt.u32 s13, $0x7F8;
	s13 =	sadd.s32 $0x8, s13;
	v13 =	vadd.s32 s16, v3;
	v21 =	vadd.s32 s14, v1;
	v22 =	vadd.s32 s19, v1;
	s21 =	sadd.s32 $0x6, s18  }
0xf1: {  	v23 =	vshrl.u32 v14, $0xC;
	vm5 =	vgt.u32 v10, $0x7FF;
	vm7 =	vgt.u32 v21, $0x7FF;
	[tilespmem:v17+s9+$0x0] =	vst.idx.add.s32.msk vm2, v5  }
0xf2: {  	v14 =	vshrl.u32 v14, $0x18;
	v17 =	vadd.s32 s17, v3;
	vm2 =	vgt.u32 v22, $0x7FF;
	v16 =	vld.idx.msk [tilespmem:v16+s8+$0x0], $0xffff  }
0xf3: {  	v15 =	vand.u32 $0xFF0, v15;
	v10 =	vsel vm5, v17, v10;
	v17 =	vadd.s32 s19, v3;
	v18 =	vld.idx.msk [tilespmem:v18+s8+$0x0], $0xffff  }
0xf4: {  	v24 =	vadd.s32 s20, v1;
	v10 =	vadd.s32 v4, v10;
	[tilespmem:v12+s9+$0x0] =	vst.idx.add.s32.msk vm6, v5;
	v12 =	vand.u32 $0xFF0, v23  }
0xf5: {  	v25 =	vadd.s32 s21, v1;
	v26 =	vshrl.u32 v11, $0xC;
	v23 =	vadd.s32 s18, v1  }
0xf6: {  	vm5 =	veq.s32 v14, v7;
	v17 =	vsel vm2, v17, v22;
	vm6 =	vgt.u32 v23, $0x7FF  }
0xf7: {  	v11 =	vshrl.u32 v11, $0x18;
	v14 =	vsel vm6, v20, v23;
	vm6 =	vgt.u32 v24, $0x7FF  }
0xf8: {  	vm8 =	vgt.u32 v25, $0x7FF;
	vm2 =	veq.s32 v11, v7;
	v14 =	vadd.s32 v4, v14  }
0xf9: {  	v17 =	vadd.s32 v4, v17;
	v20 =	vshrl.u32 v18, $0xC;
	v11 =	vld.idx.msk [tilespmem:v10+s8+$0x0], $0xffff;
	v10 =	vadd.s32 s21, v3  }
0xfa: {  	vm9 =	vgt.u32 v19, $0x7FF;
	v22 =	vadd.s32 s20, v3;
	v23 =	vshrl.u32 v16, $0xC  }
0xfb: {  	v27 =	vadd.s32 s15, v3;
	v28 =	vadd.s32 s16, v1;
	v16 =	vshrl.u32 v16, $0x18  }
0xfc: {  	vm10 =	vgt.u32 v28, $0x7FF;
	v25 =	vsel vm8, v10, v25;
	[tilespmem:v9+s9+$0x0] =	vst.idx.add.s32.msk vm3, v5;
	v9 =	vand.u32 $0xFF0, v23  }
0xfd: {  	v13 =	vsel vm10, v13, v28;
	v22 =	vsel vm6, v22, v24;
	v14 =	vld.idx.msk [tilespmem:v14+s8+$0x0], $0xffff;
	v10 =	vor.u32 v0, v9  }
0xfe: {  	v19 =	vsel vm9, v27, v19;
	v23 =	vadd.s32 v4, v25;
	v9 =	vadd.s32 v4, v13;
	v17 =	vld.idx.msk [tilespmem:v17+s8+$0x0], $0xffff  }
0xff: {  	v24 =	vadd.s32 s14, v3;
	v13 =	vshrl.u32 v11, $0x18;
	v11 =	vshrl.u32 v11, $0xC  }
0x100: {  	vm6 =	veq.s32 v13, v7;
	v11 =	vand.u32 $0xFF0, v11;
	v13 =	vand.u32 $0xFF0, v20  }
0x101: {  	v18 =	vshrl.u32 v18, $0x18;
	v20 =	vsel vm7, v24, v21;
	v11 =	vor.u32 v0, v11  }
0x102: {  	v21 =	vor.u32 v0, v15;
	v24 =	vor.u32 v0, v12;
	v20 =	vadd.s32 v4, v20  }
0x103: {  	v13 =	vor.u32 v0, v13;
	v12 =	vshrl.u32 v14, $0x18;
	v14 =	vshrl.u32 v14, $0xC;
	v15 =	vld.idx.msk [tilespmem:v9+s8+$0x0], $0xffff  }
0x104: {  	vm9 =	veq.s32 v16, v7;
	vm3 =	veq.s32 v12, v7;
	v9 =	vand.u32 $0xFF0, v14;
	v14 =	vld.idx.msk [tilespmem:v23+s8+$0x0], $0xffff  }
.Ltmp4:
0x105: {  	vm7 =	veq.s32 v18, v7;
	v12 =	vshrl.u32 v17, $0xC;
	v9 =	vor.u32 v0, v9;
	(pc) =	sbr.rel @p0 .LBB2_11-.Ltmp4, $4  }
0x106: {  	v16 =	vadd.s32 v4, v19;
	v19 =	vand.u32 $0xFF0, v26;
	v12 =	vand.u32 $0xFF0, v12;
	[tilespmem:v11+s9+$0x0] =	vst.idx.add.s32.msk vm6, v5  }
0x107: {  	v18 =	vadd.s32 v4, v22;
	v17 =	vshrl.u32 v17, $0x18;
	v12 =	vor.u32 v0, v12;
	v11 =	vld.idx.msk [tilespmem:v20+s8+$0x0], $0xffff  }
0x108: {  	vm6 =	veq.s32 v17, v7;
	v17 =	vor.u32 v0, v19;
	[tilespmem:v21+s9+$0x0] =	vst.idx.add.s32.msk vm4, v5  }
0x109: {  	v19 =	vshrl.u32 v15, $0x18;
	[tilespmem:v24+s9+$0x0] =	vst.idx.add.s32.msk vm5, v5  }
0x10a: {  	_ =	sdelay $0x3  }
0x10b: {  	v16 =	vld.idx.msk [tilespmem:v16+s8+$0x0], $0xffff  }
0x10c: {  	v18 =	vld.idx.msk [tilespmem:v18+s8+$0x0], $0xffff;
	vm4 =	veq.s32 v19, v7;
	v15 =	vshrl.u32 v15, $0xC  }
0x10d: {  	v62 =	vshrl.u32 v14, $0xC;
	v14 =	vshrl.u32 v14, $0x18;
	v15 =	vand.u32 $0xFF0, v15  }
0x10e: {  	[tilespmem:v12+s9+$0x0] =	vst.idx.add.s32.msk vm6, v5;
	v19 =	vand.u32 $0xFF0, v62;
	vm5 =	veq.s32 v14, v7;
	v20 =	vshrl.u32 v11, $0xC  }
0x10f: {  	[tilespmem:v9+s9+$0x0] =	vst.idx.add.s32.msk vm3, v5;
	v11 =	vshrl.u32 v11, $0x18;
	v15 =	vor.u32 v0, v15;
	v12 =	vand.u32 $0xFF0, v20  }
0x110: {  	v63 =	vor.u32 v0, v19;
	vm6 =	veq.s32 v11, v7;
	v9 =	vor.u32 v0, v12  }
0x111: {  	[tilespmem:v10+s9+$0x0] =	vst.idx.add.s32.msk vm9, v5;
	v14 =	vshrl.u32 v18, $0xC;
	v21 =	vshrl.u32 v16, $0xC;
	v10 =	vshrl.u32 v16, $0x18  }
0x112: {  	[tilespmem:v13+s9+$0x0] =	vst.idx.add.s32.msk vm7, v5;
	v13 =	vshrl.u32 v18, $0x18;
	v16 =	vand.u32 $0xFF0, v21;
	vm7 =	veq.s32 v10, v7  }
0x113: {  	[tilespmem:v17+s9+$0x0] =	vst.idx.add.s32.msk vm2, v5;
	v14 =	vand.u32 $0xFF0, v14;
	vm2 =	veq.s32 v13, v7;
	v10 =	vor.u32 v0, v16  }
0x114: {  	v11 =	vor.u32 v0, v14  }
0x115: {  	[tilespmem:v15+s9+$0x0] =	vst.idx.add.s32.msk vm4, v5  }
0x116: {  	[tilespmem:v63+s9+$0x0] =	vst.idx.add.s32.msk vm5, v5  }
0x117: {  	[tilespmem:v9+s9+$0x0] =	vst.idx.add.s32.msk vm6, v5  }
0x118: {  	[tilespmem:v10+s9+$0x0] =	vst.idx.add.s32.msk vm7, v5  }
0x119: {  	s15 =	simm.s32 $0x10FF0;
	[tilespmem:v11+s9+$0x0] =	vst.idx.add.s32.msk vm2, v5  }
0x11a: {  	v9 =	vld [tilespmem:s15+$0x0]  }
0x11b: {  	v10 =	vld [tilespmem:s15+$0xFFFFFFF0]  }
0x11c: {  	v11 =	vld [tilespmem:s15+$0xFFFFFFE0];
	_ =	sdelay $0x1  }
0x11d: {  	v12 =	vimm.s32 $0x0;
	v13 =	vld [tilespmem:s15+$0xFFFFFFD0]  }
0x11e: {  	v8 =	vsub.s32 $0x2CC, v8;
	v14 =	vadd.s32 v12, v9  }
0x11f: {  	vm2 =	vge.s32 v14, v8;
	v15 =	vadd.s32 v10, v14  }
0x120: {  	vm3 =	vmor vm0, vm2;
	vm4 =	vge.s32 v15, v8;
	v16 =	vadd.s32 v11, v15  }
0x121: {  	s13 =	simm.s32 $0xFF;
	v10 =	vld [tilespmem:s15+$0xFFFFFFC0];
	vm2 =	vmand vm2, vm1;
	vm5 =	vmneg vm3;
	vm3 =	vmor vm3, vm4  }
0x122: {  	vm6 =	vge.s32 v16, v8;
	v9 =	vadd.s32 v13, v16;
	v13 =	vsel vm2, s13, v12  }
0x123: {  	s29 =	simm.s32 $0xFE;
	v11 =	vld [tilespmem:s15+$0xFFFFFFB0];
	v12 =	vsel vm2, v12, v12;
	vm4 =	vmand vm4, vm5;
	vm5 =	vmneg vm3  }
0x124: {  	v17 =	vld [tilespmem:s15+$0xFFFFFFA0];
	vm3 =	vmor vm3, vm6;
	vm7 =	vge.s32 v9, v8;
	v13 =	vsel vm4, s29, v13  }
0x125: {  	vm2 =	vmneg vm3;
	vm3 =	vmor vm3, vm7;
	vm6 =	vmand vm6, vm5  }
0x126: {  	s30 =	simm.s32 $0xFD;
	v14 =	vsel vm4, v14, v12;
	v10 =	vadd.s32 v10, v9;
	vm7 =	vmand vm7, vm2  }
0x127: {  	vm8 =	vmneg vm3;
	v13 =	vsel vm6, s30, v13;
	vm2 =	vge.s32 v10, v8  }
0x128: {  	s31 =	simm.s32 $0xFC;
	v14 =	vsel vm6, v15, v14;
	v11 =	vadd.s32 v11, v10;
	vm15 =	vmor vm3, vm2  }
0x129: {  	vm5 =	vge.s32 v11, v8;
	v12 =	vadd.s32 v17, v11;
	v17 =	vsel vm7, s31, v13;
	v13 =	vld [tilespmem:s15+$0xFFFFFF90]  }
0x12a: {  	s16 =	simm.s32 $0xFB;
	v15 =	vsel vm7, v16, v14;
	vm2 =	vmand vm2, vm8;
	vm4 =	vmor vm15, vm5  }
0x12b: {  	s14 =	simm.s32 $0xF0;
	s13 =	simm.s32 $0xF8;
	s15 =	simm.s32 $0x10F70;
	vm3 =	vmneg vm15;
	v14 =	vsel vm2, s16, v17;
	vm6 =	vmneg vm4  }
.LBB2_13:
0x12c: {  	v16 =	vld [tilespmem:s15+$0x0];
	p0 =	sne.s32 s14, $0x0;
	v9 =	vsel vm2, v9, v15;
	vm2 =	vmand vm5, vm3;
	vm3 =	vge.s32 v12, v8;
	s16 =	smov.u32 s14;
	s14 =	sadd.s32 $0xFFFFFFF8, s14  }
0x12d: {  	s17 =	sadd.s32 $0x2, s13;
	v15 =	vld [tilespmem:s15+$0xFFFFFFF0];
	v9 =	vsel vm2, v10, v9;
	vm5 =	vmand vm3, vm6;
	vm3 =	vmor vm4, vm3  }
0x12e: {  	v14 =	vsel vm2, s17, v14;
	s17 =	sadd.s32 $0x1, s13;
	v13 =	vadd.s32 v13, v12;
	v10 =	vld [tilespmem:s15+$0xFFFFFFE0];
	vm2 =	vmneg vm3  }
0x12f: {  	v14 =	vsel vm5, s17, v14;
	v9 =	vsel vm5, v11, v9;
	vm4 =	vge.s32 v13, v8  }
0x130: {  	vm2 =	vmand vm4, vm2;
	vm3 =	vmor vm3, vm4;
	v11 =	vld [tilespmem:s15+$0xFFFFFFD0]  }
0x131: {  	v14 =	vsel vm2, s13, v14;
	v12 =	vsel vm2, v12, v9;
	s13 =	smov.u32 s16;
	v16 =	vadd.s32 v13, v16  }
0x132: {  	vm5 =	vmneg vm3;
	vm2 =	vge.s32 v16, v8;
	v15 =	vadd.s32 v15, v16;
	v17 =	vld [tilespmem:s15+$0xFFFFFFC0]  }
0x133: {  	vm3 =	vmor vm3, vm2;
	vm4 =	vge.s32 v15, v8;
	v18 =	vadd.s32 v10, v15  }
0x134: {  	vm6 =	vmneg vm3;
	vm3 =	vmor vm3, vm4;
	vm7 =	vge.s32 v18, v8  }
0x135: {  	vm4 =	vmand vm4, vm6;
	vm6 =	vmneg vm3;
	v9 =	vadd.s32 v11, v18;
	v11 =	vld [tilespmem:s15+$0xFFFFFFB0]  }
0x136: {  	s16 =	sadd.s32 $0x7, s13;
	vm2 =	vmand vm2, vm5;
	vm3 =	vmor vm3, vm7;
	vm5 =	vge.s32 v9, v8  }
0x137: {  	v14 =	vsel vm2, s16, v14;
	v12 =	vsel vm2, v13, v12;
	s16 =	sadd.s32 $0x6, s13;
	v10 =	vadd.s32 v17, v9;
	v17 =	vld [tilespmem:s15+$0xFFFFFFA0]  }
0x138: {  	v13 =	vsel vm4, s16, v14;
	vm2 =	vmneg vm3;
	vm3 =	vmor vm3, vm5  }
0x139: {  	vm8 =	vmand vm5, vm2;
	vm2 =	vge.s32 v10, v8;
	vm5 =	vmneg vm3  }
.Ltmp5:
0x13a: {  	s16 =	sadd.s32 $0x5, s13;
	vm6 =	vmand vm7, vm6;
	vm7 =	vmor vm3, vm2;
	v11 =	vadd.s32 v11, v10;
	(pc) =	sbr.rel @p0 .LBB2_13-.Ltmp5, $4  }
0x13b: {  	v14 =	vsel vm6, s16, v13;
	vm2 =	vmand vm2, vm5;
	vm3 =	vmneg vm7;
	v13 =	vld [tilespmem:s15+$0xFFFFFF90]  }
0x13c: {  	v16 =	vsel vm4, v16, v12;
	s16 =	sadd.s32 $0x4, s13;
	vm5 =	vge.s32 v11, v8;
	v12 =	vadd.s32 v17, v11  }
0x13d: {  	v15 =	vsel vm6, v15, v16;
	v14 =	vsel vm8, s16, v14;
	s16 =	sadd.s32 $0x3, s13;
	vm4 =	vmor vm7, vm5  }
0x13e: {  	v15 =	vsel vm8, v18, v15;
	v14 =	vsel vm2, s16, v14;
	s15 =	sadd.s32 $0xFFFFFF80, s15;
	vm6 =	vmneg vm4  }
0x13f: {  	v9 =	vsel vm2, v9, v15;
	vm2 =	vmand vm5, vm3  }
0x140: {  	vm3 =	vge.s32 v12, v8;
	v9 =	vsel vm2, v10, v9  }
0x141: {  	s14 =	sadd.s32 $0x2, s13;
	vm15 =	vmand vm3, vm6;
	vm3 =	vmor vm4, vm3;
	v10 =	vadd.s32 v13, v12  }
0x142: {  	s31 =	sadd.s32 $0x1, s13;
	v63 =	vsel vm2, s14, v14;
	vm2 =	vmneg vm3;
	vm3 =	vge.s32 v10, v8  }
0x143: {  	v10 =	vsel vm15, s31, v63;
	v9 =	vsel vm15, v11, v9;
	vm2 =	vmand vm3, vm2  }
0x144: {  	s14 =	simm.s32 $0x200;
	v10 =	vsel vm2, s13, v10;
	v9 =	vsel vm2, v12, v9;
	s13 =	simm.s32 $0x0  }
.LBB2_15:
0x145: {  	p0 =	sne.s32 s14, $0x3E00;
	[tilespmem:s13+$0x10070] =	vst v2  }
0x146: {  	[tilespmem:s13+$0x10000] =	vst v2  }
0x147: {  	[tilespmem:s13+$0x10010] =	vst v2  }
.Ltmp6:
0x148: {  	[tilespmem:s13+$0x10020] =	vst v2;
	(pc) =	sbr.rel @p0 .LBB2_15-.Ltmp6, $4  }
0x149: {  	[tilespmem:s13+$0x10030] =	vst v2  }
0x14a: {  	[tilespmem:s13+$0x10040] =	vst v2  }
0x14b: {  	[tilespmem:s13+$0x10050] =	vst v2  }
0x14c: {  	[tilespmem:s13+$0x10060] =	vst v2;
	s13 =	sshra.s32 s14, $0x2;
	s14 =	sadd.s32 $0x200, s14  }
0x14d: {  	s14 =	simm.s32 $0x1  }
0x14e: {  	s15 =	simm.s32 $0x0;
	v7 =	vshll.u32 v7, $0x8;
	s20 =	simm.s32 $0x5;
	v11 =	vadd.s32 s14, v1;
	v12 =	vadd.s32 s14, v3  }
0x14f: {  	s21 =	simm.s32 $0x3;
	s22 =	simm.s32 $0x4;
	s23 =	simm.s32 $0x2;
	v13 =	vadd.s32 s15, v3;
	v7 =	vor.u32 v7, v10;
	v10 =	vadd.s32 s20, v1  }
0x150: {  	s24 =	simm.s32 $0x7;
	s16 =	simm.s32 $0x6;
	v14 =	vadd.s32 s21, v3;
	v15 =	vadd.s32 s22, v1;
	v16 =	vadd.s32 s23, v1  }
0x151: {  	s29 =	simm.s32 $0xB;
	s17 =	simm.s32 $0xC;
	v17 =	vadd.s32 s16, v1;
	v18 =	vadd.s32 s16, v3;
	v19 =	vadd.s32 s24, v3  }
0x152: {  	s26 =	simm.s32 $0x9;
	s18 =	simm.s32 $0xD;
	v20 =	vadd.s32 s23, v3;
	v21 =	vadd.s32 s29, v3;
	v22 =	vadd.s32 s17, v1  }
0x153: {  	[tilespmem:s13+$0x10070] =	vst v2;
	v23 =	vadd.s32 s18, v1;
	v25 =	vadd.s32 s26, v3;
	vm2 =	vgt.u32 v11, $0x7FF  }
0x154: {  	[tilespmem:s13+$0x10000] =	vst v2;
	vm4 =	vgt.u32 v17, $0x7FF;
	vm5 =	vgt.u32 v16, $0x7FF;
	v11 =	vsel vm2, v12, v11  }
0x155: {  	[tilespmem:s13+$0x10010] =	vst v2;
	v12 =	vadd.s32 s15, v1;
	v17 =	vsel vm4, v18, v17;
	v16 =	vsel vm5, v20, v16  }
0x156: {  	[tilespmem:s13+$0x10020] =	vst v2;
	v11 =	vadd.s32 v4, v11;
	vm2 =	vgt.u32 v12, $0x7FF;
	v17 =	vadd.s32 v4, v17  }
0x157: {  	[tilespmem:s13+$0x10030] =	vst v2;
	v12 =	vsel vm2, v13, v12;
	vm2 =	vgt.u32 v10, $0x7FF;
	v13 =	vadd.s32 s20, v3  }
0x158: {  	[tilespmem:s13+$0x10040] =	vst v2;
	s30 =	simm.s32 $0xF;
	v16 =	vadd.s32 v4, v16;
	v10 =	vsel vm2, v13, v10;
	v13 =	vadd.s32 s21, v1  }
0x159: {  	[tilespmem:s13+$0x10050] =	vst v2;
	s25 =	simm.s32 $0x8;
	s31 =	simm.s32 $0xE;
	v56 =	vadd.s32 s18, v3;
	v26 =	vadd.s32 s30, v1;
	vm2 =	vgt.u32 v13, $0x7FF  }
0x15a: {  	[tilespmem:s13+$0x10060] =	vst v2;
	s28 =	simm.s32 $0xA;
	v27 =	vadd.s32 s25, v1;
	v28 =	vadd.s32 s31, v1;
	v13 =	vsel vm2, v14, v13  }
0x15b: {  	v59 =	vadd.s32 s28, v3;
	v61 =	vadd.s32 s17, v3;
	v11 =	vld.idx.msk [tilespmem:v11+s8+$0x0], $0xffff;
	v13 =	vadd.s32 v4, v13  }
0x15c: {  	vm3 =	vgt.u32 v15, $0x7FF;
	vm7 =	vgt.u32 v22, $0x7FF;
	v12 =	vadd.s32 v4, v12;
	v17 =	vld.idx.msk [tilespmem:v17+s8+$0x0], $0xffff  }
0x15d: {  	vm8 =	vgt.u32 v23, $0x7FF;
	vm9 =	vgt.u32 v26, $0x7FF;
	v14 =	vadd.s32 s24, v1;
	v16 =	vld.idx.msk [tilespmem:v16+s8+$0x0], $0xffff  }
0x15e: {  	vm10 =	vgt.u32 v28, $0x7FF;
	v20 =	vadd.s32 s28, v1;
	vm2 =	vgt.u32 v14, $0x7FF  }
0x15f: {  	v10 =	vadd.s32 v4, v10;
	v14 =	vsel vm2, v19, v14;
	v19 =	vadd.s32 s22, v3  }
0x160: {  	v23 =	vsel vm8, v56, v23;
	v15 =	vsel vm3, v19, v15;
	v14 =	vadd.s32 v4, v14;
	v13 =	vld.idx.msk [tilespmem:v13+s8+$0x0], $0xffff  }
0x161: {  	v12 =	vld.idx.msk [tilespmem:v12+s8+$0x0], $0xffff;
	v15 =	vadd.s32 v4, v15;
	v18 =	vshrl.u32 v11, $0x10;
	v11 =	vshrl.u32 v11, $0x4  }
0x162: {  	v24 =	vshrl.u32 v17, $0x4;
	v17 =	vshrl.u32 v17, $0x10;
	v58 =	vshrl.u32 v16, $0x4  }
0x163: {  	v30 =	vshrl.u32 v16, $0x10;
	vm5 =	veq.s32 v18, v7;
	v11 =	vand.u32 $0xFF0, v11  }
0x164: {  	v10 =	vld.idx.msk [tilespmem:v10+s8+$0x0], $0xffff;
	v24 =	vand.u32 $0xFF0, v24;
	vm8 =	veq.s32 v17, v7;
	v17 =	vadd.s32 v4, v23  }
0x165: {  	v23 =	vadd.s32 s29, v1;
	v11 =	vor.u32 v0, v11;
	v19 =	vshrl.u32 v13, $0x10  }
0x166: {  	v18 =	vshrl.u32 v12, $0x4;
	vm4 =	veq.s32 v19, v7;
	v19 =	vadd.s32 s26, v1  }
0x167: {  	v12 =	vshrl.u32 v12, $0x10;
	v18 =	vand.u32 $0xFF0, v18;
	vm2 =	vgt.u32 v19, $0x7FF  }
0x168: {  	vm3 =	veq.s32 v12, v7;
	v15 =	vld.idx.msk [tilespmem:v15+s8+$0x0], $0xffff;
	v12 =	vor.u32 v0, v18;
	v19 =	vsel vm2, v25, v19  }
0x169: {  	v18 =	vshrl.u32 v10, $0x4;
	v10 =	vshrl.u32 v10, $0x10;
	v19 =	vadd.s32 v4, v19  }
0x16a: {  	vm6 =	veq.s32 v10, v7;
	v10 =	vadd.s32 s25, v3;
	vm2 =	vgt.u32 v27, $0x7FF  }
0x16b: {  	v16 =	vand.u32 $0xFF0, v58;
	v14 =	vld.idx.msk [tilespmem:v14+s8+$0x0], $0xffff;
	v24 =	vor.u32 v0, v24;
	v10 =	vsel vm2, v10, v27  }
0x16c: {  	v18 =	vand.u32 $0xFF0, v18;
	v13 =	vshrl.u32 v13, $0x4;
	v10 =	vadd.s32 v4, v10  }
0x16d: {  	v18 =	vor.u32 v0, v18;
	v29 =	vshrl.u32 v15, $0x4;
	v15 =	vshrl.u32 v15, $0x10  }
0x16e: {  	v13 =	vand.u32 $0xFF0, v13;
	vm2 =	veq.s32 v15, v7;
	v15 =	vld.idx.msk [tilespmem:v19+s8+$0x0], $0xffff;
	v19 =	vadd.s32 s31, v3  }
0x16f: {  	[tilespmem:v11+s9+$0x0] =	vst.idx.add.s32.msk vm5, v5;
	v11 =	vor.u32 v0, v16;
	v19 =	vsel vm10, v19, v28;
	vm10 =	vgt.u32 v23, $0x7FF  }
0x170: {  	v57 =	vshrl.u32 v14, $0x4;
	v63 =	vor.u32 v0, v13;
	[tilespmem:v12+s9+$0x0] =	vst.idx.add.s32.msk vm3, v5;
	v21 =	vsel vm10, v21, v23  }
0x171: {  	v12 =	vshrl.u32 v14, $0x10;
	v10 =	vld.idx.msk [tilespmem:v10+s8+$0x0], $0xffff;
	v23 =	vadd.s32 s30, v3;
	v21 =	vadd.s32 v4, v21  }
0x172: {  	v62 =	vld.idx.msk [tilespmem:v17+s8+$0x0], $0xffff;
	vm10 =	vgt.u32 v20, $0x7FF;
	v19 =	vadd.s32 v4, v19;
	v23 =	vsel vm9, v23, v26  }
0x173: {  	[tilespmem:v18+s9+$0x0] =	vst.idx.add.s32.msk vm6, v5;
	v18 =	vsel vm10, v59, v20;
	v60 =	vshrl.u32 v15, $0x10;
	v15 =	vshrl.u32 v15, $0x4  }
0x174: {  	v20 =	vand.u32 $0xFF0, v57;
	vm5 =	veq.s32 v60, v7;
	v15 =	vand.u32 $0xFF0, v15  }
0x175: {  	vm9 =	veq.s32 v30, v7;
	v17 =	vor.u32 v0, v15;
	v15 =	vsel vm7, v61, v22  }
0x176: {  	v14 =	vor.u32 v0, v20;
	v13 =	vshrl.u32 v10, $0x10;
	v22 =	vadd.s32 v4, v15;
	v16 =	vld.idx.msk [tilespmem:v21+s8+$0x0], $0xffff  }
0x177: {  	[tilespmem:v24+s9+$0x0] =	vst.idx.add.s32.msk vm8, v5;
	v20 =	vshrl.u32 v62, $0x10;
	v10 =	vshrl.u32 v10, $0x4;
	vm3 =	veq.s32 v13, v7  }
0x178: {  	[tilespmem:v63+s9+$0x0] =	vst.idx.add.s32.msk vm4, v5;
	v10 =	vand.u32 $0xFF0, v10;
	v13 =	vshrl.u32 v62, $0x4;
	vm7 =	veq.s32 v12, v7  }
0x179: {  	vm6 =	veq.s32 v20, v7;
	v15 =	vld.idx.msk [tilespmem:v19+s8+$0x0], $0xffff;
	v10 =	vor.u32 v0, v10;
	v13 =	vand.u32 $0xFF0, v13  }
0x17a: {  	v19 =	vadd.s32 v4, v23;
	[tilespmem:v17+s9+$0x0] =	vst.idx.add.s32.msk vm5, v5;
	v17 =	vadd.s32 v4, v18;
	v18 =	vand.u32 $0xFF0, v29  }
0x17b: {  	s13 =	simm.s32 $0x10;
	v13 =	vor.u32 v0, v13;
	v12 =	vld.idx.msk [tilespmem:v22+s8+$0x0], $0xffff;
	v18 =	vor.u32 v0, v18;
	v20 =	vshrl.u32 v16, $0x10  }
.LBB2_17:
0x17c: {  	s17 =	sadd.s32 $0x1, s13  }
0x17d: {  	v21 =	vadd.s32 s13, v3;
	s15 =	sadd.s32 $0x2, s13;
	s16 =	sadd.s32 $0x3, s13;
	vm4 =	veq.s32 v20, v7;
	[tilespmem:v11+s9+$0x0] =	vst.idx.add.s32.msk vm9, v5;
	s18 =	smov.u32 s13  }
0x17e: {  	s14 =	sadd.s32 $0x4, s13;
	s19 =	sadd.s32 $0x5, s13;
	s20 =	sadd.s32 $0x7, s13;
	v16 =	vshrl.u32 v16, $0x4;
	v11 =	vadd.s32 s17, v1;
	v20 =	vadd.s32 s15, v1;
	[tilespmem:v14+s9+$0x0] =	vst.idx.add.s32.msk vm7, v5  }
0x17f: {  	p0 =	slt.u32 s13, $0x7F8;
	s13 =	sadd.s32 $0x8, s13;
	v14 =	vadd.s32 s16, v3;
	v22 =	vadd.s32 s14, v1;
	v23 =	vadd.s32 s19, v1;
	s21 =	sadd.s32 $0x6, s18  }
0x180: {  	v24 =	vshrl.u32 v15, $0x4;
	vm5 =	vgt.u32 v11, $0x7FF;
	vm7 =	vgt.u32 v22, $0x7FF;
	[tilespmem:v18+s9+$0x0] =	vst.idx.add.s32.msk vm2, v5  }
0x181: {  	v15 =	vshrl.u32 v15, $0x10;
	v18 =	vadd.s32 s17, v3;
	vm2 =	vgt.u32 v23, $0x7FF;
	v17 =	vld.idx.msk [tilespmem:v17+s8+$0x0], $0xffff  }
0x182: {  	v16 =	vand.u32 $0xFF0, v16;
	v11 =	vsel vm5, v18, v11;
	v18 =	vadd.s32 s19, v3;
	v19 =	vld.idx.msk [tilespmem:v19+s8+$0x0], $0xffff  }
0x183: {  	v25 =	vadd.s32 s20, v1;
	v11 =	vadd.s32 v4, v11;
	[tilespmem:v13+s9+$0x0] =	vst.idx.add.s32.msk vm6, v5;
	v13 =	vand.u32 $0xFF0, v24  }
0x184: {  	v26 =	vadd.s32 s21, v1;
	v27 =	vshrl.u32 v12, $0x4;
	v24 =	vadd.s32 s18, v1  }
0x185: {  	vm5 =	veq.s32 v15, v7;
	v18 =	vsel vm2, v18, v23;
	vm6 =	vgt.u32 v24, $0x7FF  }
0x186: {  	v12 =	vshrl.u32 v12, $0x10;
	v15 =	vsel vm6, v21, v24;
	vm6 =	vgt.u32 v25, $0x7FF  }
0x187: {  	vm8 =	vgt.u32 v26, $0x7FF;
	vm2 =	veq.s32 v12, v7;
	v15 =	vadd.s32 v4, v15  }
0x188: {  	v18 =	vadd.s32 v4, v18;
	v21 =	vshrl.u32 v19, $0x4;
	v12 =	vld.idx.msk [tilespmem:v11+s8+$0x0], $0xffff;
	v11 =	vadd.s32 s21, v3  }
0x189: {  	vm9 =	vgt.u32 v20, $0x7FF;
	v23 =	vadd.s32 s20, v3;
	v24 =	vshrl.u32 v17, $0x4  }
0x18a: {  	v28 =	vadd.s32 s15, v3;
	v29 =	vadd.s32 s16, v1;
	v17 =	vshrl.u32 v17, $0x10  }
0x18b: {  	vm10 =	vgt.u32 v29, $0x7FF;
	v26 =	vsel vm8, v11, v26;
	[tilespmem:v10+s9+$0x0] =	vst.idx.add.s32.msk vm3, v5;
	v10 =	vand.u32 $0xFF0, v24  }
0x18c: {  	v14 =	vsel vm10, v14, v29;
	v23 =	vsel vm6, v23, v25;
	v15 =	vld.idx.msk [tilespmem:v15+s8+$0x0], $0xffff;
	v11 =	vor.u32 v0, v10  }
0x18d: {  	v20 =	vsel vm9, v28, v20;
	v24 =	vadd.s32 v4, v26;
	v10 =	vadd.s32 v4, v14;
	v18 =	vld.idx.msk [tilespmem:v18+s8+$0x0], $0xffff  }
0x18e: {  	v25 =	vadd.s32 s14, v3;
	v14 =	vshrl.u32 v12, $0x10;
	v12 =	vshrl.u32 v12, $0x4  }
0x18f: {  	vm6 =	veq.s32 v14, v7;
	v12 =	vand.u32 $0xFF0, v12;
	v14 =	vand.u32 $0xFF0, v21  }
0x190: {  	v19 =	vshrl.u32 v19, $0x10;
	v21 =	vsel vm7, v25, v22;
	v12 =	vor.u32 v0, v12  }
0x191: {  	v22 =	vor.u32 v0, v16;
	v25 =	vor.u32 v0, v13;
	v21 =	vadd.s32 v4, v21  }
0x192: {  	v14 =	vor.u32 v0, v14;
	v13 =	vshrl.u32 v15, $0x10;
	v15 =	vshrl.u32 v15, $0x4;
	v16 =	vld.idx.msk [tilespmem:v10+s8+$0x0], $0xffff  }
0x193: {  	vm9 =	veq.s32 v17, v7;
	vm3 =	veq.s32 v13, v7;
	v10 =	vand.u32 $0xFF0, v15;
	v15 =	vld.idx.msk [tilespmem:v24+s8+$0x0], $0xffff  }
.Ltmp7:
0x194: {  	vm7 =	veq.s32 v19, v7;
	v13 =	vshrl.u32 v18, $0x4;
	v10 =	vor.u32 v0, v10;
	(pc) =	sbr.rel @p0 .LBB2_17-.Ltmp7, $4  }
0x195: {  	v17 =	vadd.s32 v4, v20;
	v20 =	vand.u32 $0xFF0, v27;
	v13 =	vand.u32 $0xFF0, v13;
	[tilespmem:v12+s9+$0x0] =	vst.idx.add.s32.msk vm6, v5  }
0x196: {  	v19 =	vadd.s32 v4, v23;
	v18 =	vshrl.u32 v18, $0x10;
	v13 =	vor.u32 v0, v13;
	v12 =	vld.idx.msk [tilespmem:v21+s8+$0x0], $0xffff  }
0x197: {  	vm6 =	veq.s32 v18, v7;
	v18 =	vor.u32 v0, v20;
	[tilespmem:v22+s9+$0x0] =	vst.idx.add.s32.msk vm4, v5  }
0x198: {  	v20 =	vshrl.u32 v16, $0x10;
	[tilespmem:v25+s9+$0x0] =	vst.idx.add.s32.msk vm5, v5  }
0x199: {  	_ =	sdelay $0x3  }
0x19a: {  	v17 =	vld.idx.msk [tilespmem:v17+s8+$0x0], $0xffff  }
0x19b: {  	v19 =	vld.idx.msk [tilespmem:v19+s8+$0x0], $0xffff;
	vm4 =	veq.s32 v20, v7;
	v16 =	vshrl.u32 v16, $0x4  }
0x19c: {  	v61 =	vshrl.u32 v15, $0x4;
	v15 =	vshrl.u32 v15, $0x10;
	v16 =	vand.u32 $0xFF0, v16  }
0x19d: {  	[tilespmem:v13+s9+$0x0] =	vst.idx.add.s32.msk vm6, v5;
	v20 =	vand.u32 $0xFF0, v61;
	vm5 =	veq.s32 v15, v7;
	v21 =	vshrl.u32 v12, $0x4  }
0x19e: {  	[tilespmem:v10+s9+$0x0] =	vst.idx.add.s32.msk vm3, v5;
	v12 =	vshrl.u32 v12, $0x10;
	v16 =	vor.u32 v0, v16;
	v13 =	vand.u32 $0xFF0, v21  }
0x19f: {  	v62 =	vor.u32 v0, v20;
	vm6 =	veq.s32 v12, v7;
	v10 =	vor.u32 v0, v13  }
0x1a0: {  	[tilespmem:v11+s9+$0x0] =	vst.idx.add.s32.msk vm9, v5;
	v15 =	vshrl.u32 v19, $0x4;
	v22 =	vshrl.u32 v17, $0x4;
	v11 =	vshrl.u32 v17, $0x10  }
0x1a1: {  	[tilespmem:v14+s9+$0x0] =	vst.idx.add.s32.msk vm7, v5;
	v14 =	vshrl.u32 v19, $0x10;
	v17 =	vand.u32 $0xFF0, v22;
	vm7 =	veq.s32 v11, v7  }
0x1a2: {  	[tilespmem:v18+s9+$0x0] =	vst.idx.add.s32.msk vm2, v5;
	v15 =	vand.u32 $0xFF0, v15;
	vm2 =	veq.s32 v14, v7;
	v11 =	vor.u32 v0, v17  }
0x1a3: {  	v12 =	vor.u32 v0, v15  }
0x1a4: {  	[tilespmem:v16+s9+$0x0] =	vst.idx.add.s32.msk vm4, v5  }
0x1a5: {  	[tilespmem:v62+s9+$0x0] =	vst.idx.add.s32.msk vm5, v5  }
0x1a6: {  	[tilespmem:v10+s9+$0x0] =	vst.idx.add.s32.msk vm6, v5  }
0x1a7: {  	[tilespmem:v11+s9+$0x0] =	vst.idx.add.s32.msk vm7, v5  }
0x1a8: {  	s15 =	simm.s32 $0x10FF0;
	[tilespmem:v12+s9+$0x0] =	vst.idx.add.s32.msk vm2, v5  }
0x1a9: {  	v10 =	vld [tilespmem:s15+$0x0]  }
0x1aa: {  	v11 =	vld [tilespmem:s15+$0xFFFFFFF0]  }
0x1ab: {  	v12 =	vld [tilespmem:s15+$0xFFFFFFE0];
	_ =	sdelay $0x1  }
0x1ac: {  	v13 =	vimm.s32 $0x0;
	v14 =	vld [tilespmem:s15+$0xFFFFFFD0]  }
0x1ad: {  	v8 =	vsub.s32 v8, v9;
	v15 =	vadd.s32 v13, v10  }
0x1ae: {  	v10 =	vld [tilespmem:s15+$0xFFFFFFC0];
	vm2 =	vge.s32 v15, v8;
	v16 =	vadd.s32 v11, v15  }
0x1af: {  	vm3 =	vmor vm0, vm2;
	vm4 =	vge.s32 v16, v8;
	v17 =	vadd.s32 v12, v16  }
0x1b0: {  	s13 =	simm.s32 $0xFF;
	vm2 =	vmand vm2, vm1;
	vm5 =	vmneg vm3;
	vm3 =	vmor vm3, vm4  }
0x1b1: {  	v11 =	vld [tilespmem:s15+$0xFFFFFFB0];
	vm6 =	vge.s32 v17, v8;
	v9 =	vadd.s32 v14, v17;
	v12 =	vsel vm2, s13, v13  }
0x1b2: {  	v13 =	vsel vm2, v13, v13;
	vm4 =	vmand vm4, vm5;
	vm5 =	vmneg vm3  }
0x1b3: {  	s29 =	simm.s32 $0xFE;
	v14 =	vld [tilespmem:s15+$0xFFFFFFA0];
	vm3 =	vmor vm3, vm6;
	vm7 =	vge.s32 v9, v8;
	v10 =	vadd.s32 v10, v9  }
0x1b4: {  	v12 =	vsel vm4, s29, v12;
	vm2 =	vmneg vm3;
	vm3 =	vmor vm3, vm7  }
0x1b5: {  	vm6 =	vmand vm6, vm5;
	v13 =	vsel vm4, v15, v13;
	vm7 =	vmand vm7, vm2  }
0x1b6: {  	s30 =	simm.s32 $0xFD;
	vm2 =	vge.s32 v10, v8;
	vm8 =	vmneg vm3;
	v11 =	vadd.s32 v11, v10  }
0x1b7: {  	v63 =	vsel vm6, s30, v12;
	vm15 =	vmor vm3, vm2;
	vm2 =	vmand vm2, vm8  }
0x1b8: {  	s31 =	simm.s32 $0xFC;
	vm5 =	vge.s32 v11, v8;
	v12 =	vadd.s32 v14, v11;
	v14 =	vsel vm6, v16, v13;
	v13 =	vld [tilespmem:s15+$0xFFFFFF90]  }
0x1b9: {  	s16 =	simm.s32 $0xFB;
	vm3 =	vmneg vm15;
	v16 =	vsel vm7, s31, v63;
	vm4 =	vmor vm15, vm5  }
0x1ba: {  	s14 =	simm.s32 $0xF0;
	s13 =	simm.s32 $0xF8;
	s15 =	simm.s32 $0x10F70;
	v15 =	vsel vm7, v17, v14;
	v14 =	vsel vm2, s16, v16;
	vm6 =	vmneg vm4  }
.LBB2_19:
0x1bb: {  	v16 =	vld [tilespmem:s15+$0x0];
	p0 =	sne.s32 s14, $0x0;
	v9 =	vsel vm2, v9, v15;
	vm2 =	vmand vm5, vm3;
	vm3 =	vge.s32 v12, v8;
	s16 =	smov.u32 s14;
	s14 =	sadd.s32 $0xFFFFFFF8, s14  }
0x1bc: {  	s17 =	sadd.s32 $0x2, s13;
	v15 =	vld [tilespmem:s15+$0xFFFFFFF0];
	v9 =	vsel vm2, v10, v9;
	vm5 =	vmand vm3, vm6;
	vm3 =	vmor vm4, vm3  }
0x1bd: {  	v14 =	vsel vm2, s17, v14;
	s17 =	sadd.s32 $0x1, s13;
	v13 =	vadd.s32 v13, v12;
	v10 =	vld [tilespmem:s15+$0xFFFFFFE0];
	vm2 =	vmneg vm3  }
0x1be: {  	v14 =	vsel vm5, s17, v14;
	v9 =	vsel vm5, v11, v9;
	vm4 =	vge.s32 v13, v8  }
0x1bf: {  	vm2 =	vmand vm4, vm2;
	vm3 =	vmor vm3, vm4;
	v11 =	vld [tilespmem:s15+$0xFFFFFFD0]  }
0x1c0: {  	v14 =	vsel vm2, s13, v14;
	v12 =	vsel vm2, v12, v9;
	s13 =	smov.u32 s16;
	v16 =	vadd.s32 v13, v16  }
0x1c1: {  	vm5 =	vmneg vm3;
	vm2 =	vge.s32 v16, v8;
	v15 =	vadd.s32 v15, v16;
	v17 =	vld [tilespmem:s15+$0xFFFFFFC0]  }
0x1c2: {  	vm3 =	vmor vm3, vm2;
	vm4 =	vge.s32 v15, v8;
	v18 =	vadd.s32 v10, v15  }
0x1c3: {  	vm6 =	vmneg vm3;
	vm3 =	vmor vm3, vm4;
	vm7 =	vge.s32 v18, v8  }
0x1c4: {  	vm4 =	vmand vm4, vm6;
	vm6 =	vmneg vm3;
	v9 =	vadd.s32 v11, v18;
	v11 =	vld [tilespmem:s15+$0xFFFFFFB0]  }
0x1c5: {  	s16 =	sadd.s32 $0x7, s13;
	vm2 =	vmand vm2, vm5;
	vm3 =	vmor vm3, vm7;
	vm5 =	vge.s32 v9, v8  }
0x1c6: {  	v14 =	vsel vm2, s16, v14;
	v12 =	vsel vm2, v13, v12;
	s16 =	sadd.s32 $0x6, s13;
	v10 =	vadd.s32 v17, v9;
	v17 =	vld [tilespmem:s15+$0xFFFFFFA0]  }
0x1c7: {  	v13 =	vsel vm4, s16, v14;
	vm2 =	vmneg vm3;
	vm3 =	vmor vm3, vm5  }
0x1c8: {  	vm8 =	vmand vm5, vm2;
	vm2 =	vge.s32 v10, v8;
	vm5 =	vmneg vm3  }
.Ltmp8:
0x1c9: {  	s16 =	sadd.s32 $0x5, s13;
	vm6 =	vmand vm7, vm6;
	vm7 =	vmor vm3, vm2;
	v11 =	vadd.s32 v11, v10;
	(pc) =	sbr.rel @p0 .LBB2_19-.Ltmp8, $4  }
0x1ca: {  	v14 =	vsel vm6, s16, v13;
	vm2 =	vmand vm2, vm5;
	vm3 =	vmneg vm7;
	v13 =	vld [tilespmem:s15+$0xFFFFFF90]  }
0x1cb: {  	v16 =	vsel vm4, v16, v12;
	s16 =	sadd.s32 $0x4, s13;
	vm5 =	vge.s32 v11, v8;
	v12 =	vadd.s32 v17, v11  }
0x1cc: {  	v15 =	vsel vm6, v15, v16;
	v14 =	vsel vm8, s16, v14;
	s16 =	sadd.s32 $0x3, s13;
	vm4 =	vmor vm7, vm5  }
0x1cd: {  	v15 =	vsel vm8, v18, v15;
	v14 =	vsel vm2, s16, v14;
	s15 =	sadd.s32 $0xFFFFFF80, s15;
	vm6 =	vmneg vm4  }
0x1ce: {  	v9 =	vsel vm2, v9, v15;
	vm2 =	vmand vm5, vm3  }
0x1cf: {  	vm3 =	vge.s32 v12, v8;
	v9 =	vsel vm2, v10, v9  }
0x1d0: {  	s14 =	sadd.s32 $0x2, s13;
	vm15 =	vmand vm3, vm6;
	vm3 =	vmor vm4, vm3;
	v10 =	vadd.s32 v13, v12  }
0x1d1: {  	s31 =	sadd.s32 $0x1, s13;
	v63 =	vsel vm2, s14, v14;
	vm2 =	vmneg vm3;
	vm3 =	vge.s32 v10, v8  }
0x1d2: {  	v10 =	vsel vm15, s31, v63;
	v9 =	vsel vm15, v11, v9;
	vm2 =	vmand vm3, vm2  }
0x1d3: {  	s14 =	simm.s32 $0x200;
	v10 =	vsel vm2, s13, v10;
	v9 =	vsel vm2, v12, v9;
	s13 =	simm.s32 $0x0  }
.LBB2_21:
0x1d4: {  	p0 =	sne.s32 s14, $0x3E00;
	[tilespmem:s13+$0x10070] =	vst v2  }
0x1d5: {  	[tilespmem:s13+$0x10000] =	vst v2  }
0x1d6: {  	[tilespmem:s13+$0x10010] =	vst v2  }
.Ltmp9:
0x1d7: {  	[tilespmem:s13+$0x10020] =	vst v2;
	(pc) =	sbr.rel @p0 .LBB2_21-.Ltmp9, $4  }
0x1d8: {  	[tilespmem:s13+$0x10030] =	vst v2  }
0x1d9: {  	[tilespmem:s13+$0x10040] =	vst v2  }
0x1da: {  	[tilespmem:s13+$0x10050] =	vst v2  }
0x1db: {  	[tilespmem:s13+$0x10060] =	vst v2;
	s13 =	sshra.s32 s14, $0x2;
	s14 =	sadd.s32 $0x200, s14  }
0x1dc: {  	s14 =	simm.s32 $0x1  }
0x1dd: {  	v7 =	vshll.u32 v7, $0x8;
	s15 =	simm.s32 $0x5;
	v11 =	vadd.s32 s14, v1  }
0x1de: {  	s22 =	simm.s32 $0x3;
	v12 =	vadd.s32 s14, v3;
	v7 =	vor.u32 v7, v10;
	v13 =	vadd.s32 s15, v1  }
0x1df: {  	s21 =	simm.s32 $0x2;
	s23 =	simm.s32 $0x7;
	s24 =	simm.s32 $0x6;
	v14 =	vadd.s32 s15, v3;
	v15 =	vadd.s32 s22, v1;
	v16 =	vadd.s32 s22, v3  }
0x1e0: {  	s28 =	simm.s32 $0xA;
	s29 =	simm.s32 $0xB;
	v17 =	vadd.s32 s23, v1;
	v18 =	vadd.s32 s24, v1;
	v19 =	vadd.s32 s21, v3  }
0x1e1: {  	s26 =	simm.s32 $0x9;
	s17 =	simm.s32 $0xC;
	s18 =	simm.s32 $0xD;
	v20 =	vadd.s32 s23, v3;
	v21 =	vadd.s32 s28, v1;
	v22 =	vadd.s32 s29, v3  }
0x1e2: {  	s30 =	simm.s32 $0xF;
	s31 =	simm.s32 $0xE;
	v23 =	vadd.s32 s17, v1;
	v24 =	vadd.s32 s18, v1;
	v26 =	vadd.s32 s26, v3  }
0x1e3: {  	v54 =	vadd.s32 s18, v3;
	v27 =	vadd.s32 s30, v1;
	v28 =	vadd.s32 s31, v1  }
0x1e4: {  	[tilespmem:s13+$0x10070] =	vst v2;
	v55 =	vadd.s32 s31, v3;
	v57 =	vadd.s32 s28, v3;
	vm2 =	vgt.u32 v11, $0x7FF  }
0x1e5: {  	[tilespmem:s13+$0x10000] =	vst v2;
	s20 =	simm.s32 $0x0;
	v30 =	vadd.s32 s30, v3;
	v58 =	vadd.s32 s29, v1;
	v11 =	vsel vm2, v12, v11  }
0x1e6: {  	[tilespmem:s13+$0x10010] =	vst v2;
	vm3 =	vgt.u32 v13, $0x7FF;
	v10 =	vadd.s32 v4, v11;
	v11 =	vadd.s32 s20, v1  }
0x1e7: {  	[tilespmem:s13+$0x10020] =	vst v2;
	vm4 =	vgt.u32 v18, $0x7FF;
	v12 =	vadd.s32 s20, v3;
	vm2 =	vgt.u32 v11, $0x7FF  }
0x1e8: {  	[tilespmem:s13+$0x10030] =	vst v2;
	vm7 =	vgt.u32 v23, $0x7FF;
	vm9 =	vgt.u32 v28, $0x7FF;
	v11 =	vsel vm2, v12, v11  }
0x1e9: {  	[tilespmem:s13+$0x10040] =	vst v2;
	s16 =	simm.s32 $0x4;
	vm13 =	vgt.u32 v21, $0x7FF;
	vm14 =	vgt.u32 v58, $0x7FF;
	v11 =	vadd.s32 v4, v11  }
0x1ea: {  	[tilespmem:s13+$0x10050] =	vst v2;
	v13 =	vsel vm3, v14, v13;
	v14 =	vadd.s32 s16, v1;
	vm3 =	vgt.u32 v15, $0x7FF  }
0x1eb: {  	[tilespmem:s13+$0x10060] =	vst v2;
	v21 =	vsel vm13, v57, v21;
	v22 =	vsel vm14, v22, v58;
	v13 =	vadd.s32 v4, v13  }
0x1ec: {  	v15 =	vsel vm3, v16, v15;
	vm3 =	vgt.u32 v17, $0x7FF;
	v12 =	vadd.s32 s21, v1;
	v10 =	vld.idx.msk [tilespmem:v10+s8+$0x0], $0xffff  }
0x1ed: {  	v16 =	vadd.s32 s24, v3;
	v22 =	vadd.s32 v4, v22;
	vm5 =	vgt.u32 v12, $0x7FF  }
0x1ee: {  	v15 =	vadd.s32 v4, v15;
	v16 =	vsel vm4, v16, v18;
	v12 =	vsel vm5, v19, v12;
	v11 =	vld.idx.msk [tilespmem:v11+s8+$0x0], $0xffff  }
0x1ef: {  	v17 =	vsel vm3, v20, v17;
	v20 =	vadd.s32 s26, v1;
	v12 =	vadd.s32 v4, v12  }
0x1f0: {  	vm2 =	vgt.u32 v14, $0x7FF;
	v16 =	vadd.s32 v4, v16;
	v19 =	vadd.s32 s16, v3  }
0x1f1: {  	v14 =	vsel vm2, v19, v14;
	v18 =	vshll.u32 v10, $0x4;
	v10 =	vshrl.u32 v10, $0x8  }
0x1f2: {  	v13 =	vld.idx.msk [tilespmem:v13+s8+$0x0], $0xffff;
	v14 =	vadd.s32 v4, v14;
	v18 =	vor.u32 v0, v18;
	vm5 =	veq.s32 v10, v7  }
0x1f3: {  	v15 =	vld.idx.msk [tilespmem:v15+s8+$0x0], $0xffff;
	v10 =	vand.u32 $0xFFF, v18;
	v18 =	vshrl.u32 v11, $0x8;
	v11 =	vshll.u32 v11, $0x4  }
0x1f4: {  	vm4 =	vgt.u32 v24, $0x7FF;
	vm2 =	vgt.u32 v20, $0x7FF;
	v12 =	vld.idx.msk [tilespmem:v12+s8+$0x0], $0xffff;
	v11 =	vor.u32 v0, v11  }
0x1f5: {  	v17 =	vadd.s32 v4, v17;
	v20 =	vsel vm2, v26, v20;
	v19 =	vand.u32 $0xFFF, v11;
	v11 =	vld.idx.msk [tilespmem:v16+s8+$0x0], $0xffff  }
0x1f6: {  	v24 =	vsel vm4, v54, v24;
	vm4 =	vgt.u32 v27, $0x7FF;
	v20 =	vadd.s32 v4, v20  }
0x1f7: {  	v14 =	vld.idx.msk [tilespmem:v14+s8+$0x0], $0xffff;
	vm3 =	veq.s32 v18, v7;
	v18 =	vshll.u32 v13, $0x4;
	v13 =	vshrl.u32 v13, $0x8  }
0x1f8: {  	s25 =	simm.s32 $0x8;
	v59 =	vsel vm4, v30, v27;
	v16 =	vor.u32 v0, v18;
	vm6 =	veq.s32 v13, v7  }
0x1f9: {  	v13 =	vadd.s32 s25, v3;
	v18 =	vshrl.u32 v15, $0x8;
	v15 =	vshll.u32 v15, $0x4  }
0x1fa: {  	v56 =	vshll.u32 v12, $0x4;
	v25 =	vshll.u32 v11, $0x4;
	v11 =	vshrl.u32 v11, $0x8  }
0x1fb: {  	v20 =	vld.idx.msk [tilespmem:v20+s8+$0x0], $0xffff;
	v31 =	vshrl.u32 v12, $0x8;
	vm8 =	veq.s32 v11, v7;
	v11 =	vadd.s32 s25, v1  }
0x1fc: {  	v17 =	vld.idx.msk [tilespmem:v17+s8+$0x0], $0xffff;
	v29 =	vshll.u32 v14, $0x4;
	v14 =	vshrl.u32 v14, $0x8;
	vm2 =	vgt.u32 v11, $0x7FF  }
0x1fd: {  	v11 =	vsel vm2, v13, v11;
	vm2 =	veq.s32 v14, v7;
	v14 =	vadd.s32 v4, v24  }
0x1fe: {  	v15 =	vor.u32 v0, v15;
	vm15 =	veq.s32 v18, v7;
	v11 =	vadd.s32 v4, v11  }
0x1ff: {  	v16 =	vand.u32 $0xFFF, v16;
	v26 =	vor.u32 v0, v56;
	[tilespmem:v19+s9+$0x0] =	vst.idx.add.s32.msk vm3, v5;
	v19 =	vand.u32 $0xFFF, v15  }
0x200: {  	v18 =	vld.idx.msk [tilespmem:v22+s8+$0x0], $0xffff;
	v61 =	vshrl.u32 v20, $0x8;
	v20 =	vshll.u32 v20, $0x4;
	v22 =	vor.u32 v0, v29  }
0x201: {  	[tilespmem:v10+s9+$0x0] =	vst.idx.add.s32.msk vm5, v5;
	vm4 =	veq.s32 v61, v7;
	v12 =	vor.u32 v0, v25;
	v13 =	vshll.u32 v17, $0x4  }
0x202: {  	v24 =	vsel vm9, v55, v28;
	v62 =	vld.idx.msk [tilespmem:v14+s8+$0x0], $0xffff;
	v14 =	vor.u32 v0, v20;
	v20 =	vadd.s32 s17, v3  }
0x203: {  	v24 =	vadd.s32 v4, v24;
	v60 =	vld.idx.msk [tilespmem:v11+s8+$0x0], $0xffff;
	v10 =	vsel vm7, v20, v23;
	v20 =	vand.u32 $0xFFF, v12  }
0x204: {  	v13 =	vor.u32 v0, v13;
	[tilespmem:v19+s9+$0x0] =	vst.idx.add.s32.msk vm15, v5;
	v19 =	vand.u32 $0xFFF, v22;
	v11 =	vand.u32 $0xFFF, v26  }
0x205: {  	v14 =	vand.u32 $0xFFF, v14;
	v23 =	vshrl.u32 v17, $0x8;
	v63 =	vadd.s32 v4, v10  }
0x206: {  	v12 =	vand.u32 $0xFFF, v13;
	vm7 =	veq.s32 v31, v7;
	v17 =	vadd.s32 v4, v21  }
0x207: {  	[tilespmem:v16+s9+$0x0] =	vst.idx.add.s32.msk vm6, v5;
	vm6 =	veq.s32 v23, v7;
	v13 =	vshll.u32 v62, $0x4;
	v21 =	vshrl.u32 v62, $0x8  }
0x208: {  	v10 =	vshrl.u32 v60, $0x8;
	v16 =	vshll.u32 v60, $0x4;
	v13 =	vor.u32 v0, v13;
	[tilespmem:v20+s9+$0x0] =	vst.idx.add.s32.msk vm8, v5  }
0x209: {  	v20 =	vadd.s32 v4, v59;
	vm3 =	veq.s32 v10, v7;
	v10 =	vor.u32 v0, v16;
	v16 =	vld.idx.msk [tilespmem:v24+s8+$0x0], $0xffff  }
0x20a: {  	s13 =	simm.s32 $0x10;
	vm5 =	veq.s32 v21, v7;
	v13 =	vand.u32 $0xFFF, v13;
	v15 =	vld.idx.msk [tilespmem:v63+s8+$0x0], $0xffff;
	v10 =	vand.u32 $0xFFF, v10  }
.LBB2_23:
0x20b: {  	s17 =	sadd.s32 $0x1, s13  }
0x20c: {  	v21 =	vadd.s32 s13, v3;
	s15 =	sadd.s32 $0x2, s13;
	s16 =	sadd.s32 $0x3, s13;
	[tilespmem:v14+s9+$0x0] =	vst.idx.add.s32.msk vm4, v5;
	v22 =	vshrl.u32 v18, $0x8;
	s18 =	smov.u32 s13  }
0x20d: {  	s14 =	sadd.s32 $0x4, s13;
	s19 =	sadd.s32 $0x5, s13;
	s20 =	sadd.s32 $0x7, s13;
	v18 =	vshll.u32 v18, $0x4;
	v14 =	vadd.s32 s17, v1;
	v23 =	vadd.s32 s15, v1;
	[tilespmem:v11+s9+$0x0] =	vst.idx.add.s32.msk vm7, v5  }
0x20e: {  	p0 =	slt.u32 s13, $0x7F8;
	s13 =	sadd.s32 $0x8, s13;
	v11 =	vadd.s32 s16, v3;
	v24 =	vadd.s32 s14, v1;
	v25 =	vadd.s32 s19, v1;
	s21 =	sadd.s32 $0x6, s18;
	v20 =	vld.idx.msk [tilespmem:v20+s8+$0x0], $0xffff  }
0x20f: {  	v26 =	vshll.u32 v16, $0x4;
	vm4 =	vgt.u32 v14, $0x7FF;
	vm7 =	vgt.u32 v24, $0x7FF;
	[tilespmem:v12+s9+$0x0] =	vst.idx.add.s32.msk vm6, v5  }
0x210: {  	v16 =	vshrl.u32 v16, $0x8;
	v12 =	vadd.s32 s17, v3;
	vm6 =	vgt.u32 v25, $0x7FF;
	[tilespmem:v19+s9+$0x0] =	vst.idx.add.s32.msk vm2, v5  }
0x211: {  	v12 =	vsel vm4, v12, v14;
	v14 =	vadd.s32 s19, v3;
	v19 =	vor.u32 v0, v18;
	v17 =	vld.idx.msk [tilespmem:v17+s8+$0x0], $0xffff  }
0x212: {  	v18 =	vadd.s32 s20, v1;
	v12 =	vadd.s32 v4, v12;
	[tilespmem:v13+s9+$0x0] =	vst.idx.add.s32.msk vm5, v5;
	vm5 =	veq.s32 v16, v7  }
0x213: {  	v27 =	vshll.u32 v15, $0x4;
	v13 =	vadd.s32 s18, v1;
	v16 =	vadd.s32 s21, v1  }
0x214: {  	v15 =	vshrl.u32 v15, $0x8;
	v14 =	vsel vm6, v14, v25;
	vm2 =	vgt.u32 v13, $0x7FF  }
0x215: {  	vm4 =	vgt.u32 v18, $0x7FF;
	v13 =	vsel vm2, v21, v13;
	vm2 =	veq.s32 v15, v7  }
0x216: {  	vm6 =	vgt.u32 v16, $0x7FF;
	v15 =	vshll.u32 v20, $0x4;
	v13 =	vadd.s32 v4, v13  }
0x217: {  	v14 =	vadd.s32 v4, v14;
	v21 =	vadd.s32 s21, v3;
	v25 =	vshll.u32 v17, $0x4;
	v12 =	vld.idx.msk [tilespmem:v12+s8+$0x0], $0xffff  }
0x218: {  	v28 =	vadd.s32 s20, v3;
	vm8 =	vgt.u32 v23, $0x7FF;
	v25 =	vor.u32 v0, v25  }
0x219: {  	v29 =	vadd.s32 s15, v3;
	v30 =	vadd.s32 s16, v1;
	v17 =	vshrl.u32 v17, $0x8  }
0x21a: {  	vm9 =	vgt.u32 v30, $0x7FF;
	v16 =	vsel vm6, v21, v16;
	[tilespmem:v10+s9+$0x0] =	vst.idx.add.s32.msk vm3, v5;
	v10 =	vor.u32 v0, v26  }
0x21b: {  	v11 =	vsel vm9, v11, v30;
	v21 =	vsel vm8, v29, v23;
	v23 =	vsel vm4, v28, v18;
	v13 =	vld.idx.msk [tilespmem:v13+s8+$0x0], $0xffff  }
0x21c: {  	v18 =	vadd.s32 v4, v11;
	v16 =	vadd.s32 v4, v16;
	v11 =	vand.u32 $0xFFF, v25;
	v26 =	vld.idx.msk [tilespmem:v14+s8+$0x0], $0xffff  }
0x21d: {  	v15 =	vor.u32 v0, v15;
	v14 =	vshrl.u32 v12, $0x8;
	v12 =	vshll.u32 v12, $0x4  }
0x21e: {  	v25 =	vadd.s32 s14, v3;
	vm4 =	veq.s32 v14, v7;
	v12 =	vor.u32 v0, v12  }
0x21f: {  	v20 =	vshrl.u32 v20, $0x8;
	v14 =	vand.u32 $0xFFF, v12;
	v12 =	vsel vm7, v25, v24  }
0x220: {  	vm8 =	veq.s32 v22, v7;
	v22 =	vand.u32 $0xFFF, v10;
	v24 =	vadd.s32 v4, v12  }
0x221: {  	v12 =	vand.u32 $0xFFF, v15;
	v10 =	vshrl.u32 v13, $0x8;
	v13 =	vshll.u32 v13, $0x4  }
0x222: {  	v19 =	vand.u32 $0xFFF, v19;
	vm3 =	veq.s32 v10, v7;
	v10 =	vor.u32 v0, v13;
	v18 =	vld.idx.msk [tilespmem:v18+s8+$0x0], $0xffff  }
.Ltmp10:
0x223: {  	vm7 =	veq.s32 v17, v7;
	v13 =	vshll.u32 v26, $0x4;
	v10 =	vand.u32 $0xFFF, v10;
	v16 =	vld.idx.msk [tilespmem:v16+s8+$0x0], $0xffff;
	(pc) =	sbr.rel @p0 .LBB2_23-.Ltmp10, $4  }
0x224: {  	vm6 =	veq.s32 v20, v7;
	v17 =	vadd.s32 v4, v21;
	v13 =	vor.u32 v0, v13  }
0x225: {  	v20 =	vadd.s32 v4, v23;
	v21 =	vshrl.u32 v26, $0x8;
	v13 =	vand.u32 $0xFFF, v13;
	[tilespmem:v22+s9+$0x0] =	vst.idx.add.s32.msk vm5, v5  }
0x226: {  	vm5 =	veq.s32 v21, v7;
	v21 =	vor.u32 v0, v27;
	v15 =	vld.idx.msk [tilespmem:v24+s8+$0x0], $0xffff  }
0x227: {  	[tilespmem:v19+s9+$0x0] =	vst.idx.add.s32.msk vm8, v5;
	v19 =	vand.u32 $0xFFF, v21  }
0x228: {  	_ =	sdelay $0x3  }
0x229: {  	v20 =	vld.idx.msk [tilespmem:v20+s8+$0x0], $0xffff  }
0x22a: {  	v17 =	vld.idx.msk [tilespmem:v17+s8+$0x0], $0xffff;
	v21 =	vshrl.u32 v18, $0x8;
	v43 =	vshll.u32 v18, $0x4;
	v44 =	vshll.u32 v16, $0x4  }
0x22b: {  	v22 =	vshrl.u32 v16, $0x8;
	v18 =	vor.u32 v0, v43;
	v16 =	vor.u32 v0, v44  }
0x22c: {  	[tilespmem:v14+s9+$0x0] =	vst.idx.add.s32.msk vm4, v5;
	vm8 =	veq.s32 v22, v7;
	vm4 =	veq.s32 v21, v7;
	v16 =	vand.u32 $0xFFF, v16  }
0x22d: {  	[tilespmem:v11+s9+$0x0] =	vst.idx.add.s32.msk vm7, v5;
	v50 =	vand.u32 $0xFFF, v18;
	v45 =	vshll.u32 v15, $0x4;
	v46 =	vshrl.u32 v15, $0x8  }
0x22e: {  	[tilespmem:v13+s9+$0x0] =	vst.idx.add.s32.msk vm5, v5;
	vm5 =	veq.s32 v46, v7;
	v53 =	vor.u32 v0, v45;
	v23 =	vshll.u32 v20, $0x4  }
0x22f: {  	[tilespmem:v12+s9+$0x0] =	vst.idx.add.s32.msk vm6, v5;
	v47 =	vshll.u32 v17, $0x4;
	v48 =	vshrl.u32 v17, $0x8;
	v49 =	vshrl.u32 v20, $0x8  }
0x230: {  	[tilespmem:v10+s9+$0x0] =	vst.idx.add.s32.msk vm3, v5;
	v10 =	vand.u32 $0xFFF, v53;
	v11 =	vor.u32 v0, v47;
	vm6 =	veq.s32 v48, v7  }
0x231: {  	[tilespmem:v19+s9+$0x0] =	vst.idx.add.s32.msk vm2, v5;
	v51 =	vor.u32 v0, v23;
	vm2 =	veq.s32 v49, v7;
	v11 =	vand.u32 $0xFFF, v11  }
0x232: {  	v52 =	vand.u32 $0xFFF, v51  }
0x233: {  	[tilespmem:v16+s9+$0x0] =	vst.idx.add.s32.msk vm8, v5  }
0x234: {  	[tilespmem:v50+s9+$0x0] =	vst.idx.add.s32.msk vm4, v5  }
0x235: {  	[tilespmem:v10+s9+$0x0] =	vst.idx.add.s32.msk vm5, v5  }
0x236: {  	[tilespmem:v11+s9+$0x0] =	vst.idx.add.s32.msk vm6, v5  }
0x237: {  	s13 =	simm.s32 $0x10FF0;
	[tilespmem:v52+s9+$0x0] =	vst.idx.add.s32.msk vm2, v5  }
0x238: {  	v10 =	vld [tilespmem:s13+$0x0]  }
0x239: {  	v11 =	vld [tilespmem:s13+$0xFFFFFFF0]  }
0x23a: {  	v12 =	vld [tilespmem:s13+$0xFFFFFFE0];
	_ =	sdelay $0x1  }
0x23b: {  	v55 =	vimm.s32 $0x0;
	v54 =	vld [tilespmem:s13+$0xFFFFFFD0]  }
0x23c: {  	v56 =	vld [tilespmem:s13+$0xFFFFFFC0];
	v10 =	vadd.s32 v55, v10  }
0x23d: {  	v8 =	vsub.s32 v8, v9;
	v11 =	vadd.s32 v11, v10  }
0x23e: {  	v9 =	vld [tilespmem:s13+$0xFFFFFFB0];
	vm2 =	vge.s32 v10, v8;
	vm3 =	vge.s32 v11, v8;
	v11 =	vadd.s32 v12, v11  }
0x23f: {  	vm4 =	vmor vm0, vm2;
	vm1 =	vmand vm2, vm1;
	vm5 =	vge.s32 v11, v8  }
0x240: {  	s14 =	simm.s32 $0xFF;
	v10 =	vld [tilespmem:s13+$0xFFFFFFA0];
	v11 =	vadd.s32 v54, v11;
	vm6 =	vmor vm4, vm3;
	vm4 =	vmneg vm4  }
0x241: {  	v57 =	vld [tilespmem:s13+$0xFFFFFF90];
	v14 =	vsel vm1, s14, v55;
	vm7 =	vge.s32 v11, v8;
	v11 =	vadd.s32 v56, v11  }
0x242: {  	vm8 =	vmneg vm6;
	vm6 =	vmor vm6, vm5;
	vm3 =	vmand vm3, vm4  }
0x243: {  	s28 =	simm.s32 $0x10F70;
	vm9 =	vge.s32 v11, v8;
	vm10 =	vmor vm6, vm7;
	v9 =	vadd.s32 v9, v11  }
0x244: {  	v11 =	vld [tilespmem:s28+$0x0];
	vm5 =	vmand vm5, vm8;
	vm6 =	vmneg vm6;
	vm2 =	vge.s32 v9, v8  }
0x245: {  	v9 =	vadd.s32 v10, v9;
	vm4 =	vmor vm10, vm9;
	vm6 =	vmand vm7, vm6  }
0x246: {  	v58 =	vld [tilespmem:s28+$0xFFFFFFF0];
	vm10 =	vmneg vm10;
	v10 =	vadd.s32 v57, v9;
	vm8 =	vmneg vm4  }
0x247: {  	v59 =	vld [tilespmem:s28+$0xFFFFFFE0];
	vm9 =	vmand vm9, vm10;
	vm7 =	vmand vm2, vm8;
	vm2 =	vmor vm4, vm2  }
0x248: {  	s29 =	simm.s32 $0xFE;
	vm4 =	vge.s32 v9, v8;
	vm11 =	vge.s32 v10, v8;
	vm1 =	vmneg vm2  }
0x249: {  	v9 =	vld [tilespmem:s28+$0xFFFFFFD0];
	vm2 =	vmor vm2, vm4;
	v10 =	vadd.s32 v10, v11;
	v11 =	vsel vm3, s29, v14  }
0x24a: {  	s30 =	simm.s32 $0xFD;
	vm15 =	vmneg vm2;
	vm1 =	vmand vm4, vm1;
	vm4 =	vmor vm2, vm11  }
0x24b: {  	s31 =	simm.s32 $0xFC;
	v60 =	vld [tilespmem:s28+$0xFFFFFFC0];
	vm13 =	vge.s32 v10, v8;
	v10 =	vadd.s32 v58, v10;
	v11 =	vsel vm5, s30, v11  }
0x24c: {  	v61 =	vld [tilespmem:s28+$0xFFFFFFB0];
	vm14 =	vge.s32 v10, v8;
	v10 =	vadd.s32 v59, v10;
	v11 =	vsel vm6, s31, v11  }
0x24d: {  	v62 =	vld [tilespmem:s28+$0xFFFFFFA0];
	vm0 =	vmor vm4, vm13;
	vm4 =	vmneg vm4;
	vm8 =	vge.s32 v10, v8  }
0x24e: {  	s15 =	simm.s32 $0xFB;
	v63 =	vld [tilespmem:s28+$0xFFFFFF90];
	v9 =	vadd.s32 v9, v10;
	vm2 =	vmor vm0, vm14;
	vm4 =	vmand vm13, vm4  }
0x24f: {  	vm13 =	vmand vm11, vm15;
	vm0 =	vmneg vm0;
	v11 =	vsel vm9, s15, v11  }
0x250: {  	vm3 =	vge.s32 v9, v8;
	v9 =	vadd.s32 v60, v9;
	vm12 =	vmneg vm2  }
0x251: {  	s18 =	simm.s32 $0xFA;
	vm10 =	vmor vm2, vm8;
	vm2 =	vge.s32 v9, v8;
	v9 =	vadd.s32 v61, v9  }
0x252: {  	s17 =	simm.s32 $0xF9;
	s16 =	simm.s32 $0x10EF0;
	vm9 =	vmand vm14, vm0;
	v11 =	vsel vm7, s18, v11;
	v10 =	vadd.s32 v62, v9  }
0x253: {  	s13 =	simm.s32 $0xF0;
	s14 =	simm.s32 $0xF8;
	s15 =	simm.s32 $0xE8;
	vm6 =	vmor vm10, vm3;
	vm5 =	vge.s32 v9, v8;
	v9 =	vadd.s32 v63, v10  }
.LBB2_25:
0x254: {  	v12 =	vld [tilespmem:s16+$0x0];
	p0 =	sne.s32 s15, $0x0;
	vm8 =	vmand vm8, vm12;
	vm0 =	vmor vm6, vm2;
	v11 =	vsel vm1, s17, v11;
	s17 =	smov.u32 s15;
	s15 =	sadd.s32 $0xFFFFFFF8, s15  }
0x255: {  	vm1 =	vmneg vm10;
	v13 =	vld [tilespmem:s16+$0xFFFFFFF0];
	vm7 =	vmneg vm0;
	v11 =	vsel vm13, s14, v11;
	s14 =	smov.u32 s13;
	s13 =	smov.u32 s17  }
0x256: {  	vm3 =	vmand vm3, vm1;
	vm1 =	vmneg vm6;
	v14 =	vld [tilespmem:s16+$0xFFFFFFE0];
	vm7 =	vmand vm5, vm7  }
0x257: {  	vm0 =	vmor vm0, vm5;
	s17 =	sadd.s32 $0x7, s14;
	vm11 =	vmand vm2, vm1;
	vm1 =	vge.s32 v10, v8;
	v15 =	vld [tilespmem:s16+$0xFFFFFFD0]  }
0x258: {  	vm13 =	vge.s32 v9, v8;
	vm2 =	vmneg vm0;
	v11 =	vsel vm4, s17, v11;
	s17 =	sadd.s32 $0x6, s14;
	v10 =	vld [tilespmem:s16+$0xFFFFFFC0]  }
0x259: {  	vm0 =	vmor vm0, vm1;
	v11 =	vsel vm9, s17, v11;
	v9 =	vadd.s32 v9, v12;
	v12 =	vld [tilespmem:s16+$0xFFFFFFB0]  }
0x25a: {  	s17 =	sadd.s32 $0x5, s14;
	vm14 =	vmneg vm0;
	vm4 =	vge.s32 v9, v8;
	v9 =	vadd.s32 v13, v9;
	v13 =	vld [tilespmem:s16+$0xFFFFFFA0]  }
0x25b: {  	vm1 =	vmand vm1, vm2;
	v11 =	vsel vm8, s17, v11;
	s17 =	sadd.s32 $0x4, s14;
	vm9 =	vge.s32 v9, v8;
	v16 =	vld [tilespmem:s16+$0xFFFFFF90]  }
0x25c: {  	vm0 =	vmor vm0, vm13;
	v11 =	vsel vm3, s17, v11;
	v9 =	vadd.s32 v14, v9  }
0x25d: {  	vm15 =	vmor vm0, vm4;
	vm8 =	vge.s32 v9, v8;
	v9 =	vadd.s32 v15, v9  }
0x25e: {  	vm2 =	vmor vm15, vm9;
	vm3 =	vge.s32 v9, v8;
	v9 =	vadd.s32 v10, v9  }
.Ltmp11:
0x25f: {  	vm12 =	vmneg vm2;
	vm10 =	vmor vm2, vm8;
	vm2 =	vge.s32 v9, v8;
	(pc) =	sbr.rel @p0 .LBB2_25-.Ltmp11, $4  }
0x260: {  	s17 =	sadd.s32 $0x3, s14;
	vm0 =	vmneg vm0;
	vm6 =	vmor vm10, vm3;
	v9 =	vadd.s32 v12, v9  }
0x261: {  	s18 =	sadd.s32 $0x2, s14;
	vm13 =	vmand vm13, vm14;
	vm4 =	vmand vm4, vm0;
	vm5 =	vge.s32 v9, v8  }
0x262: {  	v11 =	vsel vm11, s17, v11;
	s17 =	sadd.s32 $0x1, s14;
	vm0 =	vmneg vm15;
	v10 =	vadd.s32 v13, v9  }
0x263: {  	s16 =	sadd.s32 $0xFFFFFF80, s16;
	v11 =	vsel vm7, s18, v11;
	vm9 =	vmand vm9, vm0;
	v9 =	vadd.s32 v16, v10  }
0x264: {  	vm0 =	vmand vm8, vm12  }
0x265: {  	vm7 =	vmor vm6, vm2;
	v11 =	vsel vm1, s17, v11;
	vm1 =	vmneg vm10  }
0x266: {  	v7 =	vshll.u32 v7, $0x8;
	s29 =	simm.s32 $0x0;
	vm14 =	vmneg vm7;
	v11 =	vsel vm13, s14, v11  }
0x267: {  	s16 =	simm.s32 $0x7;
	vm1 =	vmand vm3, vm1;
	vm3 =	vmneg vm6;
	v12 =	vadd.s32 s29, v3  }
0x268: {  	s18 =	sadd.s32 $0x7, s13;
	v19 =	vadd.s32 s16, v1;
	v21 =	vadd.s32 s16, v3;
	vm15 =	vmand vm5, vm14  }
0x269: {  	s19 =	sadd.s32 $0x6, s13;
	v11 =	vsel vm4, s18, v11;
	vm2 =	vmand vm2, vm3;
	vm3 =	vmor vm7, vm5  }
0x26a: {  	s20 =	sadd.s32 $0x5, s13;
	vm4 =	vge.s32 v10, v8;
	v11 =	vsel vm9, s19, v11;
	vm5 =	vmneg vm3  }
0x26b: {  	s21 =	sadd.s32 $0x4, s13;
	s23 =	simm.s32 $0x1;
	vm3 =	vmor vm3, vm4;
	v10 =	vsel vm0, s20, v11;
	vm0 =	vge.s32 v9, v8  }
0x26c: {  	s24 =	simm.s32 $0x5;
	v9 =	vadd.s32 s23, v1;
	v11 =	vadd.s32 s23, v3;
	v8 =	vsel vm1, s21, v10  }
0x26d: {  	s22 =	sadd.s32 $0x3, s13;
	vm1 =	vmneg vm3;
	vm3 =	vmand vm4, vm5;
	v10 =	vadd.s32 s24, v1  }
0x26e: {  	v8 =	vsel vm2, s22, v8;
	vm0 =	vmand vm0, vm1;
	vm1 =	vgt.u32 v9, $0x7FF  }
0x26f: {  	s15 =	sadd.s32 $0x2, s13;
	vm2 =	vgt.u32 v10, $0x7FF;
	v9 =	vsel vm1, v11, v9;
	v11 =	vadd.s32 s24, v3  }
0x270: {  	s25 =	sadd.s32 $0x1, s13;
	s28 =	simm.s32 $0x6;
	v8 =	vsel vm15, s15, v8;
	v20 =	vadd.s32 v4, v9;
	v9 =	vsel vm2, v11, v10  }
0x271: {  	v8 =	vsel vm3, s25, v8;
	v10 =	vadd.s32 s28, v3;
	v14 =	vadd.s32 v4, v9  }
0x272: {  	v11 =	vadd.s32 s29, v1;
	v8 =	vsel vm0, s13, v8;
	v9 =	vadd.s32 s28, v1  }
0x273: {  	s26 =	simm.s32 $0x2;
	vm1 =	vgt.u32 v11, $0x7FF;
	v7 =	vor.u32 v7, v8;
	vm0 =	vgt.u32 v9, $0x7FF  }
0x274: {  	s31 =	simm.s32 $0x4;
	v8 =	vadd.s32 s26, v1;
	v9 =	vsel vm0, v10, v9;
	v10 =	vsel vm1, v12, v11  }
0x275: {  	v16 =	vadd.s32 v4, v9;
	v9 =	vadd.s32 v4, v10;
	v10 =	vadd.s32 s31, v1;
	v13 =	vld.idx.msk [tilespmem:v20+s8+$0x0], $0xffff  }
0x276: {  	v11 =	vadd.s32 s31, v3;
	v12 =	vadd.s32 s26, v3;
	vm1 =	vgt.u32 v10, $0x7FF;
	v18 =	vld.idx.msk [tilespmem:v14+s8+$0x0], $0xffff  }
0x277: {  	vm0 =	vgt.u32 v19, $0x7FF;
	vm2 =	vgt.u32 v8, $0x7FF;
	v10 =	vsel vm1, v11, v10  }
0x278: {  	s30 =	simm.s32 $0x3;
	v11 =	vsel vm0, v21, v19;
	v19 =	vsel vm2, v12, v8;
	v8 =	vadd.s32 v4, v10  }
0x279: {  	v15 =	vadd.s32 s30, v1;
	v10 =	vadd.s32 v4, v19  }
0x27a: {  	v17 =	vadd.s32 s30, v3;
	vm2 =	vgt.u32 v15, $0x7FF;
	v21 =	vld.idx.msk [tilespmem:v16+s8+$0x0], $0xffff;
	vm0 =	vgt.s32 v13, $0xFFFFFFFF  }
0x27b: {  	v11 =	vadd.s32 v4, v11;
	v12 =	vld.idx.msk [tilespmem:v9+s8+$0x0], $0xffff;
	v19 =	vsel vm0, $0xFFFFFFFF, v6;
	vm0 =	vgt.s32 v18, $0xFFFFFFFF  }
0x27c: {  	v22 =	vsel vm0, $0xFFFFFFFF, v6;
	vm0 =	vlt.u32 v13, v7;
	v13 =	vxor.u32 v13, v19  }
0x27d: {  	vm1 =	vlt.u32 v18, v7;
	v18 =	vxor.u32 v18, v22;
	v22 =	vsel vm0, $0x0, v13;
	v13 =	vld.idx.msk [tilespmem:v8+s8+$0x0], $0xffff  }
0x27e: {  	v17 =	vsel vm2, v17, v15;
	v15 =	vld.idx.msk [tilespmem:v10+s8+$0x0], $0xffff  }
0x27f: {  	v19 =	vsel vm1, $0x0, v18;
	vm3 =	vlt.u32 v21, v7;
	vm0 =	vgt.s32 v21, $0xFFFFFFFF  }
0x280: {  	vm2 =	vgt.s32 v12, $0xFFFFFFFF;
	v18 =	vadd.s32 v4, v17;
	v23 =	vsel vm0, $0xFFFFFFFF, v6  }
0x281: {  	s13 =	simm.s32 $0x8;
	v17 =	vld.idx.msk [tilespmem:v11+s8+$0x0], $0xffff;
	vm1 =	vlt.u32 v12, v7;
	[tilespmem:v20+s2+$0x0] =	vst.idx.msk $0xffff, v22;
	v20 =	vxor.u32 v21, v23  }
.LBB2_27:
0x282: {  	s14 =	sadd.s32 $0x1, s13;
	s15 =	sadd.s32 $0x2, s13;
	s16 =	sadd.s32 $0x3, s13;
	v21 =	vsel vm2, $0xFFFFFFFF, v6;
	vm2 =	vlt.u32 v13, v7;
	[tilespmem:v14+s2+$0x0] =	vst.idx.msk $0xffff, v19;
	v14 =	vsel vm3, $0x0, v20  }
0x283: {  	s17 =	sadd.s32 $0x5, s13;
	s18 =	sadd.s32 $0x6, s13;
	s19 =	sadd.s32 $0x7, s13;
	vm3 =	vlt.u32 v15, v7;
	v19 =	vadd.s32 s14, v1;
	v20 =	vadd.s32 s15, v1;
	[tilespmem:v16+s2+$0x0] =	vst.idx.msk $0xffff, v14  }
0x284: {  	p0 =	slt.u32 s13, $0x7F8;
	vm6 =	vgt.s32 v13, $0xFFFFFFFF;
	s20 =	smov.u32 s13;
	s13 =	sadd.s32 $0x8, s13;
	v14 =	vadd.s32 s17, v1;
	v16 =	vadd.s32 s18, v1  }
0x285: {  	v22 =	vadd.s32 s16, v1;
	vm0 =	vgt.u32 v19, $0x7FF;
	vm7 =	vgt.u32 v16, $0x7FF;
	v23 =	vld.idx.msk [tilespmem:v18+s8+$0x0], $0xffff  }
0x286: {  	v24 =	vadd.s32 s14, v3;
	vm8 =	vgt.u32 v14, $0x7FF;
	vm5 =	vgt.s32 v17, $0xFFFFFFFF  }
0x287: {  	v25 =	vadd.s32 s17, v3;
	v19 =	vsel vm0, v24, v19;
	v24 =	vadd.s32 s16, v3  }
0x288: {  	s14 =	sadd.s32 $0x4, s20;
	vm4 =	vlt.u32 v17, v7;
	v26 =	vadd.s32 v4, v19;
	v19 =	vadd.s32 s18, v3  }
0x289: {  	v27 =	vadd.s32 s14, v3;
	v14 =	vsel vm8, v25, v14;
	vm0 =	vgt.s32 v15, $0xFFFFFFFF  }
0x28a: {  	v28 =	vadd.s32 s14, v1;
	v25 =	vadd.s32 s20, v3;
	v14 =	vadd.s32 v4, v14  }
0x28b: {  	v29 =	vadd.s32 s20, v1;
	v30 =	vadd.s32 s15, v3;
	vm8 =	vlt.u32 v23, v7  }
0x28c: {  	vm9 =	vgt.u32 v29, $0x7FF;
	vm10 =	vgt.u32 v20, $0x7FF;
	vm11 =	vgt.s32 v23, $0xFFFFFFFF  }
0x28d: {  	v31 =	vadd.s32 s19, v1;
	v25 =	vsel vm9, v25, v29;
	v32 =	vsel vm11, $0xFFFFFFFF, v6;
	v29 =	vld.idx.msk [tilespmem:v26+s8+$0x0], $0xffff  }
0x28e: {  	v25 =	vadd.s32 v4, v25;
	v16 =	vsel vm7, v19, v16;
	v19 =	vsel vm6, $0xFFFFFFFF, v6  }
0x28f: {  	v34 =	vsel vm0, $0xFFFFFFFF, v6;
	vm6 =	vgt.u32 v31, $0x7FF;
	v16 =	vadd.s32 v4, v16;
	v33 =	vld.idx.msk [tilespmem:v14+s8+$0x0], $0xffff  }
0x290: {  	v35 =	vadd.s32 s19, v3;
	vm0 =	vgt.u32 v28, $0x7FF;
	v23 =	vxor.u32 v23, v32  }
0x291: {  	v21 =	vxor.u32 v12, v21;
	v27 =	vsel vm0, v27, v28;
	v28 =	vsel vm6, v35, v31  }
0x292: {  	v20 =	vsel vm10, v30, v20;
	v27 =	vadd.s32 v4, v27;
	v23 =	vsel vm8, $0x0, v23  }
0x293: {  	v20 =	vadd.s32 v4, v20;
	vm0 =	vgt.s32 v29, $0xFFFFFFFF;
	v12 =	vld.idx.msk [tilespmem:v25+s8+$0x0], $0xffff;
	[tilespmem:v18+s2+$0x0] =	vst.idx.msk $0xffff, v23;
	v18 =	vsel vm5, $0xFFFFFFFF, v6  }
0x294: {  	v21 =	vsel vm1, $0x0, v21;
	v23 =	vsel vm0, $0xFFFFFFFF, v6;
	vm0 =	vgt.u32 v22, $0x7FF;
	v30 =	vld.idx.msk [tilespmem:v16+s8+$0x0], $0xffff  }
0x295: {  	v31 =	vxor.u32 v13, v19;
	vm1 =	vlt.u32 v33, v7;
	vm5 =	vgt.s32 v33, $0xFFFFFFFF  }
0x296: {  	v28 =	vadd.s32 v4, v28;
	v17 =	vxor.u32 v17, v18;
	v19 =	vsel vm5, $0xFFFFFFFF, v6;
	[tilespmem:v9+s2+$0x0] =	vst.idx.msk $0xffff, v21  }
0x297: {  	v18 =	vxor.u32 v15, v34;
	vm5 =	vlt.u32 v29, v7;
	v32 =	vxor.u32 v33, v19;
	v13 =	vld.idx.msk [tilespmem:v27+s8+$0x0], $0xffff  }
.Ltmp12:
0x298: {  	v18 =	vsel vm3, $0x0, v18;
	v21 =	vxor.u32 v29, v23;
	v9 =	vmovc v25;
	v19 =	vsel vm1, $0x0, v32;
	v15 =	vld.idx.msk [tilespmem:v20+s8+$0x0], $0xffff;
	(pc) =	sbr.rel @p0 .LBB2_27-.Ltmp12, $4  }
0x299: {  	v22 =	vsel vm0, v24, v22;
	v17 =	vsel vm4, $0x0, v17;
	v21 =	vsel vm5, $0x0, v21;
	[tilespmem:v10+s2+$0x0] =	vst.idx.msk $0xffff, v18;
	v10 =	vmovc v20  }
0x29a: {  	vm3 =	vlt.u32 v30, v7;
	vm0 =	vgt.s32 v30, $0xFFFFFFFF;
	v20 =	vsel vm2, $0x0, v31;
	[tilespmem:v11+s2+$0x0] =	vst.idx.msk $0xffff, v17;
	v11 =	vmovc v28  }
0x29b: {  	vm2 =	vgt.s32 v12, $0xFFFFFFFF;
	v18 =	vadd.s32 v4, v22;
	v22 =	vsel vm0, $0xFFFFFFFF, v6;
	v17 =	vld.idx.msk [tilespmem:v28+s8+$0x0], $0xffff;
	[tilespmem:v8+s2+$0x0] =	vst.idx.msk $0xffff, v20  }
0x29c: {  	vm1 =	vlt.u32 v12, v7;
	v20 =	vxor.u32 v30, v22;
	v8 =	vmov v27;
	[tilespmem:v26+s2+$0x0] =	vst.idx.msk $0xffff, v21  }
0x29d: {  	_ =	sdelay $0x3  }
0x29e: {  	v21 =	vld.idx.msk [tilespmem:v18+s8+$0x0], $0xffff;
	_ =	sdelay $0x1  }
0x29f: {  	v22 =	vsel vm2, $0xFFFFFFFF, v6;
	v20 =	vsel vm3, $0x0, v20  }
0x2a0: {  	vm0 =	vlt.u32 v15, v7;
	vm2 =	vgt.s32 v13, $0xFFFFFFFF;
	v12 =	vxor.u32 v12, v22  }
0x2a1: {  	v12 =	vsel vm1, $0x0, v12;
	vm4 =	vgt.s32 v17, $0xFFFFFFFF;
	vm5 =	vlt.u32 v17, v7  }
0x2a2: {  	[tilespmem:v14+s2+$0x0] =	vst.idx.msk $0xffff, v19;
	v59 =	vsel vm4, $0xFFFFFFFF, v6;
	vm3 =	vgt.s32 v21, $0xFFFFFFFF;
	vm6 =	vlt.u32 v21, v7  }
0x2a3: {  	[tilespmem:v16+s2+$0x0] =	vst.idx.msk $0xffff, v20;
	v62 =	vxor.u32 v17, v59;
	v23 =	vsel vm3, $0xFFFFFFFF, v6;
	vm3 =	vgt.s32 v15, $0xFFFFFFFF  }
0x2a4: {  	[tilespmem:v9+s2+$0x0] =	vst.idx.msk $0xffff, v12;
	v9 =	vsel vm5, $0x0, v62;
	v57 =	vxor.u32 v21, v23;
	v58 =	vsel vm3, $0xFFFFFFFF, v6  }
0x2a5: {  	v61 =	vsel vm2, $0xFFFFFFFF, v6;
	[tilespmem:v11+s2+$0x0] =	vst.idx.msk $0xffff, v9;
	v14 =	vsel vm6, $0x0, v57;
	v60 =	vxor.u32 v15, v58  }
0x2a6: {  	s11 =	sadd.s32 $0x1, s11;
	[tilespmem:v18+s2+$0x0] =	vst.idx.msk $0xffff, v14;
	v63 =	vsel vm0, $0x0, v60;
	vm0 =	vlt.u32 v13, v7;
	v7 =	vxor.u32 v13, v61  }
0x2a7: {  	p0 =	sne.s32 s11, $0x10;
	[tilespmem:v10+s2+$0x0] =	vst.idx.msk $0xffff, v63;
	v7 =	vsel vm0, $0x0, v7  }
.Ltmp13:
0x2a8: {  	s12 =	sadd.s32 s1, s12;
	[tilespmem:v8+s2+$0x0] =	vst.idx.msk $0xffff, v7;
	(pc) =	sbr.rel @p0 .LBB2_2-.Ltmp13, $4  }
0x2a9: {  	[hbm4b:s12+s2] =	stream.linear.scatter [tilespmem:s2], [sflag:$0x1], $0x8000, $0x38;
	[tilespmem:$0x11000] =	vst v63  }
0x2aa: {  	_ =	swait.ge [sflag:s7], $0x8000  }
0x2ab: {  	[sflag:s7] =	ssyncset.done $0x0  }
0x2ac: {  	vm0 =	vmxor vm0, vm0;
	[sflag:s7] =	ssyncadd.s32 $0xFFFF8000  }
0x2ad: {  	s10 =	sadd.s32 $0x1, s10  }
0x2ae: {  	p0 =	sne.s32 s10, s6  }
.Ltmp14:
0x2af: {  	_ = 	snop;
	(pc) =	sbr.rel @p0 .LBB2_1-.Ltmp14, $1  }
0x2b0: {  	_ =	sdelay $0x3  }
0x2b1: {  	_ =	sfence.sel $0x180000  }
0x2b2: {  	[bflag:$0x0] =	sbarrier.arrive $0xFFFF  }
0x2b3: {  	p0 =	sne.s32 s3, $0x0;
	_ =	strace $0x90000047  }
0x2b4: {  	s0 =	sadd.s32 @!p0 $0x100000, s0;
	[bflag:$0x2] =	sbarrier.arrive $0xFFFF  }
0x2b5: {  	[sflag:s0] =	ssyncadd.tile.s32 @!p0 $0x1;
	_ =	shalt  }
.Lfunc_end2:
_tile_overlayer_lowered:
.L_overlay_start_2:
0x2b6: {  	(tag) =	ssettag $0x2  }
0x2b7: {  	s0 =	rddreg [dreg:$0x0];
	s2 =	stileid.u32  }
0x2b8: {  	s1 =	rddreg [dreg:$0x1];
	p0 =	sne.s32 s2, $0x0  }
0x2b9: {  	s3 =	rddreg [dreg:$0x2];
	[bflag:$0x3] =	sbarrier.arrive $0xFFFF;
	s2 =	simm.s32 @!p0 $0x1C01  }
0x2ba: {  	[timem:s3], [sflag:s2] =	dma.local @!p0 [hbm:s0], s1  }
0x2bb: {  	s0 =	simm.s32 @!p0 $0x1  }
0x2bc: {  	_ =	swait.ge @!p0 [sflag:s0], s1  }
0x2bd: {  	s1 =	ssub.s32 @!p0 $0x0, s1;
	[sflag:s0] =	ssyncset.done @!p0 $0x0  }
0x2be: {  	[sflag:s0] =	ssyncadd.s32 @!p0 s1  }
0x2bf: {  	[bflag:$0x3] =	sbarrier.arrive $0xFFFF  }
0x2c0: {  	_ =	shalt  }

</sc_bundles>
